<compile_context>
chip_gen: v7x
topology: tpu7x:2x2x1
jax: 0.10.2.dev20260603
libtpu: 0.0.44.dev20260713+nightly
codegen_flags: <defaults>
</compile_context>

<pallas_src>
import functools

import jax
import jax.numpy as jnp
from jax import lax
from jax.experimental import pallas as pl
from jax.experimental.pallas import tpu as pltpu
from jax.experimental.pallas import tpu_sc as plsc

B, N, S = 16, 4096, 512
K_SMALL, K_BIG = 16, 32
BN_EPS = 1e-5
S_TILE = 256
GRID = (B * S) // S_TILE



def _fps_body(x0_ref, x1_ref, x2_ref, c0_ref, c1_ref, c2_ref, dmin_ref):
    x0 = x0_ref[...]
    x1 = x1_ref[...]
    x2 = x2_ref[...]
    iota_n = lax.broadcasted_iota(jnp.int32, (B, N), 1)
    iota_s = lax.broadcasted_iota(jnp.int32, (B, S), 1)
    dmin_ref[...] = jnp.full((B, N), 1e10, jnp.float32)

    def body(i, far):
        mask = iota_n == far
        c0 = jnp.sum(jnp.where(mask, x0, 0.0), axis=1, keepdims=True)
        c1 = jnp.sum(jnp.where(mask, x1, 0.0), axis=1, keepdims=True)
        c2 = jnp.sum(jnp.where(mask, x2, 0.0), axis=1, keepdims=True)
        sel = iota_s == i
        c0_ref[...] = jnp.where(sel, c0, c0_ref[...])
        c1_ref[...] = jnp.where(sel, c1, c1_ref[...])
        c2_ref[...] = jnp.where(sel, c2, c2_ref[...])
        d = (x0 - c0) ** 2 + (x1 - c1) ** 2 + (x2 - c2) ** 2
        dm = jnp.minimum(dmin_ref[...], d)
        dmin_ref[...] = dm
        m = jnp.max(dm, axis=1, keepdims=True)
        far_new = jnp.min(jnp.where(dm == m, iota_n, N), axis=1, keepdims=True)
        return far_new.astype(jnp.int32)

    lax.fori_loop(0, S, body, jnp.zeros((B, 1), jnp.int32))


def _fps(x0, x1, x2):
    out = [jax.ShapeDtypeStruct((B, S), jnp.float32)] * 3
    return pl.pallas_call(
        _fps_body,
        out_shape=out,
        scratch_shapes=[pltpu.VMEM((B, N), jnp.float32)],
    )(x0, x1, x2)



def _topk_body(c_ref, x_ref, idx_ref, d_ref):
    c = c_ref[...].reshape(S, 3)
    xm = x_ref[...].reshape(N, 3)
    dot = lax.dot_general(c, xm, (((1,), (1,)), ((), ())),
                          preferred_element_type=jnp.float32)
    cn = jnp.sum(c * c, axis=1, keepdims=True)
    xn = jnp.sum(xm * xm, axis=1, keepdims=True).reshape(1, N)
    d_ref[...] = cn + xn - 2.0 * dot
    iota_n = lax.broadcasted_iota(jnp.int32, (S, N), 1)
    iota_k = lax.broadcasted_iota(jnp.int32, (S, K_BIG), 1)

    def body(k, acc):
        d = d_ref[...]
        m = jnp.min(d, axis=1, keepdims=True)
        idx = jnp.min(jnp.where(d == m, iota_n, N), axis=1, keepdims=True)
        acc = jnp.where(iota_k == k, idx, acc)
        d_ref[...] = jnp.where(iota_n == idx, jnp.inf, d)
        return acc

    acc = lax.fori_loop(0, K_BIG, body,
                        jnp.zeros((S, K_BIG), jnp.int32))
    idx_ref[...] = acc.reshape(1, S, K_BIG)


def _topk(cmat, x):
    return pl.pallas_call(
        _topk_body,
        grid=(B,),
        in_specs=[pl.BlockSpec((1, S, 3), lambda b: (b, 0, 0)),
                  pl.BlockSpec((1, N, 3), lambda b: (b, 0, 0))],
        out_specs=pl.BlockSpec((1, S, K_BIG), lambda b: (b, 0, 0)),
        out_shape=jax.ShapeDtypeStruct((B, S, K_BIG), jnp.int32),
        scratch_shapes=[pltpu.VMEM((S, N), jnp.float32)],
    )(cmat, x)



_SC_BCHUNK = 8
_SC_TPB = 32 // _SC_BCHUNK
_SC_SLOT = S // _SC_TPB


def _sc_gather_body(x0_hbm, x1_hbm, x2_hbm, idx_hbm,
                    g0_hbm, g1_hbm, g2_hbm,
                    xv0, xv1, xv2, idxv, ov0, ov1, ov2):
    nc = 2
    wid = lax.axis_index("s") * nc + lax.axis_index("c")
    b = wid // _SC_TPB
    part = wid % _SC_TPB
    s0 = part * _SC_SLOT
    pltpu.sync_copy(x0_hbm.at[b], xv0)
    pltpu.sync_copy(x1_hbm.at[b], xv1)
    pltpu.sync_copy(x2_hbm.at[b], xv2)
    pltpu.sync_copy(idx_hbm.at[b, pl.ds(s0, _SC_SLOT)], idxv)

    def body(j, carry):
        for h in range(K_BIG // 16):
            iv = idxv[j, pl.ds(h * 16, 16)]
            ov0[j, pl.ds(h * 16, 16)] = plsc.load_gather(xv0, [iv])
            ov1[j, pl.ds(h * 16, 16)] = plsc.load_gather(xv1, [iv])
            ov2[j, pl.ds(h * 16, 16)] = plsc.load_gather(xv2, [iv])
        return carry

    lax.fori_loop(0, _SC_SLOT, body, 0)
    pltpu.sync_copy(ov0, g0_hbm.at[b, pl.ds(s0, _SC_SLOT)])
    pltpu.sync_copy(ov1, g1_hbm.at[b, pl.ds(s0, _SC_SLOT)])
    pltpu.sync_copy(ov2, g2_hbm.at[b, pl.ds(s0, _SC_SLOT)])


def _sc_gather(x0, x1, x2, idx):
    mesh = plsc.VectorSubcoreMesh(core_axis_name="c", subcore_axis_name="s")
    out = [jax.ShapeDtypeStruct((_SC_BCHUNK, S, K_BIG), jnp.float32)] * 3
    f = pl.kernel(
        _sc_gather_body,
        mesh=mesh,
        out_type=out,
        compiler_params=pltpu.CompilerParams(needs_layout_passes=False),
        scratch_types=[
            pltpu.VMEM((N,), jnp.float32),
            pltpu.VMEM((N,), jnp.float32),
            pltpu.VMEM((N,), jnp.float32),
            pltpu.VMEM((_SC_SLOT, K_BIG), jnp.int32),
            pltpu.VMEM((_SC_SLOT, K_BIG), jnp.float32),
            pltpu.VMEM((_SC_SLOT, K_BIG), jnp.float32),
            pltpu.VMEM((_SC_SLOT, K_BIG), jnp.float32),
        ],
    )
    parts = [f(x0[c:c + _SC_BCHUNK], x1[c:c + _SC_BCHUNK],
               x2[c:c + _SC_BCHUNK], idx[c:c + _SC_BCHUNK])
             for c in range(0, B, _SC_BCHUNK)]
    return tuple(jnp.concatenate([p[i] for p in parts], axis=0)
                 for i in range(3))



def _acc_out(ref, val):
    @pl.when(pl.program_id(0) == 0)
    def _():
        ref[...] = val

    @pl.when(pl.program_id(0) != 0)
    def _():
        ref[...] = ref[...] + val


def _nt_dot(g, w):
    return lax.dot_general(g, w, (((1,), (1,)), ((), ())),
                           preferred_element_type=jnp.float32)


def _g0_flat(k, gm_ref, c_ref):
    g = gm_ref[...] - c_ref[...][:, None, :]
    return g.reshape(S_TILE * k, 3)


def _layer(g, w_ref, b_ref, sc_ref, off_ref):
    z = _nt_dot(g, w_ref[...]) + b_ref[...]
    return jnp.maximum(z * sc_ref[...] + off_ref[...], 0.0)


def _zstat(z, s_ref, q_ref):
    _acc_out(s_ref, jnp.sum(z, axis=0, keepdims=True))
    _acc_out(q_ref, jnp.sum(z * z, axis=0, keepdims=True))


def _zstat1_body(k, gm_ref, c_ref, w0, b0r, s_ref, q_ref):
    z1 = _nt_dot(_g0_flat(k, gm_ref, c_ref), w0[...]) + b0r[...]
    _zstat(z1, s_ref, q_ref)


def _zstat2_body(k, gm_ref, c_ref, w0, b0r, sc1, of1, w1, b1r,
                 s_ref, q_ref):
    g1 = _layer(_g0_flat(k, gm_ref, c_ref), w0, b0r, sc1, of1)
    z2 = _nt_dot(g1, w1[...]) + b1r[...]
    _zstat(z2, s_ref, q_ref)


def _zstat3_body(k, gm_ref, c_ref, w0, b0r, sc1, of1, w1, b1r, sc2, of2,
                 w2, b2r, s_ref, q_ref):
    g1 = _layer(_g0_flat(k, gm_ref, c_ref), w0, b0r, sc1, of1)
    g2 = _layer(g1, w1, b1r, sc2, of2)
    z3 = _nt_dot(g2, w2[...]) + b2r[...]
    _zstat(z3, s_ref, q_ref)


def _layer3_body(k, gm_ref, c_ref, w0, b0r, sc1, of1, w1, b1r, sc2, of2,
                 w2, b2r, sc3, of3, wr, brr,
                 p_ref, h_ref, hs_ref, hq_ref):
    g1 = _layer(_g0_flat(k, gm_ref, c_ref), w0, b0r, sc1, of1)
    g2 = _layer(g1, w1, b1r, sc2, of2)
    g3 = _layer(g2, w2, b2r, sc3, of3)
    patches = jnp.max(g3.reshape(S_TILE, k, 128), axis=1)
    h = _nt_dot(patches, wr[...]) + brr[...]
    p_ref[...] = patches
    h_ref[...] = h
    _acc_out(hs_ref, jnp.sum(h, axis=0, keepdims=True))
    _acc_out(hq_ref, jnp.sum(h * h, axis=0, keepdims=True))


def _final_body(p_ref, h_ref, sc_ref, off_ref, out_ref):
    out_ref[...] = jnp.maximum(
        h_ref[...] * sc_ref[...] + off_ref[...] + p_ref[...], 0.0)


def _tile_specs(k):
    gspec = pl.BlockSpec((S_TILE, k, 3), lambda i: (i, 0, 0))
    cspec = pl.BlockSpec((S_TILE, 3), lambda i: (i, 0))
    return [gspec, cspec]


def _full(shape):
    return pl.BlockSpec(shape, lambda i: tuple(0 for _ in shape))


def _affine_specs(cout, cin):
    return [_full((cout, cin)), _full((1, cout)),
            _full((1, cout)), _full((1, cout))]


def _stat_out(c):
    return dict(
        out_specs=[_full((1, c)), _full((1, c))],
        out_shape=[jax.ShapeDtypeStruct((1, c), jnp.float32),
                   jax.ShapeDtypeStruct((1, c), jnp.float32)],
    )


def _zstat1(k, gm, crows, w0, b0r):
    f = pl.pallas_call(
        functools.partial(_zstat1_body, k),
        grid=(GRID,),
        in_specs=_tile_specs(k) + [_full((32, 3)), _full((1, 32))],
        **_stat_out(32),
    )
    return f(gm, crows, w0, b0r)


def _zstat2(k, gm, crows, l1, w1, b1r):
    f = pl.pallas_call(
        functools.partial(_zstat2_body, k),
        grid=(GRID,),
        in_specs=_tile_specs(k) + _affine_specs(32, 3)
        + [_full((64, 32)), _full((1, 64))],
        **_stat_out(64),
    )
    return f(gm, crows, *l1, w1, b1r)


def _zstat3(k, gm, crows, l1, l2, w2, b2r):
    f = pl.pallas_call(
        functools.partial(_zstat3_body, k),
        grid=(GRID,),
        in_specs=_tile_specs(k) + _affine_specs(32, 3) + _affine_specs(64, 32)
        + [_full((128, 64)), _full((1, 128))],
        **_stat_out(128),
    )
    return f(gm, crows, *l1, *l2, w2, b2r)


def _layer3(k, gm, crows, l1, l2, l3, wr, brr):
    f = pl.pallas_call(
        functools.partial(_layer3_body, k),
        grid=(GRID,),
        in_specs=_tile_specs(k) + _affine_specs(32, 3)
        + _affine_specs(64, 32) + _affine_specs(128, 64)
        + [_full((128, 128)), _full((1, 128))],
        out_specs=[pl.BlockSpec((S_TILE, 128), lambda i: (i, 0)),
                   pl.BlockSpec((S_TILE, 128), lambda i: (i, 0)),
                   _full((1, 128)), _full((1, 128))],
        out_shape=[jax.ShapeDtypeStruct((B * S, 128), jnp.float32),
                   jax.ShapeDtypeStruct((B * S, 128), jnp.float32),
                   jax.ShapeDtypeStruct((1, 128), jnp.float32),
                   jax.ShapeDtypeStruct((1, 128), jnp.float32)],
    )
    return f(gm, crows, *l1, *l2, *l3, wr, brr)


def _final(p, h, scale, off):
    f = pl.pallas_call(
        _final_body,
        grid=(GRID,),
        in_specs=[pl.BlockSpec((S_TILE, 128), lambda i: (i, 0)),
                  pl.BlockSpec((S_TILE, 128), lambda i: (i, 0)),
                  _full((1, 128)), _full((1, 128))],
        out_specs=pl.BlockSpec((S_TILE, 128), lambda i: (i, 0)),
        out_shape=jax.ShapeDtypeStruct((B * S, 128), jnp.float32),
    )
    return f(p, h, scale, off)



def _fold(gamma, beta, s, q, n):
    mu = s / n
    var = q / n - mu * mu
    scale = gamma / jnp.sqrt(var + BN_EPS)
    off = beta - mu * scale
    return scale.reshape(1, -1), off.reshape(1, -1)


def _branch(k, gm, crows, w0, b0, gam0, be0, w1, b1, gam1, be1,
            w2, b2, gam2, be2, wr, br, gr, ber):
    n = float(B * S * k)
    b0r = b0.reshape(1, -1)
    b1r = b1.reshape(1, -1)
    b2r = b2.reshape(1, -1)
    s1, q1 = _zstat1(k, gm, crows, w0, b0r)
    sc1, of1 = _fold(gam0, be0, s1[0], q1[0], n)
    l1 = (w0, b0r, sc1, of1)
    s2, q2 = _zstat2(k, gm, crows, l1, w1, b1r)
    sc2, of2 = _fold(gam1, be1, s2[0], q2[0], n)
    l2 = (w1, b1r, sc2, of2)
    s3, q3 = _zstat3(k, gm, crows, l1, l2, w2, b2r)
    sc3, of3 = _fold(gam2, be2, s3[0], q3[0], n)
    l3 = (w2, b2r, sc3, of3)
    patches, h, hs, hq = _layer3(k, gm, crows, l1, l2, l3,
                                 wr, br.reshape(1, -1))
    ns = float(B * S)
    mu = hs[0] / ns
    var = hq[0] / ns - mu * mu
    scale = gr / jnp.sqrt(var + BN_EPS)
    off = ber - mu * scale
    out = _final(patches, h, scale.reshape(1, -1), off.reshape(1, -1))
    return out.reshape(B, S, 128)


def kernel(x, w0, b0, g0, be0, w1, b1, g1, be1, w2, b2, g2, be2,
           wr, br, gr, ber):
    xt = jnp.transpose(x, (2, 0, 1))
    x0, x1, x2 = xt[0], xt[1], xt[2]
    c0, c1, c2 = _fps(x0, x1, x2)
    cmat = jnp.stack([c0, c1, c2], axis=-1)
    idx = _topk(cmat, x)
    gx, gy, gz = _sc_gather(x0, x1, x2, idx)

    gmat = jnp.stack([gx, gy, gz], axis=-1).reshape(B * S, K_BIG, 3)
    crows = cmat.reshape(B * S, 3)

    outs = [cmat]
    for k in (K_SMALL, K_BIG):
        outs.append(_branch(k, gmat[:, :k, :], crows,
                            w0, b0, g0, be0, w1, b1, g1, be1,
                            w2, b2, g2, be2, wr, br, gr, ber))
    return jnp.concatenate(outs, axis=-1)

# --- scband reference (transcript-rebuilt; emitter-appended) ---
"""Pipeline reference for scband-patch-abstraction-msg-15857019257415 (READ-ONLY COPY).

The authoritative reference and input builder live on the scoring server;
editing this copy changes nothing except your own understanding.
"""

import jax, jax.numpy as jnp
import numpy as np

NUM_PATCHES = 512
PATCH_SIZES = (16, 32)
MLP = (32, 64, 128)


def square_distance(src, dst):
    # src: [B,S,3], dst: [B,N,3] -> [B,S,N]
    return (jnp.sum(src * src, axis=-1, keepdims=True)
            + jnp.sum(dst * dst, axis=-1)[:, None, :]
            - 2.0 * jnp.einsum('bsc,bnc->bsn', src, dst))


def index_points(points, idx):
    # points: [B,N,C], idx: [B,...] int -> [B,...,C]
    return jax.vmap(lambda p, i: p[i])(points, idx)


def farthest_point_sample(xyz, npoint):
    B, N, _ = xyz.shape

    def body(i, state):
        dist_min, farthest, idxs = state
        idxs = idxs.at[:, i].set(farthest)
        centroid = xyz[jnp.arange(B), farthest][:, None, :]  # [B,1,3]
        d = jnp.sum((xyz - centroid) ** 2, axis=-1)  # [B,N]
        dist_min = jnp.minimum(dist_min, d)
        farthest = jnp.argmax(dist_min, axis=-1).astype(jnp.int32)
        return (dist_min, farthest, idxs)

    state = (jnp.full((B, N), 1e10, jnp.float32),
             jnp.zeros((B,), jnp.int32),
             jnp.zeros((B, npoint), jnp.int32))
    _, _, idxs = jax.lax.fori_loop(0, npoint, body, state)
    return idxs


def batchnorm(x, gamma, beta, axes):
    # training-mode batch norm over the given axes; channel is last dim
    mean = jnp.mean(x, axis=axes, keepdims=True)
    var = jnp.var(x, axis=axes, keepdims=True)
    return gamma * (x - mean) / jnp.sqrt(var + 1e-5) + beta


def forward(x, w0, b0, g0, be0, w1, b1, g1, be1, w2, b2, g2, be2, wr, br, gr, ber):
    ws = (w0, w1, w2)
    bs = (b0, b1, b2)
    gs = (g0, g1, g2)
    bes = (be0, be1, be2)
    # indices are non-differentiable, match torch semantics
    fps_idx = farthest_point_sample(jax.lax.stop_gradient(x), NUM_PATCHES)
    centroid = index_points(x, fps_idx)  # [B,S,3]
    dists = square_distance(jax.lax.stop_gradient(centroid), jax.lax.stop_gradient(x))  # [B,S,N]
    order = jnp.argsort(dists, axis=-1)
    outs = [centroid]
    for k in PATCH_SIZES:
        idx = order[:, :, :k]  # [B,S,k]
        grouped = index_points(x, idx)  # [B,S,k,3]
        g = grouped - centroid[:, :, None, :]
        for li in range(len(MLP)):
            g = jnp.einsum('bski,oi->bsko', g, ws[li]) + bs[li]
            g = jax.nn.relu(batchnorm(g, gs[li], bes[li], (0, 1, 2)))
        patches = jnp.max(g, axis=2)  # [B,S,C]
        # ResMLPBlock1D: conv1d(1x1) + BN + residual + relu
        h = jnp.einsum('bsc,oc->bso', patches, wr) + br
        h = batchnorm(h, gr, ber, (0, 1))
        patches = jax.nn.relu(h + patches)
        outs.append(patches)
    return jnp.concatenate(outs, axis=-1)  # [B,S,3+2*128]


def setup_inputs(seed: int = 0):
    key = jax.random.key(seed)
    ks = jax.random.split(key, 8)
    inp = {"x": jax.random.normal(ks[0], (16, 4096, 3), jnp.float32)}
    last = 3
    for li, oc in enumerate(MLP):
        inp["w%d" % li] = jax.random.normal(ks[1 + li], (oc, last), jnp.float32) / np.sqrt(last)
        inp["b%d" % li] = jnp.zeros((oc,), jnp.float32)
        inp["g%d" % li] = jnp.ones((oc,), jnp.float32)
        inp["be%d" % li] = jnp.zeros((oc,), jnp.float32)
        last = oc
    inp["wr"] = jax.random.normal(ks[5], (MLP[-1], MLP[-1]), jnp.float32) / np.sqrt(MLP[-1])
    inp["br"] = jnp.zeros((MLP[-1],), jnp.float32)
    inp["gr"] = jnp.ones((MLP[-1],), jnp.float32)
    inp["ber"] = jnp.zeros((MLP[-1],), jnp.float32)
    return inp


def reference(x, w0, b0, g0, be0, w1, b1, g1, be1, w2, b2, g2, be2, wr, br, gr, ber):
    return forward(x, w0, b0, g0, be0, w1, b1, g1, be1, w2, b2, g2, be2, wr, br, gr, ber)

if __name__ == "__main__":
    import jax
    _d = setup_inputs()
    print(jax.jit(kernel)(*tuple(_d.values())))

</pallas_src>

<mosaic_0001>
#map = affine_map<(d0, d1) -> (0, 0)>
#map1 = affine_map<(d0, d1) -> (0, 0, 0)>
module attributes {stable_mosaic.version = 14 : i64} {
  func.func @_sc_gather_body(%arg0: i32, %arg1: i32, %arg2: memref<8x4096xf32, #tpu.memory_space<hbm>>, %arg3: memref<8x4096xf32, #tpu.memory_space<hbm>>, %arg4: memref<8x4096xf32, #tpu.memory_space<hbm>>, %arg5: memref<8x512x32xi32, #tpu.memory_space<hbm>>, %arg6: memref<8x512x32xf32, #tpu.memory_space<hbm>>, %arg7: memref<8x512x32xf32, #tpu.memory_space<hbm>>, %arg8: memref<8x512x32xf32, #tpu.memory_space<hbm>>, %arg9: memref<4096xf32, #tpu.memory_space<vmem>>, %arg10: memref<4096xf32, #tpu.memory_space<vmem>>, %arg11: memref<4096xf32, #tpu.memory_space<vmem>>, %arg12: memref<128x32xi32, #tpu.memory_space<vmem>>, %arg13: memref<128x32xf32, #tpu.memory_space<vmem>>, %arg14: memref<128x32xf32, #tpu.memory_space<vmem>>, %arg15: memref<128x32xf32, #tpu.memory_space<vmem>>) attributes {dimension_semantics = [#tpu.dimension_semantics<core_parallel>, #tpu.dimension_semantics<subcore_parallel>], iteration_bounds = array<i64: 2, 16>, scalar_prefetch = 0 : i64, scratch_operands = 7 : i64, tpu.core_type = #tpu.core_type<sc_vector_subcore>, window_params = [{transform_indices = #map}, {transform_indices = #map}, {transform_indices = #map}, {transform_indices = #map1}, {transform_indices = #map1}, {transform_indices = #map1}, {transform_indices = #map1}]} {
    %mul3A = arith.constant 2 : i32
    %mul3A_0 = arith.muli %arg1, %mul3A : i32
    %add3A = arith.addi %mul3A_0, %arg0 : i32
    %jit3A = arith.constant 4 : i32
    %div3A = arith.divsi %add3A, %jit3A : i32
    %sign3A = arith.constant 0 : i32
    %sign3A_1 = arith.cmpi sgt, %add3A, %sign3A : i32
    %sign3A_2 = arith.extui %sign3A_1 : i1 to i32
    %sign3A_3 = arith.constant 0 : i32
    %sign3A_4 = arith.cmpi slt, %add3A, %sign3A_3 : i32
    %sign3A_5 = arith.extui %sign3A_4 : i1 to i32
    %sign3A_6 = arith.subi %sign3A_2, %sign3A_5 : i32
    %sign3A_7 = arith.constant 0 : i32
    %sign3A_8 = arith.cmpi sgt, %jit3A, %sign3A_7 : i32
    %sign3A_9 = arith.extui %sign3A_8 : i1 to i32
    %sign3A_10 = arith.constant 0 : i32
    %sign3A_11 = arith.cmpi slt, %jit3A, %sign3A_10 : i32
    %sign3A_12 = arith.extui %sign3A_11 : i1 to i32
    %sign3A_13 = arith.subi %sign3A_9, %sign3A_12 : i32
    %ne3A = arith.cmpi ne, %sign3A_6, %sign3A_13 : i32
    %rem3A = arith.remsi %add3A, %jit3A : i32
    %ne3A_14 = arith.constant 0 : i32
    %ne3A_15 = arith.cmpi ne, %rem3A, %ne3A_14 : i32
    %and3A = arith.andi %ne3A, %ne3A_15 : i1
    %sub3A = arith.constant 1 : i32
    %sub3A_16 = arith.subi %div3A, %sub3A : i32
    %select_n3A = arith.select %and3A, %sub3A_16, %div3A : i32
    %jit3A_17 = arith.constant 4 : i32
    %eq3A = arith.constant 0 : i32
    %eq3A_18 = arith.cmpi eq, %jit3A_17, %eq3A : i32
    %jit3A_19 = arith.constant 1 : i32
    %select_n3A_20 = arith.select %eq3A_18, %jit3A_19, %jit3A_17 : i32
    %rem3A_21 = arith.remsi %add3A, %select_n3A_20 : i32
    %ne3A_22 = arith.constant 0 : i32
    %ne3A_23 = arith.cmpi ne, %rem3A_21, %ne3A_22 : i32
    %lt3A = arith.constant 0 : i32
    %lt3A_24 = arith.cmpi slt, %rem3A_21, %lt3A : i32
    %lt3A_25 = arith.constant 0 : i32
    %lt3A_26 = arith.cmpi slt, %select_n3A_20, %lt3A_25 : i32
    %ne3A_27 = arith.xori %lt3A_24, %lt3A_26 : i1
    %and3A_28 = arith.andi %ne3A_27, %ne3A_23 : i1
    %add3A_29 = arith.addi %rem3A_21, %select_n3A_20 : i32
    %select_n3A_30 = arith.select %and3A_28, %add3A_29, %rem3A_21 : i32
    %mul3A_31 = arith.constant 128 : i32
    %mul3A_32 = arith.muli %select_n3A_30, %mul3A_31 : i32
    "tpu.region"() ({
      %run_scoped3A = tpu.sem_alloc : memref<!tpu.dma_semaphore, #tpu.memory_space<semaphore_mem>>
      %dma_start3A = arith.constant 0 : i32
      %dma_start3A_38 = tpu.memref_slice %arg2[%select_n3A, %dma_start3A] : memref<8x4096xf32, #tpu.memory_space<hbm>> -> memref<1x4096xf32, #tpu.memory_space<hbm>>
      %dma_start3A_39 = tpu.memref_squeeze %dma_start3A_38 : memref<1x4096xf32, #tpu.memory_space<hbm>> -> memref<4096xf32, #tpu.memory_space<hbm>>
      %dma_start3A_40 = arith.constant 0 : i32
      %dma_start3A_41 = tpu.memref_slice %arg2[%select_n3A, %dma_start3A_40] : memref<8x4096xf32, #tpu.memory_space<hbm>> -> memref<1x4096xf32, #tpu.memory_space<hbm>>
      %dma_start3A_42 = tpu.memref_squeeze %dma_start3A_41 : memref<1x4096xf32, #tpu.memory_space<hbm>> -> memref<4096xf32, #tpu.memory_space<hbm>>
      tpu.enqueue_dma source(%dma_start3A_42 : memref<4096xf32, #tpu.memory_space<hbm>>) target(%arg9 : memref<4096xf32, #tpu.memory_space<vmem>>) target_semaphore(%run_scoped3A : memref<!tpu.dma_semaphore, #tpu.memory_space<semaphore_mem>>)
      %dma_wait3A = arith.constant 0 : i32
      %dma_wait3A_43 = tpu.memref_slice %arg2[%select_n3A, %dma_wait3A] : memref<8x4096xf32, #tpu.memory_space<hbm>> -> memref<1x4096xf32, #tpu.memory_space<hbm>>
      %dma_wait3A_44 = tpu.memref_squeeze %dma_wait3A_43 : memref<1x4096xf32, #tpu.memory_space<hbm>> -> memref<4096xf32, #tpu.memory_space<hbm>>
      %dma_wait3A_45 = arith.constant 0 : i32
      %dma_wait3A_46 = tpu.memref_slice %arg2[%select_n3A, %dma_wait3A_45] : memref<8x4096xf32, #tpu.memory_space<hbm>> -> memref<1x4096xf32, #tpu.memory_space<hbm>>
      %dma_wait3A_47 = tpu.memref_squeeze %dma_wait3A_46 : memref<1x4096xf32, #tpu.memory_space<hbm>> -> memref<4096xf32, #tpu.memory_space<hbm>>
      tpu.wait_dma2 semaphore(%run_scoped3A : memref<!tpu.dma_semaphore, #tpu.memory_space<semaphore_mem>>) src(%dma_wait3A_47 : memref<4096xf32, #tpu.memory_space<hbm>>) dst(%arg9 : memref<4096xf32, #tpu.memory_space<vmem>>)
      tpu.yield
    }) : () -> ()
    "tpu.region"() ({
      %run_scoped3A = tpu.sem_alloc : memref<!tpu.dma_semaphore, #tpu.memory_space<semaphore_mem>>
      %dma_start3A = arith.constant 0 : i32
      %dma_start3A_38 = tpu.memref_slice %arg3[%select_n3A, %dma_start3A] : memref<8x4096xf32, #tpu.memory_space<hbm>> -> memref<1x4096xf32, #tpu.memory_space<hbm>>
      %dma_start3A_39 = tpu.memref_squeeze %dma_start3A_38 : memref<1x4096xf32, #tpu.memory_space<hbm>> -> memref<4096xf32, #tpu.memory_space<hbm>>
      %dma_start3A_40 = arith.constant 0 : i32
      %dma_start3A_41 = tpu.memref_slice %arg3[%select_n3A, %dma_start3A_40] : memref<8x4096xf32, #tpu.memory_space<hbm>> -> memref<1x4096xf32, #tpu.memory_space<hbm>>
      %dma_start3A_42 = tpu.memref_squeeze %dma_start3A_41 : memref<1x4096xf32, #tpu.memory_space<hbm>> -> memref<4096xf32, #tpu.memory_space<hbm>>
      tpu.enqueue_dma source(%dma_start3A_42 : memref<4096xf32, #tpu.memory_space<hbm>>) target(%arg10 : memref<4096xf32, #tpu.memory_space<vmem>>) target_semaphore(%run_scoped3A : memref<!tpu.dma_semaphore, #tpu.memory_space<semaphore_mem>>)
      %dma_wait3A = arith.constant 0 : i32
      %dma_wait3A_43 = tpu.memref_slice %arg3[%select_n3A, %dma_wait3A] : memref<8x4096xf32, #tpu.memory_space<hbm>> -> memref<1x4096xf32, #tpu.memory_space<hbm>>
      %dma_wait3A_44 = tpu.memref_squeeze %dma_wait3A_43 : memref<1x4096xf32, #tpu.memory_space<hbm>> -> memref<4096xf32, #tpu.memory_space<hbm>>
      %dma_wait3A_45 = arith.constant 0 : i32
      %dma_wait3A_46 = tpu.memref_slice %arg3[%select_n3A, %dma_wait3A_45] : memref<8x4096xf32, #tpu.memory_space<hbm>> -> memref<1x4096xf32, #tpu.memory_space<hbm>>
      %dma_wait3A_47 = tpu.memref_squeeze %dma_wait3A_46 : memref<1x4096xf32, #tpu.memory_space<hbm>> -> memref<4096xf32, #tpu.memory_space<hbm>>
      tpu.wait_dma2 semaphore(%run_scoped3A : memref<!tpu.dma_semaphore, #tpu.memory_space<semaphore_mem>>) src(%dma_wait3A_47 : memref<4096xf32, #tpu.memory_space<hbm>>) dst(%arg10 : memref<4096xf32, #tpu.memory_space<vmem>>)
      tpu.yield
    }) : () -> ()
    "tpu.region"() ({
      %run_scoped3A = tpu.sem_alloc : memref<!tpu.dma_semaphore, #tpu.memory_space<semaphore_mem>>
      %dma_start3A = arith.constant 0 : i32
      %dma_start3A_38 = tpu.memref_slice %arg4[%select_n3A, %dma_start3A] : memref<8x4096xf32, #tpu.memory_space<hbm>> -> memref<1x4096xf32, #tpu.memory_space<hbm>>
      %dma_start3A_39 = tpu.memref_squeeze %dma_start3A_38 : memref<1x4096xf32, #tpu.memory_space<hbm>> -> memref<4096xf32, #tpu.memory_space<hbm>>
      %dma_start3A_40 = arith.constant 0 : i32
      %dma_start3A_41 = tpu.memref_slice %arg4[%select_n3A, %dma_start3A_40] : memref<8x4096xf32, #tpu.memory_space<hbm>> -> memref<1x4096xf32, #tpu.memory_space<hbm>>
      %dma_start3A_42 = tpu.memref_squeeze %dma_start3A_41 : memref<1x4096xf32, #tpu.memory_space<hbm>> -> memref<4096xf32, #tpu.memory_space<hbm>>
      tpu.enqueue_dma source(%dma_start3A_42 : memref<4096xf32, #tpu.memory_space<hbm>>) target(%arg11 : memref<4096xf32, #tpu.memory_space<vmem>>) target_semaphore(%run_scoped3A : memref<!tpu.dma_semaphore, #tpu.memory_space<semaphore_mem>>)
      %dma_wait3A = arith.constant 0 : i32
      %dma_wait3A_43 = tpu.memref_slice %arg4[%select_n3A, %dma_wait3A] : memref<8x4096xf32, #tpu.memory_space<hbm>> -> memref<1x4096xf32, #tpu.memory_space<hbm>>
      %dma_wait3A_44 = tpu.memref_squeeze %dma_wait3A_43 : memref<1x4096xf32, #tpu.memory_space<hbm>> -> memref<4096xf32, #tpu.memory_space<hbm>>
      %dma_wait3A_45 = arith.constant 0 : i32
      %dma_wait3A_46 = tpu.memref_slice %arg4[%select_n3A, %dma_wait3A_45] : memref<8x4096xf32, #tpu.memory_space<hbm>> -> memref<1x4096xf32, #tpu.memory_space<hbm>>
      %dma_wait3A_47 = tpu.memref_squeeze %dma_wait3A_46 : memref<1x4096xf32, #tpu.memory_space<hbm>> -> memref<4096xf32, #tpu.memory_space<hbm>>
      tpu.wait_dma2 semaphore(%run_scoped3A : memref<!tpu.dma_semaphore, #tpu.memory_space<semaphore_mem>>) src(%dma_wait3A_47 : memref<4096xf32, #tpu.memory_space<hbm>>) dst(%arg11 : memref<4096xf32, #tpu.memory_space<vmem>>)
      tpu.yield
    }) : () -> ()
    "tpu.region"() ({
      %run_scoped3A = tpu.sem_alloc : memref<!tpu.dma_semaphore, #tpu.memory_space<semaphore_mem>>
      %dma_start3A = arith.constant 0 : i32
      %dma_start3A_38 = tpu.memref_slice %arg5[%select_n3A, %mul3A_32, %dma_start3A] : memref<8x512x32xi32, #tpu.memory_space<hbm>> -> memref<1x128x32xi32, #tpu.memory_space<hbm>>
      %dma_start3A_39 = tpu.memref_squeeze %dma_start3A_38 : memref<1x128x32xi32, #tpu.memory_space<hbm>> -> memref<128x32xi32, #tpu.memory_space<hbm>>
      %dma_start3A_40 = arith.constant 0 : i32
      %dma_start3A_41 = tpu.memref_slice %arg5[%select_n3A, %mul3A_32, %dma_start3A_40] : memref<8x512x32xi32, #tpu.memory_space<hbm>> -> memref<1x128x32xi32, #tpu.memory_space<hbm>>
      %dma_start3A_42 = tpu.memref_squeeze %dma_start3A_41 : memref<1x128x32xi32, #tpu.memory_space<hbm>> -> memref<128x32xi32, #tpu.memory_space<hbm>>
      tpu.enqueue_dma source(%dma_start3A_42 : memref<128x32xi32, #tpu.memory_space<hbm>>) target(%arg12 : memref<128x32xi32, #tpu.memory_space<vmem>>) target_semaphore(%run_scoped3A : memref<!tpu.dma_semaphore, #tpu.memory_space<semaphore_mem>>)
      %dma_wait3A = arith.constant 0 : i32
      %dma_wait3A_43 = tpu.memref_slice %arg5[%select_n3A, %mul3A_32, %dma_wait3A] : memref<8x512x32xi32, #tpu.memory_space<hbm>> -> memref<1x128x32xi32, #tpu.memory_space<hbm>>
      %dma_wait3A_44 = tpu.memref_squeeze %dma_wait3A_43 : memref<1x128x32xi32, #tpu.memory_space<hbm>> -> memref<128x32xi32, #tpu.memory_space<hbm>>
      %dma_wait3A_45 = arith.constant 0 : i32
      %dma_wait3A_46 = tpu.memref_slice %arg5[%select_n3A, %mul3A_32, %dma_wait3A_45] : memref<8x512x32xi32, #tpu.memory_space<hbm>> -> memref<1x128x32xi32, #tpu.memory_space<hbm>>
      %dma_wait3A_47 = tpu.memref_squeeze %dma_wait3A_46 : memref<1x128x32xi32, #tpu.memory_space<hbm>> -> memref<128x32xi32, #tpu.memory_space<hbm>>
      tpu.wait_dma2 semaphore(%run_scoped3A : memref<!tpu.dma_semaphore, #tpu.memory_space<semaphore_mem>>) src(%dma_wait3A_47 : memref<128x32xi32, #tpu.memory_space<hbm>>) dst(%arg12 : memref<128x32xi32, #tpu.memory_space<vmem>>)
      tpu.yield
    }) : () -> ()
    %scan3A = arith.constant 0 : i32
    %scan3A_33 = arith.constant 0 : i32
    %scan3A_34 = arith.constant 128 : i32
    %scan3A_35 = arith.addi %scan3A_33, %scan3A_34 : i32
    %scan3A_36 = arith.constant 1 : i32
    scf.for %scan3A_38 = %scan3A_33 to %scan3A_35 step %scan3A_36  : i32 {
      %get3A = arith.index_cast %scan3A_38 : i32 to index
      %get3A_39 = arith.constant 0 : index
      %get3A_40 = tpu.vector_load %arg12[%get3A, %get3A_39] {strides = array<i32>} : memref<128x32xi32, #tpu.memory_space<vmem>>, vector<16xi32>,
      %gather3A = tpu.vector_load_idx %arg9[%get3A_40] : memref<4096xf32, #tpu.memory_space<vmem>>[vector<16xi32>], vector<16xf32>,
      %swap3A = arith.index_cast %scan3A_38 : i32 to index
      %swap3A_41 = arith.constant 0 : index
      %swap3A_42 = tpu.vector_load %arg13[%swap3A, %swap3A_41] {strides = array<i32>} : memref<128x32xf32, #tpu.memory_space<vmem>>, vector<16xf32>,
      tpu.vector_store %arg13[%swap3A, %swap3A_41], %gather3A {strides = array<i32>} : memref<128x32xf32, #tpu.memory_space<vmem>>, vector<16xf32>,
      %gather3A_43 = tpu.vector_load_idx %arg10[%get3A_40] : memref<4096xf32, #tpu.memory_space<vmem>>[vector<16xi32>], vector<16xf32>,
      %swap3A_44 = arith.index_cast %scan3A_38 : i32 to index
      %swap3A_45 = arith.constant 0 : index
      %swap3A_46 = tpu.vector_load %arg14[%swap3A_44, %swap3A_45] {strides = array<i32>} : memref<128x32xf32, #tpu.memory_space<vmem>>, vector<16xf32>,
      tpu.vector_store %arg14[%swap3A_44, %swap3A_45], %gather3A_43 {strides = array<i32>} : memref<128x32xf32, #tpu.memory_space<vmem>>, vector<16xf32>,
      %gather3A_47 = tpu.vector_load_idx %arg11[%get3A_40] : memref<4096xf32, #tpu.memory_space<vmem>>[vector<16xi32>], vector<16xf32>,
      %swap3A_48 = arith.index_cast %scan3A_38 : i32 to index
      %swap3A_49 = arith.constant 0 : index
      %swap3A_50 = tpu.vector_load %arg15[%swap3A_48, %swap3A_49] {strides = array<i32>} : memref<128x32xf32, #tpu.memory_space<vmem>>, vector<16xf32>,
      tpu.vector_store %arg15[%swap3A_48, %swap3A_49], %gather3A_47 {strides = array<i32>} : memref<128x32xf32, #tpu.memory_space<vmem>>, vector<16xf32>,
      %get3A_51 = arith.index_cast %scan3A_38 : i32 to index
      %get3A_52 = arith.constant 16 : index
      %get3A_53 = tpu.vector_load %arg12[%get3A_51, %get3A_52] {strides = array<i32>} : memref<128x32xi32, #tpu.memory_space<vmem>>, vector<16xi32>,
      %gather3A_54 = tpu.vector_load_idx %arg9[%get3A_53] : memref<4096xf32, #tpu.memory_space<vmem>>[vector<16xi32>], vector<16xf32>,
      %swap3A_55 = arith.index_cast %scan3A_38 : i32 to index
      %swap3A_56 = arith.constant 16 : index
      %swap3A_57 = tpu.vector_load %arg13[%swap3A_55, %swap3A_56] {strides = array<i32>} : memref<128x32xf32, #tpu.memory_space<vmem>>, vector<16xf32>,
      tpu.vector_store %arg13[%swap3A_55, %swap3A_56], %gather3A_54 {strides = array<i32>} : memref<128x32xf32, #tpu.memory_space<vmem>>, vector<16xf32>,
      %gather3A_58 = tpu.vector_load_idx %arg10[%get3A_53] : memref<4096xf32, #tpu.memory_space<vmem>>[vector<16xi32>], vector<16xf32>,
      %swap3A_59 = arith.index_cast %scan3A_38 : i32 to index
      %swap3A_60 = arith.constant 16 : index
      %swap3A_61 = tpu.vector_load %arg14[%swap3A_59, %swap3A_60] {strides = array<i32>} : memref<128x32xf32, #tpu.memory_space<vmem>>, vector<16xf32>,
      tpu.vector_store %arg14[%swap3A_59, %swap3A_60], %gather3A_58 {strides = array<i32>} : memref<128x32xf32, #tpu.memory_space<vmem>>, vector<16xf32>,
      %gather3A_62 = tpu.vector_load_idx %arg11[%get3A_53] : memref<4096xf32, #tpu.memory_space<vmem>>[vector<16xi32>], vector<16xf32>,
      %swap3A_63 = arith.index_cast %scan3A_38 : i32 to index
      %swap3A_64 = arith.constant 16 : index
      %swap3A_65 = tpu.vector_load %arg15[%swap3A_63, %swap3A_64] {strides = array<i32>} : memref<128x32xf32, #tpu.memory_space<vmem>>, vector<16xf32>,
      tpu.vector_store %arg15[%swap3A_63, %swap3A_64], %gather3A_62 {strides = array<i32>} : memref<128x32xf32, #tpu.memory_space<vmem>>, vector<16xf32>,
    }
    %scan3A_37 = arith.constant 128 : i32
    "tpu.region"() ({
      %run_scoped3A = tpu.sem_alloc : memref<!tpu.dma_semaphore, #tpu.memory_space<semaphore_mem>>
      %dma_start3A = arith.constant 0 : i32
      %dma_start3A_38 = tpu.memref_slice %arg6[%select_n3A, %mul3A_32, %dma_start3A] : memref<8x512x32xf32, #tpu.memory_space<hbm>> -> memref<1x128x32xf32, #tpu.memory_space<hbm>>
      %dma_start3A_39 = tpu.memref_squeeze %dma_start3A_38 : memref<1x128x32xf32, #tpu.memory_space<hbm>> -> memref<128x32xf32, #tpu.memory_space<hbm>>
      %dma_start3A_40 = arith.constant 0 : i32
      %dma_start3A_41 = tpu.memref_slice %arg6[%select_n3A, %mul3A_32, %dma_start3A_40] : memref<8x512x32xf32, #tpu.memory_space<hbm>> -> memref<1x128x32xf32, #tpu.memory_space<hbm>>
      %dma_start3A_42 = tpu.memref_squeeze %dma_start3A_41 : memref<1x128x32xf32, #tpu.memory_space<hbm>> -> memref<128x32xf32, #tpu.memory_space<hbm>>
      tpu.enqueue_dma source(%arg13 : memref<128x32xf32, #tpu.memory_space<vmem>>) target(%dma_start3A_42 : memref<128x32xf32, #tpu.memory_space<hbm>>) target_semaphore(%run_scoped3A : memref<!tpu.dma_semaphore, #tpu.memory_space<semaphore_mem>>)
      %dma_wait3A = arith.constant 0 : i32
      %dma_wait3A_43 = tpu.memref_slice %arg6[%select_n3A, %mul3A_32, %dma_wait3A] : memref<8x512x32xf32, #tpu.memory_space<hbm>> -> memref<1x128x32xf32, #tpu.memory_space<hbm>>
      %dma_wait3A_44 = tpu.memref_squeeze %dma_wait3A_43 : memref<1x128x32xf32, #tpu.memory_space<hbm>> -> memref<128x32xf32, #tpu.memory_space<hbm>>
      %dma_wait3A_45 = arith.constant 0 : i32
      %dma_wait3A_46 = tpu.memref_slice %arg6[%select_n3A, %mul3A_32, %dma_wait3A_45] : memref<8x512x32xf32, #tpu.memory_space<hbm>> -> memref<1x128x32xf32, #tpu.memory_space<hbm>>
      %dma_wait3A_47 = tpu.memref_squeeze %dma_wait3A_46 : memref<1x128x32xf32, #tpu.memory_space<hbm>> -> memref<128x32xf32, #tpu.memory_space<hbm>>
      tpu.wait_dma2 semaphore(%run_scoped3A : memref<!tpu.dma_semaphore, #tpu.memory_space<semaphore_mem>>) src(%arg13 : memref<128x32xf32, #tpu.memory_space<vmem>>) dst(%dma_wait3A_47 : memref<128x32xf32, #tpu.memory_space<hbm>>)
      tpu.yield
    }) : () -> ()
    "tpu.region"() ({
      %run_scoped3A = tpu.sem_alloc : memref<!tpu.dma_semaphore, #tpu.memory_space<semaphore_mem>>
      %dma_start3A = arith.constant 0 : i32
      %dma_start3A_38 = tpu.memref_slice %arg7[%select_n3A, %mul3A_32, %dma_start3A] : memref<8x512x32xf32, #tpu.memory_space<hbm>> -> memref<1x128x32xf32, #tpu.memory_space<hbm>>
      %dma_start3A_39 = tpu.memref_squeeze %dma_start3A_38 : memref<1x128x32xf32, #tpu.memory_space<hbm>> -> memref<128x32xf32, #tpu.memory_space<hbm>>
      %dma_start3A_40 = arith.constant 0 : i32
      %dma_start3A_41 = tpu.memref_slice %arg7[%select_n3A, %mul3A_32, %dma_start3A_40] : memref<8x512x32xf32, #tpu.memory_space<hbm>> -> memref<1x128x32xf32, #tpu.memory_space<hbm>>
      %dma_start3A_42 = tpu.memref_squeeze %dma_start3A_41 : memref<1x128x32xf32, #tpu.memory_space<hbm>> -> memref<128x32xf32, #tpu.memory_space<hbm>>
      tpu.enqueue_dma source(%arg14 : memref<128x32xf32, #tpu.memory_space<vmem>>) target(%dma_start3A_42 : memref<128x32xf32, #tpu.memory_space<hbm>>) target_semaphore(%run_scoped3A : memref<!tpu.dma_semaphore, #tpu.memory_space<semaphore_mem>>)
      %dma_wait3A = arith.constant 0 : i32
      %dma_wait3A_43 = tpu.memref_slice %arg7[%select_n3A, %mul3A_32, %dma_wait3A] : memref<8x512x32xf32, #tpu.memory_space<hbm>> -> memref<1x128x32xf32, #tpu.memory_space<hbm>>
      %dma_wait3A_44 = tpu.memref_squeeze %dma_wait3A_43 : memref<1x128x32xf32, #tpu.memory_space<hbm>> -> memref<128x32xf32, #tpu.memory_space<hbm>>
      %dma_wait3A_45 = arith.constant 0 : i32
      %dma_wait3A_46 = tpu.memref_slice %arg7[%select_n3A, %mul3A_32, %dma_wait3A_45] : memref<8x512x32xf32, #tpu.memory_space<hbm>> -> memref<1x128x32xf32, #tpu.memory_space<hbm>>
      %dma_wait3A_47 = tpu.memref_squeeze %dma_wait3A_46 : memref<1x128x32xf32, #tpu.memory_space<hbm>> -> memref<128x32xf32, #tpu.memory_space<hbm>>
      tpu.wait_dma2 semaphore(%run_scoped3A : memref<!tpu.dma_semaphore, #tpu.memory_space<semaphore_mem>>) src(%arg14 : memref<128x32xf32, #tpu.memory_space<vmem>>) dst(%dma_wait3A_47 : memref<128x32xf32, #tpu.memory_space<hbm>>)
      tpu.yield
    }) : () -> ()
    "tpu.region"() ({
      %run_scoped3A = tpu.sem_alloc : memref<!tpu.dma_semaphore, #tpu.memory_space<semaphore_mem>>
      %dma_start3A = arith.constant 0 : i32
      %dma_start3A_38 = tpu.memref_slice %arg8[%select_n3A, %mul3A_32, %dma_start3A] : memref<8x512x32xf32, #tpu.memory_space<hbm>> -> memref<1x128x32xf32, #tpu.memory_space<hbm>>
      %dma_start3A_39 = tpu.memref_squeeze %dma_start3A_38 : memref<1x128x32xf32, #tpu.memory_space<hbm>> -> memref<128x32xf32, #tpu.memory_space<hbm>>
      %dma_start3A_40 = arith.constant 0 : i32
      %dma_start3A_41 = tpu.memref_slice %arg8[%select_n3A, %mul3A_32, %dma_start3A_40] : memref<8x512x32xf32, #tpu.memory_space<hbm>> -> memref<1x128x32xf32, #tpu.memory_space<hbm>>
      %dma_start3A_42 = tpu.memref_squeeze %dma_start3A_41 : memref<1x128x32xf32, #tpu.memory_space<hbm>> -> memref<128x32xf32, #tpu.memory_space<hbm>>
      tpu.enqueue_dma source(%arg15 : memref<128x32xf32, #tpu.memory_space<vmem>>) target(%dma_start3A_42 : memref<128x32xf32, #tpu.memory_space<hbm>>) target_semaphore(%run_scoped3A : memref<!tpu.dma_semaphore, #tpu.memory_space<semaphore_mem>>)
      %dma_wait3A = arith.constant 0 : i32
      %dma_wait3A_43 = tpu.memref_slice %arg8[%select_n3A, %mul3A_32, %dma_wait3A] : memref<8x512x32xf32, #tpu.memory_space<hbm>> -> memref<1x128x32xf32, #tpu.memory_space<hbm>>
      %dma_wait3A_44 = tpu.memref_squeeze %dma_wait3A_43 : memref<1x128x32xf32, #tpu.memory_space<hbm>> -> memref<128x32xf32, #tpu.memory_space<hbm>>
      %dma_wait3A_45 = arith.constant 0 : i32
      %dma_wait3A_46 = tpu.memref_slice %arg8[%select_n3A, %mul3A_32, %dma_wait3A_45] : memref<8x512x32xf32, #tpu.memory_space<hbm>> -> memref<1x128x32xf32, #tpu.memory_space<hbm>>
      %dma_wait3A_47 = tpu.memref_squeeze %dma_wait3A_46 : memref<1x128x32xf32, #tpu.memory_space<hbm>> -> memref<128x32xf32, #tpu.memory_space<hbm>>
      tpu.wait_dma2 semaphore(%run_scoped3A : memref<!tpu.dma_semaphore, #tpu.memory_space<semaphore_mem>>) src(%arg15 : memref<128x32xf32, #tpu.memory_space<vmem>>) dst(%dma_wait3A_47 : memref<128x32xf32, #tpu.memory_space<hbm>>)
      tpu.yield
    }) : () -> ()
    return
  }
}

#map = affine_map<(d0, d1) -> (0, 0)>
#map1 = affine_map<(d0, d1) -> (0, 0, 0)>
module attributes {stable_mosaic.version = 14 : i64} {
  func.func @_sc_gather_body(%arg0: i32, %arg1: i32, %arg2: memref<8x4096xf32, #tpu.memory_space<hbm>>, %arg3: memref<8x4096xf32, #tpu.memory_space<hbm>>, %arg4: memref<8x4096xf32, #tpu.memory_space<hbm>>, %arg5: memref<8x512x32xi32, #tpu.memory_space<hbm>>, %arg6: memref<8x512x32xf32, #tpu.memory_space<hbm>>, %arg7: memref<8x512x32xf32, #tpu.memory_space<hbm>>, %arg8: memref<8x512x32xf32, #tpu.memory_space<hbm>>, %arg9: memref<4096xf32, #tpu.memory_space<vmem>>, %arg10: memref<4096xf32, #tpu.memory_space<vmem>>, %arg11: memref<4096xf32, #tpu.memory_space<vmem>>, %arg12: memref<128x32xi32, #tpu.memory_space<vmem>>, %arg13: memref<128x32xf32, #tpu.memory_space<vmem>>, %arg14: memref<128x32xf32, #tpu.memory_space<vmem>>, %arg15: memref<128x32xf32, #tpu.memory_space<vmem>>) attributes {dimension_semantics = [#tpu.dimension_semantics<core_parallel>, #tpu.dimension_semantics<subcore_parallel>], iteration_bounds = array<i64: 2, 16>, scalar_prefetch = 0 : i64, scratch_operands = 7 : i64, tpu.core_type = #tpu.core_type<sc_vector_subcore>, window_params = [{transform_indices = #map}, {transform_indices = #map}, {transform_indices = #map}, {transform_indices = #map1}, {transform_indices = #map1}, {transform_indices = #map1}, {transform_indices = #map1}]} {
    %mul3A = arith.constant 2 : i32
    %mul3A_0 = arith.muli %arg1, %mul3A : i32
    %add3A = arith.addi %mul3A_0, %arg0 : i32
    %jit3A = arith.constant 4 : i32
    %div3A = arith.divsi %add3A, %jit3A : i32
    %sign3A = arith.constant 0 : i32
    %sign3A_1 = arith.cmpi sgt, %add3A, %sign3A : i32
    %sign3A_2 = arith.extui %sign3A_1 : i1 to i32
    %sign3A_3 = arith.constant 0 : i32
    %sign3A_4 = arith.cmpi slt, %add3A, %sign3A_3 : i32
    %sign3A_5 = arith.extui %sign3A_4 : i1 to i32
    %sign3A_6 = arith.subi %sign3A_2, %sign3A_5 : i32
    %sign3A_7 = arith.constant 0 : i32
    %sign3A_8 = arith.cmpi sgt, %jit3A, %sign3A_7 : i32
    %sign3A_9 = arith.extui %sign3A_8 : i1 to i32
    %sign3A_10 = arith.constant 0 : i32
    %sign3A_11 = arith.cmpi slt, %jit3A, %sign3A_10 : i32
    %sign3A_12 = arith.extui %sign3A_11 : i1 to i32
    %sign3A_13 = arith.subi %sign3A_9, %sign3A_12 : i32
    %ne3A = arith.cmpi ne, %sign3A_6, %sign3A_13 : i32
    %rem3A = arith.remsi %add3A, %jit3A : i32
    %ne3A_14 = arith.constant 0 : i32
    %ne3A_15 = arith.cmpi ne, %rem3A, %ne3A_14 : i32
    %and3A = arith.andi %ne3A, %ne3A_15 : i1
    %sub3A = arith.constant 1 : i32
    %sub3A_16 = arith.subi %div3A, %sub3A : i32
    %select_n3A = arith.select %and3A, %sub3A_16, %div3A : i32
    %jit3A_17 = arith.constant 4 : i32
    %eq3A = arith.constant 0 : i32
    %eq3A_18 = arith.cmpi eq, %jit3A_17, %eq3A : i32
    %jit3A_19 = arith.constant 1 : i32
    %select_n3A_20 = arith.select %eq3A_18, %jit3A_19, %jit3A_17 : i32
    %rem3A_21 = arith.remsi %add3A, %select_n3A_20 : i32
    %ne3A_22 = arith.constant 0 : i32
    %ne3A_23 = arith.cmpi ne, %rem3A_21, %ne3A_22 : i32
    %lt3A = arith.constant 0 : i32
    %lt3A_24 = arith.cmpi slt, %rem3A_21, %lt3A : i32
    %lt3A_25 = arith.constant 0 : i32
    %lt3A_26 = arith.cmpi slt, %select_n3A_20, %lt3A_25 : i32
    %ne3A_27 = arith.xori %lt3A_24, %lt3A_26 : i1
    %and3A_28 = arith.andi %ne3A_27, %ne3A_23 : i1
    %add3A_29 = arith.addi %rem3A_21, %select_n3A_20 : i32
    %select_n3A_30 = arith.select %and3A_28, %add3A_29, %rem3A_21 : i32
    %mul3A_31 = arith.constant 128 : i32
    %mul3A_32 = arith.muli %select_n3A_30, %mul3A_31 : i32
    "tpu.region"() ({
      %run_scoped3A = tpu.sem_alloc : memref<!tpu.dma_semaphore, #tpu.memory_space<semaphore_mem>>
      %dma_start3A = arith.constant 0 : i32
      %dma_start3A_38 = tpu.memref_slice %arg2[%select_n3A, %dma_start3A] : memref<8x4096xf32, #tpu.memory_space<hbm>> -> memref<1x4096xf32, #tpu.memory_space<hbm>>
      %dma_start3A_39 = tpu.memref_squeeze %dma_start3A_38 : memref<1x4096xf32, #tpu.memory_space<hbm>> -> memref<4096xf32, #tpu.memory_space<hbm>>
      %dma_start3A_40 = arith.constant 0 : i32
      %dma_start3A_41 = tpu.memref_slice %arg2[%select_n3A, %dma_start3A_40] : memref<8x4096xf32, #tpu.memory_space<hbm>> -> memref<1x4096xf32, #tpu.memory_space<hbm>>
      %dma_start3A_42 = tpu.memref_squeeze %dma_start3A_41 : memref<1x4096xf32, #tpu.memory_space<hbm>> -> memref<4096xf32, #tpu.memory_space<hbm>>
      tpu.enqueue_dma source(%dma_start3A_42 : memref<4096xf32, #tpu.memory_space<hbm>>) target(%arg9 : memref<4096xf32, #tpu.memory_space<vmem>>) target_semaphore(%run_scoped3A : memref<!tpu.dma_semaphore, #tpu.memory_space<semaphore_mem>>)
      %dma_wait3A = arith.constant 0 : i32
      %dma_wait3A_43 = tpu.memref_slice %arg2[%select_n3A, %dma_wait3A] : memref<8x4096xf32, #tpu.memory_space<hbm>> -> memref<1x4096xf32, #tpu.memory_space<hbm>>
      %dma_wait3A_44 = tpu.memref_squeeze %dma_wait3A_43 : memref<1x4096xf32, #tpu.memory_space<hbm>> -> memref<4096xf32, #tpu.memory_space<hbm>>
      %dma_wait3A_45 = arith.constant 0 : i32
      %dma_wait3A_46 = tpu.memref_slice %arg2[%select_n3A, %dma_wait3A_45] : memref<8x4096xf32, #tpu.memory_space<hbm>> -> memref<1x4096xf32, #tpu.memory_space<hbm>>
      %dma_wait3A_47 = tpu.memref_squeeze %dma_wait3A_46 : memref<1x4096xf32, #tpu.memory_space<hbm>> -> memref<4096xf32, #tpu.memory_space<hbm>>
      tpu.wait_dma2 semaphore(%run_scoped3A : memref<!tpu.dma_semaphore, #tpu.memory_space<semaphore_mem>>) src(%dma_wait3A_47 : memref<4096xf32, #tpu.memory_space<hbm>>) dst(%arg9 : memref<4096xf32, #tpu.memory_space<vmem>>)
      tpu.yield
    }) : () -> ()
    "tpu.region"() ({
      %run_scoped3A = tpu.sem_alloc : memref<!tpu.dma_semaphore, #tpu.memory_space<semaphore_mem>>
      %dma_start3A = arith.constant 0 : i32
      %dma_start3A_38 = tpu.memref_slice %arg3[%select_n3A, %dma_start3A] : memref<8x4096xf32, #tpu.memory_space<hbm>> -> memref<1x4096xf32, #tpu.memory_space<hbm>>
      %dma_start3A_39 = tpu.memref_squeeze %dma_start3A_38 : memref<1x4096xf32, #tpu.memory_space<hbm>> -> memref<4096xf32, #tpu.memory_space<hbm>>
      %dma_start3A_40 = arith.constant 0 : i32
      %dma_start3A_41 = tpu.memref_slice %arg3[%select_n3A, %dma_start3A_40] : memref<8x4096xf32, #tpu.memory_space<hbm>> -> memref<1x4096xf32, #tpu.memory_space<hbm>>
      %dma_start3A_42 = tpu.memref_squeeze %dma_start3A_41 : memref<1x4096xf32, #tpu.memory_space<hbm>> -> memref<4096xf32, #tpu.memory_space<hbm>>
      tpu.enqueue_dma source(%dma_start3A_42 : memref<4096xf32, #tpu.memory_space<hbm>>) target(%arg10 : memref<4096xf32, #tpu.memory_space<vmem>>) target_semaphore(%run_scoped3A : memref<!tpu.dma_semaphore, #tpu.memory_space<semaphore_mem>>)
      %dma_wait3A = arith.constant 0 : i32
      %dma_wait3A_43 = tpu.memref_slice %arg3[%select_n3A, %dma_wait3A] : memref<8x4096xf32, #tpu.memory_space<hbm>> -> memref<1x4096xf32, #tpu.memory_space<hbm>>
      %dma_wait3A_44 = tpu.memref_squeeze %dma_wait3A_43 : memref<1x4096xf32, #tpu.memory_space<hbm>> -> memref<4096xf32, #tpu.memory_space<hbm>>
      %dma_wait3A_45 = arith.constant 0 : i32
      %dma_wait3A_46 = tpu.memref_slice %arg3[%select_n3A, %dma_wait3A_45] : memref<8x4096xf32, #tpu.memory_space<hbm>> -> memref<1x4096xf32, #tpu.memory_space<hbm>>
      %dma_wait3A_47 = tpu.memref_squeeze %dma_wait3A_46 : memref<1x4096xf32, #tpu.memory_space<hbm>> -> memref<4096xf32, #tpu.memory_space<hbm>>
      tpu.wait_dma2 semaphore(%run_scoped3A : memref<!tpu.dma_semaphore, #tpu.memory_space<semaphore_mem>>) src(%dma_wait3A_47 : memref<4096xf32, #tpu.memory_space<hbm>>) dst(%arg10 : memref<4096xf32, #tpu.memory_space<vmem>>)
      tpu.yield
    }) : () -> ()
    "tpu.region"() ({
      %run_scoped3A = tpu.sem_alloc : memref<!tpu.dma_semaphore, #tpu.memory_space<semaphore_mem>>
      %dma_start3A = arith.constant 0 : i32
      %dma_start3A_38 = tpu.memref_slice %arg4[%select_n3A, %dma_start3A] : memref<8x4096xf32, #tpu.memory_space<hbm>> -> memref<1x4096xf32, #tpu.memory_space<hbm>>
      %dma_start3A_39 = tpu.memref_squeeze %dma_start3A_38 : memref<1x4096xf32, #tpu.memory_space<hbm>> -> memref<4096xf32, #tpu.memory_space<hbm>>
      %dma_start3A_40 = arith.constant 0 : i32
      %dma_start3A_41 = tpu.memref_slice %arg4[%select_n3A, %dma_start3A_40] : memref<8x4096xf32, #tpu.memory_space<hbm>> -> memref<1x4096xf32, #tpu.memory_space<hbm>>
      %dma_start3A_42 = tpu.memref_squeeze %dma_start3A_41 : memref<1x4096xf32, #tpu.memory_space<hbm>> -> memref<4096xf32, #tpu.memory_space<hbm>>
      tpu.enqueue_dma source(%dma_start3A_42 : memref<4096xf32, #tpu.memory_space<hbm>>) target(%arg11 : memref<4096xf32, #tpu.memory_space<vmem>>) target_semaphore(%run_scoped3A : memref<!tpu.dma_semaphore, #tpu.memory_space<semaphore_mem>>)
      %dma_wait3A = arith.constant 0 : i32
      %dma_wait3A_43 = tpu.memref_slice %arg4[%select_n3A, %dma_wait3A] : memref<8x4096xf32, #tpu.memory_space<hbm>> -> memref<1x4096xf32, #tpu.memory_space<hbm>>
      %dma_wait3A_44 = tpu.memref_squeeze %dma_wait3A_43 : memref<1x4096xf32, #tpu.memory_space<hbm>> -> memref<4096xf32, #tpu.memory_space<hbm>>
      %dma_wait3A_45 = arith.constant 0 : i32
      %dma_wait3A_46 = tpu.memref_slice %arg4[%select_n3A, %dma_wait3A_45] : memref<8x4096xf32, #tpu.memory_space<hbm>> -> memref<1x4096xf32, #tpu.memory_space<hbm>>
      %dma_wait3A_47 = tpu.memref_squeeze %dma_wait3A_46 : memref<1x4096xf32, #tpu.memory_space<hbm>> -> memref<4096xf32, #tpu.memory_space<hbm>>
      tpu.wait_dma2 semaphore(%run_scoped3A : memref<!tpu.dma_semaphore, #tpu.memory_space<semaphore_mem>>) src(%dma_wait3A_47 : memref<4096xf32, #tpu.memory_space<hbm>>) dst(%arg11 : memref<4096xf32, #tpu.memory_space<vmem>>)
      tpu.yield
    }) : () -> ()
    "tpu.region"() ({
      %run_scoped3A = tpu.sem_alloc : memref<!tpu.dma_semaphore, #tpu.memory_space<semaphore_mem>>
      %dma_start3A = arith.constant 0 : i32
      %dma_start3A_38 = tpu.memref_slice %arg5[%select_n3A, %mul3A_32, %dma_start3A] : memref<8x512x32xi32, #tpu.memory_space<hbm>> -> memref<1x128x32xi32, #tpu.memory_space<hbm>>
      %dma_start3A_39 = tpu.memref_squeeze %dma_start3A_38 : memref<1x128x32xi32, #tpu.memory_space<hbm>> -> memref<128x32xi32, #tpu.memory_space<hbm>>
      %dma_start3A_40 = arith.constant 0 : i32
      %dma_start3A_41 = tpu.memref_slice %arg5[%select_n3A, %mul3A_32, %dma_start3A_40] : memref<8x512x32xi32, #tpu.memory_space<hbm>> -> memref<1x128x32xi32, #tpu.memory_space<hbm>>
      %dma_start3A_42 = tpu.memref_squeeze %dma_start3A_41 : memref<1x128x32xi32, #tpu.memory_space<hbm>> -> memref<128x32xi32, #tpu.memory_space<hbm>>
      tpu.enqueue_dma source(%dma_start3A_42 : memref<128x32xi32, #tpu.memory_space<hbm>>) target(%arg12 : memref<128x32xi32, #tpu.memory_space<vmem>>) target_semaphore(%run_scoped3A : memref<!tpu.dma_semaphore, #tpu.memory_space<semaphore_mem>>)
      %dma_wait3A = arith.constant 0 : i32
      %dma_wait3A_43 = tpu.memref_slice %arg5[%select_n3A, %mul3A_32, %dma_wait3A] : memref<8x512x32xi32, #tpu.memory_space<hbm>> -> memref<1x128x32xi32, #tpu.memory_space<hbm>>
      %dma_wait3A_44 = tpu.memref_squeeze %dma_wait3A_43 : memref<1x128x32xi32, #tpu.memory_space<hbm>> -> memref<128x32xi32, #tpu.memory_space<hbm>>
      %dma_wait3A_45 = arith.constant 0 : i32
      %dma_wait3A_46 = tpu.memref_slice %arg5[%select_n3A, %mul3A_32, %dma_wait3A_45] : memref<8x512x32xi32, #tpu.memory_space<hbm>> -> memref<1x128x32xi32, #tpu.memory_space<hbm>>
      %dma_wait3A_47 = tpu.memref_squeeze %dma_wait3A_46 : memref<1x128x32xi32, #tpu.memory_space<hbm>> -> memref<128x32xi32, #tpu.memory_space<hbm>>
      tpu.wait_dma2 semaphore(%run_scoped3A : memref<!tpu.dma_semaphore, #tpu.memory_space<semaphore_mem>>) src(%dma_wait3A_47 : memref<128x32xi32, #tpu.memory_space<hbm>>) dst(%arg12 : memref<128x32xi32, #tpu.memory_space<vmem>>)
      tpu.yield
    }) : () -> ()
    %scan3A = arith.constant 0 : i32
    %scan3A_33 = arith.constant 0 : i32
    %scan3A_34 = arith.constant 128 : i32
    %scan3A_35 = arith.addi %scan3A_33, %scan3A_34 : i32
    %scan3A_36 = arith.constant 1 : i32
    scf.for %scan3A_38 = %scan3A_33 to %scan3A_35 step %scan3A_36  : i32 {
      %get3A = arith.index_cast %scan3A_38 : i32 to index
      %get3A_39 = arith.constant 0 : index
      %get3A_40 = tpu.vector_load %arg12[%get3A, %get3A_39] {strides = array<i32>} : memref<128x32xi32, #tpu.memory_space<vmem>>, vector<16xi32>,
      %gather3A = tpu.vector_load_idx %arg9[%get3A_40] : memref<4096xf32, #tpu.memory_space<vmem>>[vector<16xi32>], vector<16xf32>,
      %swap3A = arith.index_cast %scan3A_38 : i32 to index
      %swap3A_41 = arith.constant 0 : index
      %swap3A_42 = tpu.vector_load %arg13[%swap3A, %swap3A_41] {strides = array<i32>} : memref<128x32xf32, #tpu.memory_space<vmem>>, vector<16xf32>,
      tpu.vector_store %arg13[%swap3A, %swap3A_41], %gather3A {strides = array<i32>} : memref<128x32xf32, #tpu.memory_space<vmem>>, vector<16xf32>,
      %gather3A_43 = tpu.vector_load_idx %arg10[%get3A_40] : memref<4096xf32, #tpu.memory_space<vmem>>[vector<16xi32>], vector<16xf32>,
      %swap3A_44 = arith.index_cast %scan3A_38 : i32 to index
      %swap3A_45 = arith.constant 0 : index
      %swap3A_46 = tpu.vector_load %arg14[%swap3A_44, %swap3A_45] {strides = array<i32>} : memref<128x32xf32, #tpu.memory_space<vmem>>, vector<16xf32>,
      tpu.vector_store %arg14[%swap3A_44, %swap3A_45], %gather3A_43 {strides = array<i32>} : memref<128x32xf32, #tpu.memory_space<vmem>>, vector<16xf32>,
      %gather3A_47 = tpu.vector_load_idx %arg11[%get3A_40] : memref<4096xf32, #tpu.memory_space<vmem>>[vector<16xi32>], vector<16xf32>,
      %swap3A_48 = arith.index_cast %scan3A_38 : i32 to index
      %swap3A_49 = arith.constant 0 : index
      %swap3A_50 = tpu.vector_load %arg15[%swap3A_48, %swap3A_49] {strides = array<i32>} : memref<128x32xf32, #tpu.memory_space<vmem>>, vector<16xf32>,
      tpu.vector_store %arg15[%swap3A_48, %swap3A_49], %gather3A_47 {strides = array<i32>} : memref<128x32xf32, #tpu.memory_space<vmem>>, vector<16xf32>,
      %get3A_51 = arith.index_cast %scan3A_38 : i32 to index
      %get3A_52 = arith.constant 16 : index
      %get3A_53 = tpu.vector_load %arg12[%get3A_51, %get3A_52] {strides = array<i32>} : memref<128x32xi32, #tpu.memory_space<vmem>>, vector<16xi32>,
      %gather3A_54 = tpu.vector_load_idx %arg9[%get3A_53] : memref<4096xf32, #tpu.memory_space<vmem>>[vector<16xi32>], vector<16xf32>,
      %swap3A_55 = arith.index_cast %scan3A_38 : i32 to index
      %swap3A_56 = arith.constant 16 : index
      %swap3A_57 = tpu.vector_load %arg13[%swap3A_55, %swap3A_56] {strides = array<i32>} : memref<128x32xf32, #tpu.memory_space<vmem>>, vector<16xf32>,
      tpu.vector_store %arg13[%swap3A_55, %swap3A_56], %gather3A_54 {strides = array<i32>} : memref<128x32xf32, #tpu.memory_space<vmem>>, vector<16xf32>,
      %gather3A_58 = tpu.vector_load_idx %arg10[%get3A_53] : memref<4096xf32, #tpu.memory_space<vmem>>[vector<16xi32>], vector<16xf32>,
      %swap3A_59 = arith.index_cast %scan3A_38 : i32 to index
      %swap3A_60 = arith.constant 16 : index
      %swap3A_61 = tpu.vector_load %arg14[%swap3A_59, %swap3A_60] {strides = array<i32>} : memref<128x32xf32, #tpu.memory_space<vmem>>, vector<16xf32>,
      tpu.vector_store %arg14[%swap3A_59, %swap3A_60], %gather3A_58 {strides = array<i32>} : memref<128x32xf32, #tpu.memory_space<vmem>>, vector<16xf32>,
      %gather3A_62 = tpu.vector_load_idx %arg11[%get3A_53] : memref<4096xf32, #tpu.memory_space<vmem>>[vector<16xi32>], vector<16xf32>,
      %swap3A_63 = arith.index_cast %scan3A_38 : i32 to index
      %swap3A_64 = arith.constant 16 : index
      %swap3A_65 = tpu.vector_load %arg15[%swap3A_63, %swap3A_64] {strides = array<i32>} : memref<128x32xf32, #tpu.memory_space<vmem>>, vector<16xf32>,
      tpu.vector_store %arg15[%swap3A_63, %swap3A_64], %gather3A_62 {strides = array<i32>} : memref<128x32xf32, #tpu.memory_space<vmem>>, vector<16xf32>,
    }
    %scan3A_37 = arith.constant 128 : i32
    "tpu.region"() ({
      %run_scoped3A = tpu.sem_alloc : memref<!tpu.dma_semaphore, #tpu.memory_space<semaphore_mem>>
      %dma_start3A = arith.constant 0 : i32
      %dma_start3A_38 = tpu.memref_slice %arg6[%select_n3A, %mul3A_32, %dma_start3A] : memref<8x512x32xf32, #tpu.memory_space<hbm>> -> memref<1x128x32xf32, #tpu.memory_space<hbm>>
      %dma_start3A_39 = tpu.memref_squeeze %dma_start3A_38 : memref<1x128x32xf32, #tpu.memory_space<hbm>> -> memref<128x32xf32, #tpu.memory_space<hbm>>
      %dma_start3A_40 = arith.constant 0 : i32
      %dma_start3A_41 = tpu.memref_slice %arg6[%select_n3A, %mul3A_32, %dma_start3A_40] : memref<8x512x32xf32, #tpu.memory_space<hbm>> -> memref<1x128x32xf32, #tpu.memory_space<hbm>>
      %dma_start3A_42 = tpu.memref_squeeze %dma_start3A_41 : memref<1x128x32xf32, #tpu.memory_space<hbm>> -> memref<128x32xf32, #tpu.memory_space<hbm>>
      tpu.enqueue_dma source(%arg13 : memref<128x32xf32, #tpu.memory_space<vmem>>) target(%dma_start3A_42 : memref<128x32xf32, #tpu.memory_space<hbm>>) target_semaphore(%run_scoped3A : memref<!tpu.dma_semaphore, #tpu.memory_space<semaphore_mem>>)
      %dma_wait3A = arith.constant 0 : i32
      %dma_wait3A_43 = tpu.memref_slice %arg6[%select_n3A, %mul3A_32, %dma_wait3A] : memref<8x512x32xf32, #tpu.memory_space<hbm>> -> memref<1x128x32xf32, #tpu.memory_space<hbm>>
      %dma_wait3A_44 = tpu.memref_squeeze %dma_wait3A_43 : memref<1x128x32xf32, #tpu.memory_space<hbm>> -> memref<128x32xf32, #tpu.memory_space<hbm>>
      %dma_wait3A_45 = arith.constant 0 : i32
      %dma_wait3A_46 = tpu.memref_slice %arg6[%select_n3A, %mul3A_32, %dma_wait3A_45] : memref<8x512x32xf32, #tpu.memory_space<hbm>> -> memref<1x128x32xf32, #tpu.memory_space<hbm>>
      %dma_wait3A_47 = tpu.memref_squeeze %dma_wait3A_46 : memref<1x128x32xf32, #tpu.memory_space<hbm>> -> memref<128x32xf32, #tpu.memory_space<hbm>>
      tpu.wait_dma2 semaphore(%run_scoped3A : memref<!tpu.dma_semaphore, #tpu.memory_space<semaphore_mem>>) src(%arg13 : memref<128x32xf32, #tpu.memory_space<vmem>>) dst(%dma_wait3A_47 : memref<128x32xf32, #tpu.memory_space<hbm>>)
      tpu.yield
    }) : () -> ()
    "tpu.region"() ({
      %run_scoped3A = tpu.sem_alloc : memref<!tpu.dma_semaphore, #tpu.memory_space<semaphore_mem>>
      %dma_start3A = arith.constant 0 : i32
      %dma_start3A_38 = tpu.memref_slice %arg7[%select_n3A, %mul3A_32, %dma_start3A] : memref<8x512x32xf32, #tpu.memory_space<hbm>> -> memref<1x128x32xf32, #tpu.memory_space<hbm>>
      %dma_start3A_39 = tpu.memref_squeeze %dma_start3A_38 : memref<1x128x32xf32, #tpu.memory_space<hbm>> -> memref<128x32xf32, #tpu.memory_space<hbm>>
      %dma_start3A_40 = arith.constant 0 : i32
      %dma_start3A_41 = tpu.memref_slice %arg7[%select_n3A, %mul3A_32, %dma_start3A_40] : memref<8x512x32xf32, #tpu.memory_space<hbm>> -> memref<1x128x32xf32, #tpu.memory_space<hbm>>
      %dma_start3A_42 = tpu.memref_squeeze %dma_start3A_41 : memref<1x128x32xf32, #tpu.memory_space<hbm>> -> memref<128x32xf32, #tpu.memory_space<hbm>>
      tpu.enqueue_dma source(%arg14 : memref<128x32xf32, #tpu.memory_space<vmem>>) target(%dma_start3A_42 : memref<128x32xf32, #tpu.memory_space<hbm>>) target_semaphore(%run_scoped3A : memref<!tpu.dma_semaphore, #tpu.memory_space<semaphore_mem>>)
      %dma_wait3A = arith.constant 0 : i32
      %dma_wait3A_43 = tpu.memref_slice %arg7[%select_n3A, %mul3A_32, %dma_wait3A] : memref<8x512x32xf32, #tpu.memory_space<hbm>> -> memref<1x128x32xf32, #tpu.memory_space<hbm>>
      %dma_wait3A_44 = tpu.memref_squeeze %dma_wait3A_43 : memref<1x128x32xf32, #tpu.memory_space<hbm>> -> memref<128x32xf32, #tpu.memory_space<hbm>>
      %dma_wait3A_45 = arith.constant 0 : i32
      %dma_wait3A_46 = tpu.memref_slice %arg7[%select_n3A, %mul3A_32, %dma_wait3A_45] : memref<8x512x32xf32, #tpu.memory_space<hbm>> -> memref<1x128x32xf32, #tpu.memory_space<hbm>>
      %dma_wait3A_47 = tpu.memref_squeeze %dma_wait3A_46 : memref<1x128x32xf32, #tpu.memory_space<hbm>> -> memref<128x32xf32, #tpu.memory_space<hbm>>
      tpu.wait_dma2 semaphore(%run_scoped3A : memref<!tpu.dma_semaphore, #tpu.memory_space<semaphore_mem>>) src(%arg14 : memref<128x32xf32, #tpu.memory_space<vmem>>) dst(%dma_wait3A_47 : memref<128x32xf32, #tpu.memory_space<hbm>>)
      tpu.yield
    }) : () -> ()
    "tpu.region"() ({
      %run_scoped3A = tpu.sem_alloc : memref<!tpu.dma_semaphore, #tpu.memory_space<semaphore_mem>>
      %dma_start3A = arith.constant 0 : i32
      %dma_start3A_38 = tpu.memref_slice %arg8[%select_n3A, %mul3A_32, %dma_start3A] : memref<8x512x32xf32, #tpu.memory_space<hbm>> -> memref<1x128x32xf32, #tpu.memory_space<hbm>>
      %dma_start3A_39 = tpu.memref_squeeze %dma_start3A_38 : memref<1x128x32xf32, #tpu.memory_space<hbm>> -> memref<128x32xf32, #tpu.memory_space<hbm>>
      %dma_start3A_40 = arith.constant 0 : i32
      %dma_start3A_41 = tpu.memref_slice %arg8[%select_n3A, %mul3A_32, %dma_start3A_40] : memref<8x512x32xf32, #tpu.memory_space<hbm>> -> memref<1x128x32xf32, #tpu.memory_space<hbm>>
      %dma_start3A_42 = tpu.memref_squeeze %dma_start3A_41 : memref<1x128x32xf32, #tpu.memory_space<hbm>> -> memref<128x32xf32, #tpu.memory_space<hbm>>
      tpu.enqueue_dma source(%arg15 : memref<128x32xf32, #tpu.memory_space<vmem>>) target(%dma_start3A_42 : memref<128x32xf32, #tpu.memory_space<hbm>>) target_semaphore(%run_scoped3A : memref<!tpu.dma_semaphore, #tpu.memory_space<semaphore_mem>>)
      %dma_wait3A = arith.constant 0 : i32
      %dma_wait3A_43 = tpu.memref_slice %arg8[%select_n3A, %mul3A_32, %dma_wait3A] : memref<8x512x32xf32, #tpu.memory_space<hbm>> -> memref<1x128x32xf32, #tpu.memory_space<hbm>>
      %dma_wait3A_44 = tpu.memref_squeeze %dma_wait3A_43 : memref<1x128x32xf32, #tpu.memory_space<hbm>> -> memref<128x32xf32, #tpu.memory_space<hbm>>
      %dma_wait3A_45 = arith.constant 0 : i32
      %dma_wait3A_46 = tpu.memref_slice %arg8[%select_n3A, %mul3A_32, %dma_wait3A_45] : memref<8x512x32xf32, #tpu.memory_space<hbm>> -> memref<1x128x32xf32, #tpu.memory_space<hbm>>
      %dma_wait3A_47 = tpu.memref_squeeze %dma_wait3A_46 : memref<1x128x32xf32, #tpu.memory_space<hbm>> -> memref<128x32xf32, #tpu.memory_space<hbm>>
      tpu.wait_dma2 semaphore(%run_scoped3A : memref<!tpu.dma_semaphore, #tpu.memory_space<semaphore_mem>>) src(%arg15 : memref<128x32xf32, #tpu.memory_space<vmem>>) dst(%dma_wait3A_47 : memref<128x32xf32, #tpu.memory_space<hbm>>)
      tpu.yield
    }) : () -> ()
    return
  }
}

module attributes {stable_mosaic.version = 14 : i64} {
  func.func @_fps_body(%arg0: memref<16x4096xf32, #tpu.memory_space<vmem>>, %arg1: memref<16x4096xf32, #tpu.memory_space<vmem>>, %arg2: memref<16x4096xf32, #tpu.memory_space<vmem>>, %arg3: memref<16x512xf32, #tpu.memory_space<vmem>>, %arg4: memref<16x512xf32, #tpu.memory_space<vmem>>, %arg5: memref<16x512xf32, #tpu.memory_space<vmem>>, %arg6: memref<16x4096xf32, #tpu.memory_space<vmem>>) attributes {dimension_semantics = [], scalar_prefetch = 0 : i64, scratch_operands = 1 : i64, tpu.core_type = #tpu.core_type<tc>} {
    %get3A = arith.constant 0 : index
    %get3A_0 = arith.constant 0 : index
    %get3A_1 = vector.load %arg0[%get3A, %get3A_0] : memref<16x4096xf32, #tpu.memory_space<vmem>>, vector<16x4096xf32>
    %get3A_2 = arith.constant 0 : index
    %get3A_3 = arith.constant 0 : index
    %get3A_4 = vector.load %arg1[%get3A_2, %get3A_3] : memref<16x4096xf32, #tpu.memory_space<vmem>>, vector<16x4096xf32>
    %get3A_5 = arith.constant 0 : index
    %get3A_6 = arith.constant 0 : index
    %get3A_7 = vector.load %arg2[%get3A_5, %get3A_6] : memref<16x4096xf32, #tpu.memory_space<vmem>>, vector<16x4096xf32>
    %iota3A = tpu.iota {dimensions = array<i32: 1>} : vector<16x4096xi32>
    %iota3A_8 = tpu.iota {dimensions = array<i32: 1>} : vector<16x512xi32>
    %broadcast_in_dim3A = arith.constant 1.000000e+10 : f32
    %broadcast_in_dim3A_9 = vector.broadcast %broadcast_in_dim3A : f32 to vector<16x4096xf32>
    %swap3A = arith.constant 0 : index
    %swap3A_10 = arith.constant 0 : index
    %swap3A_11 = vector.load %arg6[%swap3A, %swap3A_10] : memref<16x4096xf32, #tpu.memory_space<vmem>>, vector<16x4096xf32>
    tpu.vector_store %arg6[%swap3A, %swap3A_10], %broadcast_in_dim3A_9 {strides = array<i32>} : memref<16x4096xf32, #tpu.memory_space<vmem>>, vector<16x4096xf32>,
    %broadcast_in_dim3A_12 = arith.constant 0 : i32
    %broadcast_in_dim3A_13 = vector.broadcast %broadcast_in_dim3A_12 : i32 to vector<16x1xi32>
    %scan3A = arith.constant 0 : i32
    %scan3A_14 = arith.constant 512 : i32
    %scan3A_15 = arith.addi %scan3A, %scan3A_14 : i32
    %scan3A_16 = arith.constant 1 : i32
    %scan3A_17 = scf.for %scan3A_19 = %scan3A to %scan3A_15 step %scan3A_16 iter_args(%scan3A_20 = %broadcast_in_dim3A_13) -> (vector<16x1xi32>)  : i32 {
      %eq3A = vector.broadcast %scan3A_20 : vector<16x1xi32> to vector<16x4096xi32>
      %eq3A_21 = arith.cmpi eq, %iota3A, %eq3A : vector<16x4096xi32>
      %jit3A = arith.constant 0.000000e+00 : f32
      %broadcast_in_dim3A_22 = vector.broadcast %jit3A : f32 to vector<16x4096xf32>
      %select_n3A = arith.select %eq3A_21, %get3A_1, %broadcast_in_dim3A_22 : vector<16x4096xi1>, vector<16x4096xf32>
      %reduce_sum3A = arith.constant dense<0.000000e+00> : vector<16xf32>
      %reduce_sum3A_23 = vector.multi_reduction <add>, %select_n3A, %reduce_sum3A [1] : vector<16x4096xf32> to vector<16xf32>
      %broadcast_in_dim3A_24 = vector.shape_cast %reduce_sum3A_23 : vector<16xf32> to vector<16x1xf32>
      %jit3A_25 = arith.constant 0.000000e+00 : f32
      %broadcast_in_dim3A_26 = vector.broadcast %jit3A_25 : f32 to vector<16x4096xf32>
      %select_n3A_27 = arith.select %eq3A_21, %get3A_4, %broadcast_in_dim3A_26 : vector<16x4096xi1>, vector<16x4096xf32>
      %reduce_sum3A_28 = arith.constant dense<0.000000e+00> : vector<16xf32>
      %reduce_sum3A_29 = vector.multi_reduction <add>, %select_n3A_27, %reduce_sum3A_28 [1] : vector<16x4096xf32> to vector<16xf32>
      %broadcast_in_dim3A_30 = vector.shape_cast %reduce_sum3A_29 : vector<16xf32> to vector<16x1xf32>
      %jit3A_31 = arith.constant 0.000000e+00 : f32
      %broadcast_in_dim3A_32 = vector.broadcast %jit3A_31 : f32 to vector<16x4096xf32>
      %select_n3A_33 = arith.select %eq3A_21, %get3A_7, %broadcast_in_dim3A_32 : vector<16x4096xi1>, vector<16x4096xf32>
      %reduce_sum3A_34 = arith.constant dense<0.000000e+00> : vector<16xf32>
      %reduce_sum3A_35 = vector.multi_reduction <add>, %select_n3A_33, %reduce_sum3A_34 [1] : vector<16x4096xf32> to vector<16xf32>
      %broadcast_in_dim3A_36 = vector.shape_cast %reduce_sum3A_35 : vector<16xf32> to vector<16x1xf32>
      %eq3A_37 = vector.broadcast %scan3A_19 : i32 to vector<16x512xi32>
      %eq3A_38 = arith.cmpi eq, %iota3A_8, %eq3A_37 : vector<16x512xi32>
      %get3A_39 = arith.constant 0 : index
      %get3A_40 = arith.constant 0 : index
      %get3A_41 = vector.load %arg3[%get3A_39, %get3A_40] : memref<16x512xf32, #tpu.memory_space<vmem>>, vector<16x512xf32>
      %broadcast_in_dim3A_42 = vector.shape_cast %broadcast_in_dim3A_24 : vector<16x1xf32> to vector<16x1xf32>
      %broadcast_in_dim3A_43 = vector.broadcast %broadcast_in_dim3A_42 : vector<16x1xf32> to vector<16x512xf32>
      %select_n3A_44 = arith.select %eq3A_38, %broadcast_in_dim3A_43, %get3A_41 : vector<16x512xi1>, vector<16x512xf32>
      %swap3A_45 = arith.constant 0 : index
      %swap3A_46 = arith.constant 0 : index
      %swap3A_47 = vector.load %arg3[%swap3A_45, %swap3A_46] : memref<16x512xf32, #tpu.memory_space<vmem>>, vector<16x512xf32>
      tpu.vector_store %arg3[%swap3A_45, %swap3A_46], %select_n3A_44 {strides = array<i32>} : memref<16x512xf32, #tpu.memory_space<vmem>>, vector<16x512xf32>,
      %get3A_48 = arith.constant 0 : index
      %get3A_49 = arith.constant 0 : index
      %get3A_50 = vector.load %arg4[%get3A_48, %get3A_49] : memref<16x512xf32, #tpu.memory_space<vmem>>, vector<16x512xf32>
      %broadcast_in_dim3A_51 = vector.shape_cast %broadcast_in_dim3A_30 : vector<16x1xf32> to vector<16x1xf32>
      %broadcast_in_dim3A_52 = vector.broadcast %broadcast_in_dim3A_51 : vector<16x1xf32> to vector<16x512xf32>
      %select_n3A_53 = arith.select %eq3A_38, %broadcast_in_dim3A_52, %get3A_50 : vector<16x512xi1>, vector<16x512xf32>
      %swap3A_54 = arith.constant 0 : index
      %swap3A_55 = arith.constant 0 : index
      %swap3A_56 = vector.load %arg4[%swap3A_54, %swap3A_55] : memref<16x512xf32, #tpu.memory_space<vmem>>, vector<16x512xf32>
      tpu.vector_store %arg4[%swap3A_54, %swap3A_55], %select_n3A_53 {strides = array<i32>} : memref<16x512xf32, #tpu.memory_space<vmem>>, vector<16x512xf32>,
      %get3A_57 = arith.constant 0 : index
      %get3A_58 = arith.constant 0 : index
      %get3A_59 = vector.load %arg5[%get3A_57, %get3A_58] : memref<16x512xf32, #tpu.memory_space<vmem>>, vector<16x512xf32>
      %broadcast_in_dim3A_60 = vector.shape_cast %broadcast_in_dim3A_36 : vector<16x1xf32> to vector<16x1xf32>
      %broadcast_in_dim3A_61 = vector.broadcast %broadcast_in_dim3A_60 : vector<16x1xf32> to vector<16x512xf32>
      %select_n3A_62 = arith.select %eq3A_38, %broadcast_in_dim3A_61, %get3A_59 : vector<16x512xi1>, vector<16x512xf32>
      %swap3A_63 = arith.constant 0 : index
      %swap3A_64 = arith.constant 0 : index
      %swap3A_65 = vector.load %arg5[%swap3A_63, %swap3A_64] : memref<16x512xf32, #tpu.memory_space<vmem>>, vector<16x512xf32>
      tpu.vector_store %arg5[%swap3A_63, %swap3A_64], %select_n3A_62 {strides = array<i32>} : memref<16x512xf32, #tpu.memory_space<vmem>>, vector<16x512xf32>,
      %sub3A = vector.broadcast %broadcast_in_dim3A_24 : vector<16x1xf32> to vector<16x4096xf32>
      %sub3A_66 = arith.subf %get3A_1, %sub3A : vector<16x4096xf32>
      %integer_pow3A = arith.mulf %sub3A_66, %sub3A_66 : vector<16x4096xf32>
      %sub3A_67 = vector.broadcast %broadcast_in_dim3A_30 : vector<16x1xf32> to vector<16x4096xf32>
      %sub3A_68 = arith.subf %get3A_4, %sub3A_67 : vector<16x4096xf32>
      %integer_pow3A_69 = arith.mulf %sub3A_68, %sub3A_68 : vector<16x4096xf32>
      %add3A = arith.addf %integer_pow3A, %integer_pow3A_69 : vector<16x4096xf32>
      %sub3A_70 = vector.broadcast %broadcast_in_dim3A_36 : vector<16x1xf32> to vector<16x4096xf32>
      %sub3A_71 = arith.subf %get3A_7, %sub3A_70 : vector<16x4096xf32>
      %integer_pow3A_72 = arith.mulf %sub3A_71, %sub3A_71 : vector<16x4096xf32>
      %add3A_73 = arith.addf %add3A, %integer_pow3A_72 : vector<16x4096xf32>
      %get3A_74 = arith.constant 0 : index
      %get3A_75 = arith.constant 0 : index
      %get3A_76 = vector.load %arg6[%get3A_74, %get3A_75] : memref<16x4096xf32, #tpu.memory_space<vmem>>, vector<16x4096xf32>
      %min3A = arith.minimumf %get3A_76, %add3A_73 : vector<16x4096xf32>
      %swap3A_77 = arith.constant 0 : index
      %swap3A_78 = arith.constant 0 : index
      %swap3A_79 = vector.load %arg6[%swap3A_77, %swap3A_78] : memref<16x4096xf32, #tpu.memory_space<vmem>>, vector<16x4096xf32>
      tpu.vector_store %arg6[%swap3A_77, %swap3A_78], %min3A {strides = array<i32>} : memref<16x4096xf32, #tpu.memory_space<vmem>>, vector<16x4096xf32>,
      %reduce_max3A = arith.constant dense<0xFF800000> : vector<16xf32>
      %reduce_max3A_80 = vector.multi_reduction <maximumf>, %min3A, %reduce_max3A [1] : vector<16x4096xf32> to vector<16xf32>
      %broadcast_in_dim3A_81 = vector.shape_cast %reduce_max3A_80 : vector<16xf32> to vector<16x1xf32>
      %eq3A_82 = vector.broadcast %broadcast_in_dim3A_81 : vector<16x1xf32> to vector<16x4096xf32>
      %eq3A_83 = arith.cmpf oeq, %min3A, %eq3A_82 : vector<16x4096xf32>
      %jit3A_84 = arith.constant 4096 : i32
      %broadcast_in_dim3A_85 = vector.broadcast %jit3A_84 : i32 to vector<16x4096xi32>
      %select_n3A_86 = arith.select %eq3A_83, %iota3A, %broadcast_in_dim3A_85 : vector<16x4096xi1>, vector<16x4096xi32>
      %reduce_min3A = arith.constant dense<2147483647> : vector<16xi32>
      %reduce_min3A_87 = vector.multi_reduction <minsi>, %select_n3A_86, %reduce_min3A [1] : vector<16x4096xi32> to vector<16xi32>
      %broadcast_in_dim3A_88 = vector.shape_cast %reduce_min3A_87 : vector<16xi32> to vector<16x1xi32>
      scf.yield %broadcast_in_dim3A_88 : vector<16x1xi32>
    }
    %scan3A_18 = arith.constant 512 : i32
    return
  }
}

module attributes {stable_mosaic.version = 14 : i64} {
  func.func @_topk_body(%arg0: i32, %arg1: memref<1x512x3xf32, #tpu.memory_space<vmem>>, %arg2: memref<1x4096x3xf32, #tpu.memory_space<vmem>>, %arg3: memref<1x512x32xi32, #tpu.memory_space<vmem>>, %arg4: memref<512x4096xf32, #tpu.memory_space<vmem>>) attributes {dimension_semantics = [#tpu.dimension_semantics<arbitrary>], iteration_bounds = array<i64: 16>, scalar_prefetch = 0 : i64, scratch_operands = 1 : i64, tpu.core_type = #tpu.core_type<tc>, window_params = [{transform_indices = @transform_0, window_bounds = array<i64: 1, 512, 3>}, {transform_indices = @transform_1, window_bounds = array<i64: 1, 4096, 3>}, {transform_indices = @transform_2, window_bounds = array<i64: 1, 512, 32>}]} {
    %get3A = arith.constant 0 : index
    %get3A_0 = arith.constant 0 : index
    %get3A_1 = arith.constant 0 : index
    %get3A_2 = vector.load %arg1[%get3A, %get3A_0, %get3A_1] : memref<1x512x3xf32, #tpu.memory_space<vmem>>, vector<1x512x3xf32>
    %reshape3A = vector.shape_cast %get3A_2 : vector<1x512x3xf32> to vector<512x3xf32>
    %get3A_3 = arith.constant 0 : index
    %get3A_4 = arith.constant 0 : index
    %get3A_5 = arith.constant 0 : index
    %get3A_6 = vector.load %arg2[%get3A_3, %get3A_4, %get3A_5] : memref<1x4096x3xf32, #tpu.memory_space<vmem>>, vector<1x4096x3xf32>
    %reshape3A_7 = vector.shape_cast %get3A_6 : vector<1x4096x3xf32> to vector<4096x3xf32>
    %dot_general3A = arith.constant dense<0.000000e+00> : vector<512x4096xf32>
    %dot_general3A_8 = tpu.matmul %reshape3A, %reshape3A_7, %dot_general3A {dimension_numbers = #tpu.dot_dimension_numbers<[1], [1], [0], [0], [0, 0, 1, 0], [], []>, transpose_lhs_hint = false} : vector<512x3xf32>, vector<4096x3xf32>, vector<512x4096xf32> -> vector<512x4096xf32>
    %mul3A = arith.mulf %reshape3A, %reshape3A : vector<512x3xf32>
    %reduce_sum3A = arith.constant dense<0.000000e+00> : vector<512xf32>
    %reduce_sum3A_9 = vector.multi_reduction <add>, %mul3A, %reduce_sum3A [1] : vector<512x3xf32> to vector<512xf32>
    %broadcast_in_dim3A = vector.shape_cast %reduce_sum3A_9 : vector<512xf32> to vector<512x1xf32>
    %mul3A_10 = arith.mulf %reshape3A_7, %reshape3A_7 : vector<4096x3xf32>
    %reduce_sum3A_11 = arith.constant dense<0.000000e+00> : vector<4096xf32>
    %reduce_sum3A_12 = vector.multi_reduction <add>, %mul3A_10, %reduce_sum3A_11 [1] : vector<4096x3xf32> to vector<4096xf32>
    %broadcast_in_dim3A_13 = vector.shape_cast %reduce_sum3A_12 : vector<4096xf32> to vector<4096x1xf32>
    %reshape3A_14 = vector.shape_cast %broadcast_in_dim3A_13 : vector<4096x1xf32> to vector<1x4096xf32>
    %add3A = vector.broadcast %broadcast_in_dim3A : vector<512x1xf32> to vector<512x4096xf32>
    %add3A_15 = vector.broadcast %reshape3A_14 : vector<1x4096xf32> to vector<512x4096xf32>
    %add3A_16 = arith.addf %add3A, %add3A_15 : vector<512x4096xf32>
    %mul3A_17 = arith.constant 2.000000e+00 : f32
    %mul3A_18 = vector.broadcast %mul3A_17 : f32 to vector<512x4096xf32>
    %mul3A_19 = arith.mulf %mul3A_18, %dot_general3A_8 : vector<512x4096xf32>
    %sub3A = arith.subf %add3A_16, %mul3A_19 : vector<512x4096xf32>
    %swap3A = arith.constant 0 : index
    %swap3A_20 = arith.constant 0 : index
    %swap3A_21 = vector.load %arg4[%swap3A, %swap3A_20] : memref<512x4096xf32, #tpu.memory_space<vmem>>, vector<512x4096xf32>
    tpu.vector_store %arg4[%swap3A, %swap3A_20], %sub3A {strides = array<i32>} : memref<512x4096xf32, #tpu.memory_space<vmem>>, vector<512x4096xf32>,
    %iota3A = tpu.iota {dimensions = array<i32: 1>} : vector<512x4096xi32>
    %iota3A_22 = tpu.iota {dimensions = array<i32: 1>} : vector<512x32xi32>
    %broadcast_in_dim3A_23 = arith.constant 0 : i32
    %broadcast_in_dim3A_24 = vector.broadcast %broadcast_in_dim3A_23 : i32 to vector<512x32xi32>
    %scan3A = arith.constant 0 : i32
    %scan3A_25 = arith.constant 32 : i32
    %scan3A_26 = arith.addi %scan3A, %scan3A_25 : i32
    %scan3A_27 = arith.constant 1 : i32
    %scan3A_28 = scf.for %scan3A_35 = %scan3A to %scan3A_26 step %scan3A_27 iter_args(%scan3A_36 = %broadcast_in_dim3A_24) -> (vector<512x32xi32>)  : i32 {
      %get3A_37 = arith.constant 0 : index
      %get3A_38 = arith.constant 0 : index
      %get3A_39 = vector.load %arg4[%get3A_37, %get3A_38] : memref<512x4096xf32, #tpu.memory_space<vmem>>, vector<512x4096xf32>
      %reduce_min3A = arith.constant dense<0x7F800000> : vector<512xf32>
      %reduce_min3A_40 = vector.multi_reduction <minimumf>, %get3A_39, %reduce_min3A [1] : vector<512x4096xf32> to vector<512xf32>
      %broadcast_in_dim3A_41 = vector.shape_cast %reduce_min3A_40 : vector<512xf32> to vector<512x1xf32>
      %eq3A = vector.broadcast %broadcast_in_dim3A_41 : vector<512x1xf32> to vector<512x4096xf32>
      %eq3A_42 = arith.cmpf oeq, %get3A_39, %eq3A : vector<512x4096xf32>
      %jit3A = arith.constant 4096 : i32
      %broadcast_in_dim3A_43 = vector.broadcast %jit3A : i32 to vector<512x4096xi32>
      %select_n3A = arith.select %eq3A_42, %iota3A, %broadcast_in_dim3A_43 : vector<512x4096xi1>, vector<512x4096xi32>
      %reduce_min3A_44 = arith.constant dense<2147483647> : vector<512xi32>
      %reduce_min3A_45 = vector.multi_reduction <minsi>, %select_n3A, %reduce_min3A_44 [1] : vector<512x4096xi32> to vector<512xi32>
      %broadcast_in_dim3A_46 = vector.shape_cast %reduce_min3A_45 : vector<512xi32> to vector<512x1xi32>
      %eq3A_47 = vector.broadcast %scan3A_35 : i32 to vector<512x32xi32>
      %eq3A_48 = arith.cmpi eq, %iota3A_22, %eq3A_47 : vector<512x32xi32>
      %broadcast_in_dim3A_49 = vector.shape_cast %broadcast_in_dim3A_46 : vector<512x1xi32> to vector<512x1xi32>
      %broadcast_in_dim3A_50 = vector.broadcast %broadcast_in_dim3A_49 : vector<512x1xi32> to vector<512x32xi32>
      %select_n3A_51 = arith.select %eq3A_48, %broadcast_in_dim3A_50, %scan3A_36 : vector<512x32xi1>, vector<512x32xi32>
      %eq3A_52 = vector.broadcast %broadcast_in_dim3A_46 : vector<512x1xi32> to vector<512x4096xi32>
      %eq3A_53 = arith.cmpi eq, %iota3A, %eq3A_52 : vector<512x4096xi32>
      %jit3A_54 = arith.constant 0x7F800000 : f32
      %broadcast_in_dim3A_55 = vector.broadcast %jit3A_54 : f32 to vector<512x4096xf32>
      %select_n3A_56 = arith.select %eq3A_53, %broadcast_in_dim3A_55, %get3A_39 : vector<512x4096xi1>, vector<512x4096xf32>
      %swap3A_57 = arith.constant 0 : index
      %swap3A_58 = arith.constant 0 : index
      %swap3A_59 = vector.load %arg4[%swap3A_57, %swap3A_58] : memref<512x4096xf32, #tpu.memory_space<vmem>>, vector<512x4096xf32>
      tpu.vector_store %arg4[%swap3A_57, %swap3A_58], %select_n3A_56 {strides = array<i32>} : memref<512x4096xf32, #tpu.memory_space<vmem>>, vector<512x4096xf32>,
      scf.yield %select_n3A_51 : vector<512x32xi32>
    }
    %scan3A_29 = arith.constant 32 : i32
    %reshape3A_30 = vector.shape_cast %scan3A_28 : vector<512x32xi32> to vector<1x512x32xi32>
    %swap3A_31 = arith.constant 0 : index
    %swap3A_32 = arith.constant 0 : index
    %swap3A_33 = arith.constant 0 : index
    %swap3A_34 = vector.load %arg3[%swap3A_31, %swap3A_32, %swap3A_33] : memref<1x512x32xi32, #tpu.memory_space<vmem>>, vector<1x512x32xi32>
    tpu.vector_store %arg3[%swap3A_31, %swap3A_32, %swap3A_33], %reshape3A_30 {strides = array<i32>} : memref<1x512x32xi32, #tpu.memory_space<vmem>>, vector<1x512x32xi32>,
    return
  }
  func.func @transform_0(%arg0: i32) -> (i32, i32, i32) {
    %c0_i32 = arith.constant 0 : i32
    %c0_i32_0 = arith.constant 0 : i32
    %c0_i32_1 = arith.constant 0 : i32
    return %arg0, %c0_i32, %c0_i32_0 : i32, i32, i32
  }
  func.func @transform_1(%arg0: i32) -> (i32, i32, i32) {
    %c0_i32 = arith.constant 0 : i32
    %c0_i32_0 = arith.constant 0 : i32
    %c0_i32_1 = arith.constant 0 : i32
    return %arg0, %c0_i32, %c0_i32_0 : i32, i32, i32
  }
  func.func @transform_2(%arg0: i32) -> (i32, i32, i32) {
    %c0_i32 = arith.constant 0 : i32
    %c0_i32_0 = arith.constant 0 : i32
    %c0_i32_1 = arith.constant 0 : i32
    return %arg0, %c0_i32, %c0_i32_0 : i32, i32, i32
  }
}

module attributes {stable_mosaic.version = 14 : i64} {
  func.func @_zstat1_body(%arg0: i32, %arg1: memref<256x32x3xf32, #tpu.memory_space<vmem>>, %arg2: memref<256x3xf32, #tpu.memory_space<vmem>>, %arg3: memref<32x3xf32, #tpu.memory_space<vmem>>, %arg4: memref<1x32xf32, #tpu.memory_space<vmem>>, %arg5: memref<1x32xf32, #tpu.memory_space<vmem>>, %arg6: memref<1x32xf32, #tpu.memory_space<vmem>>) attributes {dimension_semantics = [#tpu.dimension_semantics<arbitrary>], iteration_bounds = array<i64: 32>, scalar_prefetch = 0 : i64, scratch_operands = 0 : i64, tpu.core_type = #tpu.core_type<tc>, window_params = [{transform_indices = @transform_0, window_bounds = array<i64: 256, 32, 3>}, {transform_indices = @transform_1, window_bounds = array<i64: 256, 3>}, {pipeline_mode = #tpu.pipeline_mode<synchronous>, transform_indices = @transform_2, window_bounds = array<i64: 32, 3>}, {pipeline_mode = #tpu.pipeline_mode<synchronous>, transform_indices = @transform_3, window_bounds = array<i64: 1, 32>}, {pipeline_mode = #tpu.pipeline_mode<synchronous>, transform_indices = @transform_4, window_bounds = array<i64: 1, 32>}, {pipeline_mode = #tpu.pipeline_mode<synchronous>, transform_indices = @transform_5, window_bounds = array<i64: 1, 32>}]} {
    %get3A = arith.constant 0 : index
    %get3A_0 = arith.constant 0 : index
    %get3A_1 = arith.constant 0 : index
    %get3A_2 = vector.load %arg1[%get3A, %get3A_0, %get3A_1] : memref<256x32x3xf32, #tpu.memory_space<vmem>>, vector<256x32x3xf32>
    %get3A_3 = arith.constant 0 : index
    %get3A_4 = arith.constant 0 : index
    %get3A_5 = vector.load %arg2[%get3A_3, %get3A_4] : memref<256x3xf32, #tpu.memory_space<vmem>>, vector<256x3xf32>
    %broadcast_in_dim3A = vector.shape_cast %get3A_5 : vector<256x3xf32> to vector<256x1x3xf32>
    %sub3A = vector.broadcast %broadcast_in_dim3A : vector<256x1x3xf32> to vector<256x32x3xf32>
    %sub3A_6 = arith.subf %get3A_2, %sub3A : vector<256x32x3xf32>
    %reshape3A = vector.shape_cast %sub3A_6 : vector<256x32x3xf32> to vector<8192x3xf32>
    %get3A_7 = arith.constant 0 : index
    %get3A_8 = arith.constant 0 : index
    %get3A_9 = vector.load %arg3[%get3A_7, %get3A_8] : memref<32x3xf32, #tpu.memory_space<vmem>>, vector<32x3xf32>
    %dot_general3A = arith.constant dense<0.000000e+00> : vector<8192x32xf32>
    %dot_general3A_10 = tpu.matmul %reshape3A, %get3A_9, %dot_general3A {dimension_numbers = #tpu.dot_dimension_numbers<[1], [1], [0], [0], [0, 0, 1, 0], [], []>, transpose_lhs_hint = false} : vector<8192x3xf32>, vector<32x3xf32>, vector<8192x32xf32> -> vector<8192x32xf32>
    %get3A_11 = arith.constant 0 : index
    %get3A_12 = arith.constant 0 : index
    %get3A_13 = vector.load %arg4[%get3A_11, %get3A_12] : memref<1x32xf32, #tpu.memory_space<vmem>>, vector<1x32xf32>
    %add3A = vector.broadcast %get3A_13 : vector<1x32xf32> to vector<8192x32xf32>
    %add3A_14 = arith.addf %dot_general3A_10, %add3A : vector<8192x32xf32>
    %reduce_sum3A = arith.constant dense<0.000000e+00> : vector<32xf32>
    %reduce_sum3A_15 = vector.multi_reduction <add>, %add3A_14, %reduce_sum3A [0] : vector<8192x32xf32> to vector<32xf32>
    %broadcast_in_dim3A_16 = vector.shape_cast %reduce_sum3A_15 : vector<32xf32> to vector<1x32xf32>
    %eq3A = arith.constant 0 : i32
    %eq3A_17 = arith.cmpi eq, %arg0, %eq3A : i32
    %convert_element_type3A = arith.extui %eq3A_17 : i1 to i32
    %cond3A = arith.constant 0 : i32
    %cond3A_18 = arith.cmpi ne, %convert_element_type3A, %cond3A : i32
    scf.if %cond3A_18 {
      %swap3A = arith.constant 0 : index
      %swap3A_36 = arith.constant 0 : index
      %swap3A_37 = vector.load %arg5[%swap3A, %swap3A_36] : memref<1x32xf32, #tpu.memory_space<vmem>>, vector<1x32xf32>
      tpu.vector_store %arg5[%swap3A, %swap3A_36], %broadcast_in_dim3A_16 {strides = array<i32>} : memref<1x32xf32, #tpu.memory_space<vmem>>, vector<1x32xf32>,
    } else {
    }
    %ne3A = arith.constant 0 : i32
    %ne3A_19 = arith.cmpi ne, %arg0, %ne3A : i32
    %convert_element_type3A_20 = arith.extui %ne3A_19 : i1 to i32
    %cond3A_21 = arith.constant 0 : i32
    %cond3A_22 = arith.cmpi ne, %convert_element_type3A_20, %cond3A_21 : i32
    scf.if %cond3A_22 {
      %get3A_36 = arith.constant 0 : index
      %get3A_37 = arith.constant 0 : index
      %get3A_38 = vector.load %arg5[%get3A_36, %get3A_37] : memref<1x32xf32, #tpu.memory_space<vmem>>, vector<1x32xf32>
      %add3A_39 = arith.addf %get3A_38, %broadcast_in_dim3A_16 : vector<1x32xf32>
      %swap3A = arith.constant 0 : index
      %swap3A_40 = arith.constant 0 : index
      %swap3A_41 = vector.load %arg5[%swap3A, %swap3A_40] : memref<1x32xf32, #tpu.memory_space<vmem>>, vector<1x32xf32>
      tpu.vector_store %arg5[%swap3A, %swap3A_40], %add3A_39 {strides = array<i32>} : memref<1x32xf32, #tpu.memory_space<vmem>>, vector<1x32xf32>,
    } else {
    }
    %mul3A = arith.mulf %add3A_14, %add3A_14 : vector<8192x32xf32>
    %reduce_sum3A_23 = arith.constant dense<0.000000e+00> : vector<32xf32>
    %reduce_sum3A_24 = vector.multi_reduction <add>, %mul3A, %reduce_sum3A_23 [0] : vector<8192x32xf32> to vector<32xf32>
    %broadcast_in_dim3A_25 = vector.shape_cast %reduce_sum3A_24 : vector<32xf32> to vector<1x32xf32>
    %eq3A_26 = arith.constant 0 : i32
    %eq3A_27 = arith.cmpi eq, %arg0, %eq3A_26 : i32
    %convert_element_type3A_28 = arith.extui %eq3A_27 : i1 to i32
    %cond3A_29 = arith.constant 0 : i32
    %cond3A_30 = arith.cmpi ne, %convert_element_type3A_28, %cond3A_29 : i32
    scf.if %cond3A_30 {
      %swap3A = arith.constant 0 : index
      %swap3A_36 = arith.constant 0 : index
      %swap3A_37 = vector.load %arg6[%swap3A, %swap3A_36] : memref<1x32xf32, #tpu.memory_space<vmem>>, vector<1x32xf32>
      tpu.vector_store %arg6[%swap3A, %swap3A_36], %broadcast_in_dim3A_25 {strides = array<i32>} : memref<1x32xf32, #tpu.memory_space<vmem>>, vector<1x32xf32>,
    } else {
    }
    %ne3A_31 = arith.constant 0 : i32
    %ne3A_32 = arith.cmpi ne, %arg0, %ne3A_31 : i32
    %convert_element_type3A_33 = arith.extui %ne3A_32 : i1 to i32
    %cond3A_34 = arith.constant 0 : i32
    %cond3A_35 = arith.cmpi ne, %convert_element_type3A_33, %cond3A_34 : i32
    scf.if %cond3A_35 {
      %get3A_36 = arith.constant 0 : index
      %get3A_37 = arith.constant 0 : index
      %get3A_38 = vector.load %arg6[%get3A_36, %get3A_37] : memref<1x32xf32, #tpu.memory_space<vmem>>, vector<1x32xf32>
      %add3A_39 = arith.addf %get3A_38, %broadcast_in_dim3A_25 : vector<1x32xf32>
      %swap3A = arith.constant 0 : index
      %swap3A_40 = arith.constant 0 : index
      %swap3A_41 = vector.load %arg6[%swap3A, %swap3A_40] : memref<1x32xf32, #tpu.memory_space<vmem>>, vector<1x32xf32>
      tpu.vector_store %arg6[%swap3A, %swap3A_40], %add3A_39 {strides = array<i32>} : memref<1x32xf32, #tpu.memory_space<vmem>>, vector<1x32xf32>,
    } else {
    }
    return
  }
  func.func @transform_0(%arg0: i32) -> (i32, i32, i32) {
    %c0_i32 = arith.constant 0 : i32
    %c0_i32_0 = arith.constant 0 : i32
    %c0_i32_1 = arith.constant 0 : i32
    return %arg0, %c0_i32, %c0_i32_0 : i32, i32, i32
  }
  func.func @transform_1(%arg0: i32) -> (i32, i32) {
    %c0_i32 = arith.constant 0 : i32
    %c0_i32_0 = arith.constant 0 : i32
    return %arg0, %c0_i32 : i32, i32
  }
  func.func @transform_2(%arg0: i32) -> (i32, i32) {
    %c0_i32 = arith.constant 0 : i32
    %c0_i32_0 = arith.constant 0 : i32
    %c0_i32_1 = arith.constant 0 : i32
    return %c0_i32, %c0_i32_0 : i32, i32
  }
  func.func @transform_3(%arg0: i32) -> (i32, i32) {
    %c0_i32 = arith.constant 0 : i32
    %c0_i32_0 = arith.constant 0 : i32
    %c0_i32_1 = arith.constant 0 : i32
    return %c0_i32, %c0_i32_0 : i32, i32
  }
  func.func @transform_4(%arg0: i32) -> (i32, i32) {
    %c0_i32 = arith.constant 0 : i32
    %c0_i32_0 = arith.constant 0 : i32
    %c0_i32_1 = arith.constant 0 : i32
    return %c0_i32, %c0_i32_0 : i32, i32
  }
  func.func @transform_5(%arg0: i32) -> (i32, i32) {
    %c0_i32 = arith.constant 0 : i32
    %c0_i32_0 = arith.constant 0 : i32
    %c0_i32_1 = arith.constant 0 : i32
    return %c0_i32, %c0_i32_0 : i32, i32
  }
}

module attributes {stable_mosaic.version = 14 : i64} {
  func.func @_zstat1_body(%arg0: i32, %arg1: memref<256x16x3xf32, #tpu.memory_space<vmem>>, %arg2: memref<256x3xf32, #tpu.memory_space<vmem>>, %arg3: memref<32x3xf32, #tpu.memory_space<vmem>>, %arg4: memref<1x32xf32, #tpu.memory_space<vmem>>, %arg5: memref<1x32xf32, #tpu.memory_space<vmem>>, %arg6: memref<1x32xf32, #tpu.memory_space<vmem>>) attributes {dimension_semantics = [#tpu.dimension_semantics<arbitrary>], iteration_bounds = array<i64: 32>, scalar_prefetch = 0 : i64, scratch_operands = 0 : i64, tpu.core_type = #tpu.core_type<tc>, window_params = [{transform_indices = @transform_0, window_bounds = array<i64: 256, 16, 3>}, {transform_indices = @transform_1, window_bounds = array<i64: 256, 3>}, {pipeline_mode = #tpu.pipeline_mode<synchronous>, transform_indices = @transform_2, window_bounds = array<i64: 32, 3>}, {pipeline_mode = #tpu.pipeline_mode<synchronous>, transform_indices = @transform_3, window_bounds = array<i64: 1, 32>}, {pipeline_mode = #tpu.pipeline_mode<synchronous>, transform_indices = @transform_4, window_bounds = array<i64: 1, 32>}, {pipeline_mode = #tpu.pipeline_mode<synchronous>, transform_indices = @transform_5, window_bounds = array<i64: 1, 32>}]} {
    %get3A = arith.constant 0 : index
    %get3A_0 = arith.constant 0 : index
    %get3A_1 = arith.constant 0 : index
    %get3A_2 = vector.load %arg1[%get3A, %get3A_0, %get3A_1] : memref<256x16x3xf32, #tpu.memory_space<vmem>>, vector<256x16x3xf32>
    %get3A_3 = arith.constant 0 : index
    %get3A_4 = arith.constant 0 : index
    %get3A_5 = vector.load %arg2[%get3A_3, %get3A_4] : memref<256x3xf32, #tpu.memory_space<vmem>>, vector<256x3xf32>
    %broadcast_in_dim3A = vector.shape_cast %get3A_5 : vector<256x3xf32> to vector<256x1x3xf32>
    %sub3A = vector.broadcast %broadcast_in_dim3A : vector<256x1x3xf32> to vector<256x16x3xf32>
    %sub3A_6 = arith.subf %get3A_2, %sub3A : vector<256x16x3xf32>
    %reshape3A = vector.shape_cast %sub3A_6 : vector<256x16x3xf32> to vector<4096x3xf32>
    %get3A_7 = arith.constant 0 : index
    %get3A_8 = arith.constant 0 : index
    %get3A_9 = vector.load %arg3[%get3A_7, %get3A_8] : memref<32x3xf32, #tpu.memory_space<vmem>>, vector<32x3xf32>
    %dot_general3A = arith.constant dense<0.000000e+00> : vector<4096x32xf32>
    %dot_general3A_10 = tpu.matmul %reshape3A, %get3A_9, %dot_general3A {dimension_numbers = #tpu.dot_dimension_numbers<[1], [1], [0], [0], [0, 0, 1, 0], [], []>, transpose_lhs_hint = false} : vector<4096x3xf32>, vector<32x3xf32>, vector<4096x32xf32> -> vector<4096x32xf32>
    %get3A_11 = arith.constant 0 : index
    %get3A_12 = arith.constant 0 : index
    %get3A_13 = vector.load %arg4[%get3A_11, %get3A_12] : memref<1x32xf32, #tpu.memory_space<vmem>>, vector<1x32xf32>
    %add3A = vector.broadcast %get3A_13 : vector<1x32xf32> to vector<4096x32xf32>
    %add3A_14 = arith.addf %dot_general3A_10, %add3A : vector<4096x32xf32>
    %reduce_sum3A = arith.constant dense<0.000000e+00> : vector<32xf32>
    %reduce_sum3A_15 = vector.multi_reduction <add>, %add3A_14, %reduce_sum3A [0] : vector<4096x32xf32> to vector<32xf32>
    %broadcast_in_dim3A_16 = vector.shape_cast %reduce_sum3A_15 : vector<32xf32> to vector<1x32xf32>
    %eq3A = arith.constant 0 : i32
    %eq3A_17 = arith.cmpi eq, %arg0, %eq3A : i32
    %convert_element_type3A = arith.extui %eq3A_17 : i1 to i32
    %cond3A = arith.constant 0 : i32
    %cond3A_18 = arith.cmpi ne, %convert_element_type3A, %cond3A : i32
    scf.if %cond3A_18 {
      %swap3A = arith.constant 0 : index
      %swap3A_36 = arith.constant 0 : index
      %swap3A_37 = vector.load %arg5[%swap3A, %swap3A_36] : memref<1x32xf32, #tpu.memory_space<vmem>>, vector<1x32xf32>
      tpu.vector_store %arg5[%swap3A, %swap3A_36], %broadcast_in_dim3A_16 {strides = array<i32>} : memref<1x32xf32, #tpu.memory_space<vmem>>, vector<1x32xf32>,
    } else {
    }
    %ne3A = arith.constant 0 : i32
    %ne3A_19 = arith.cmpi ne, %arg0, %ne3A : i32
    %convert_element_type3A_20 = arith.extui %ne3A_19 : i1 to i32
    %cond3A_21 = arith.constant 0 : i32
    %cond3A_22 = arith.cmpi ne, %convert_element_type3A_20, %cond3A_21 : i32
    scf.if %cond3A_22 {
      %get3A_36 = arith.constant 0 : index
      %get3A_37 = arith.constant 0 : index
      %get3A_38 = vector.load %arg5[%get3A_36, %get3A_37] : memref<1x32xf32, #tpu.memory_space<vmem>>, vector<1x32xf32>
      %add3A_39 = arith.addf %get3A_38, %broadcast_in_dim3A_16 : vector<1x32xf32>
      %swap3A = arith.constant 0 : index
      %swap3A_40 = arith.constant 0 : index
      %swap3A_41 = vector.load %arg5[%swap3A, %swap3A_40] : memref<1x32xf32, #tpu.memory_space<vmem>>, vector<1x32xf32>
      tpu.vector_store %arg5[%swap3A, %swap3A_40], %add3A_39 {strides = array<i32>} : memref<1x32xf32, #tpu.memory_space<vmem>>, vector<1x32xf32>,
    } else {
    }
    %mul3A = arith.mulf %add3A_14, %add3A_14 : vector<4096x32xf32>
    %reduce_sum3A_23 = arith.constant dense<0.000000e+00> : vector<32xf32>
    %reduce_sum3A_24 = vector.multi_reduction <add>, %mul3A, %reduce_sum3A_23 [0] : vector<4096x32xf32> to vector<32xf32>
    %broadcast_in_dim3A_25 = vector.shape_cast %reduce_sum3A_24 : vector<32xf32> to vector<1x32xf32>
    %eq3A_26 = arith.constant 0 : i32
    %eq3A_27 = arith.cmpi eq, %arg0, %eq3A_26 : i32
    %convert_element_type3A_28 = arith.extui %eq3A_27 : i1 to i32
    %cond3A_29 = arith.constant 0 : i32
    %cond3A_30 = arith.cmpi ne, %convert_element_type3A_28, %cond3A_29 : i32
    scf.if %cond3A_30 {
      %swap3A = arith.constant 0 : index
      %swap3A_36 = arith.constant 0 : index
      %swap3A_37 = vector.load %arg6[%swap3A, %swap3A_36] : memref<1x32xf32, #tpu.memory_space<vmem>>, vector<1x32xf32>
      tpu.vector_store %arg6[%swap3A, %swap3A_36], %broadcast_in_dim3A_25 {strides = array<i32>} : memref<1x32xf32, #tpu.memory_space<vmem>>, vector<1x32xf32>,
    } else {
    }
    %ne3A_31 = arith.constant 0 : i32
    %ne3A_32 = arith.cmpi ne, %arg0, %ne3A_31 : i32
    %convert_element_type3A_33 = arith.extui %ne3A_32 : i1 to i32
    %cond3A_34 = arith.constant 0 : i32
    %cond3A_35 = arith.cmpi ne, %convert_element_type3A_33, %cond3A_34 : i32
    scf.if %cond3A_35 {
      %get3A_36 = arith.constant 0 : index
      %get3A_37 = arith.constant 0 : index
      %get3A_38 = vector.load %arg6[%get3A_36, %get3A_37] : memref<1x32xf32, #tpu.memory_space<vmem>>, vector<1x32xf32>
      %add3A_39 = arith.addf %get3A_38, %broadcast_in_dim3A_25 : vector<1x32xf32>
      %swap3A = arith.constant 0 : index
      %swap3A_40 = arith.constant 0 : index
      %swap3A_41 = vector.load %arg6[%swap3A, %swap3A_40] : memref<1x32xf32, #tpu.memory_space<vmem>>, vector<1x32xf32>
      tpu.vector_store %arg6[%swap3A, %swap3A_40], %add3A_39 {strides = array<i32>} : memref<1x32xf32, #tpu.memory_space<vmem>>, vector<1x32xf32>,
    } else {
    }
    return
  }
  func.func @transform_0(%arg0: i32) -> (i32, i32, i32) {
    %c0_i32 = arith.constant 0 : i32
    %c0_i32_0 = arith.constant 0 : i32
    %c0_i32_1 = arith.constant 0 : i32
    return %arg0, %c0_i32, %c0_i32_0 : i32, i32, i32
  }
  func.func @transform_1(%arg0: i32) -> (i32, i32) {
    %c0_i32 = arith.constant 0 : i32
    %c0_i32_0 = arith.constant 0 : i32
    return %arg0, %c0_i32 : i32, i32
  }
  func.func @transform_2(%arg0: i32) -> (i32, i32) {
    %c0_i32 = arith.constant 0 : i32
    %c0_i32_0 = arith.constant 0 : i32
    %c0_i32_1 = arith.constant 0 : i32
    return %c0_i32, %c0_i32_0 : i32, i32
  }
  func.func @transform_3(%arg0: i32) -> (i32, i32) {
    %c0_i32 = arith.constant 0 : i32
    %c0_i32_0 = arith.constant 0 : i32
    %c0_i32_1 = arith.constant 0 : i32
    return %c0_i32, %c0_i32_0 : i32, i32
  }
  func.func @transform_4(%arg0: i32) -> (i32, i32) {
    %c0_i32 = arith.constant 0 : i32
    %c0_i32_0 = arith.constant 0 : i32
    %c0_i32_1 = arith.constant 0 : i32
    return %c0_i32, %c0_i32_0 : i32, i32
  }
  func.func @transform_5(%arg0: i32) -> (i32, i32) {
    %c0_i32 = arith.constant 0 : i32
    %c0_i32_0 = arith.constant 0 : i32
    %c0_i32_1 = arith.constant 0 : i32
    return %c0_i32, %c0_i32_0 : i32, i32
  }
}

module attributes {stable_mosaic.version = 14 : i64} {
  func.func @_zstat2_body(%arg0: i32, %arg1: memref<256x16x3xf32, #tpu.memory_space<vmem>>, %arg2: memref<256x3xf32, #tpu.memory_space<vmem>>, %arg3: memref<32x3xf32, #tpu.memory_space<vmem>>, %arg4: memref<1x32xf32, #tpu.memory_space<vmem>>, %arg5: memref<1x32xf32, #tpu.memory_space<vmem>>, %arg6: memref<1x32xf32, #tpu.memory_space<vmem>>, %arg7: memref<64x32xf32, #tpu.memory_space<vmem>>, %arg8: memref<1x64xf32, #tpu.memory_space<vmem>>, %arg9: memref<1x64xf32, #tpu.memory_space<vmem>>, %arg10: memref<1x64xf32, #tpu.memory_space<vmem>>) attributes {dimension_semantics = [#tpu.dimension_semantics<arbitrary>], iteration_bounds = array<i64: 32>, scalar_prefetch = 0 : i64, scratch_operands = 0 : i64, tpu.core_type = #tpu.core_type<tc>, window_params = [{transform_indices = @transform_0, window_bounds = array<i64: 256, 16, 3>}, {transform_indices = @transform_1, window_bounds = array<i64: 256, 3>}, {pipeline_mode = #tpu.pipeline_mode<synchronous>, transform_indices = @transform_2, window_bounds = array<i64: 32, 3>}, {pipeline_mode = #tpu.pipeline_mode<synchronous>, transform_indices = @transform_3, window_bounds = array<i64: 1, 32>}, {pipeline_mode = #tpu.pipeline_mode<synchronous>, transform_indices = @transform_4, window_bounds = array<i64: 1, 32>}, {pipeline_mode = #tpu.pipeline_mode<synchronous>, transform_indices = @transform_5, window_bounds = array<i64: 1, 32>}, {pipeline_mode = #tpu.pipeline_mode<synchronous>, transform_indices = @transform_6, window_bounds = array<i64: 64, 32>}, {pipeline_mode = #tpu.pipeline_mode<synchronous>, transform_indices = @transform_7, window_bounds = array<i64: 1, 64>}, {pipeline_mode = #tpu.pipeline_mode<synchronous>, transform_indices = @transform_8, window_bounds = array<i64: 1, 64>}, {pipeline_mode = #tpu.pipeline_mode<synchronous>, transform_indices = @transform_9, window_bounds = array<i64: 1, 64>}]} {
    %get3A = arith.constant 0 : index
    %get3A_0 = arith.constant 0 : index
    %get3A_1 = arith.constant 0 : index
    %get3A_2 = vector.load %arg1[%get3A, %get3A_0, %get3A_1] : memref<256x16x3xf32, #tpu.memory_space<vmem>>, vector<256x16x3xf32>
    %get3A_3 = arith.constant 0 : index
    %get3A_4 = arith.constant 0 : index
    %get3A_5 = vector.load %arg2[%get3A_3, %get3A_4] : memref<256x3xf32, #tpu.memory_space<vmem>>, vector<256x3xf32>
    %broadcast_in_dim3A = vector.shape_cast %get3A_5 : vector<256x3xf32> to vector<256x1x3xf32>
    %sub3A = vector.broadcast %broadcast_in_dim3A : vector<256x1x3xf32> to vector<256x16x3xf32>
    %sub3A_6 = arith.subf %get3A_2, %sub3A : vector<256x16x3xf32>
    %reshape3A = vector.shape_cast %sub3A_6 : vector<256x16x3xf32> to vector<4096x3xf32>
    %get3A_7 = arith.constant 0 : index
    %get3A_8 = arith.constant 0 : index
    %get3A_9 = vector.load %arg3[%get3A_7, %get3A_8] : memref<32x3xf32, #tpu.memory_space<vmem>>, vector<32x3xf32>
    %dot_general3A = arith.constant dense<0.000000e+00> : vector<4096x32xf32>
    %dot_general3A_10 = tpu.matmul %reshape3A, %get3A_9, %dot_general3A {dimension_numbers = #tpu.dot_dimension_numbers<[1], [1], [0], [0], [0, 0, 1, 0], [], []>, transpose_lhs_hint = false} : vector<4096x3xf32>, vector<32x3xf32>, vector<4096x32xf32> -> vector<4096x32xf32>
    %get3A_11 = arith.constant 0 : index
    %get3A_12 = arith.constant 0 : index
    %get3A_13 = vector.load %arg4[%get3A_11, %get3A_12] : memref<1x32xf32, #tpu.memory_space<vmem>>, vector<1x32xf32>
    %add3A = vector.broadcast %get3A_13 : vector<1x32xf32> to vector<4096x32xf32>
    %add3A_14 = arith.addf %dot_general3A_10, %add3A : vector<4096x32xf32>
    %get3A_15 = arith.constant 0 : index
    %get3A_16 = arith.constant 0 : index
    %get3A_17 = vector.load %arg5[%get3A_15, %get3A_16] : memref<1x32xf32, #tpu.memory_space<vmem>>, vector<1x32xf32>
    %mul3A = vector.broadcast %get3A_17 : vector<1x32xf32> to vector<4096x32xf32>
    %mul3A_18 = arith.mulf %add3A_14, %mul3A : vector<4096x32xf32>
    %get3A_19 = arith.constant 0 : index
    %get3A_20 = arith.constant 0 : index
    %get3A_21 = vector.load %arg6[%get3A_19, %get3A_20] : memref<1x32xf32, #tpu.memory_space<vmem>>, vector<1x32xf32>
    %add3A_22 = vector.broadcast %get3A_21 : vector<1x32xf32> to vector<4096x32xf32>
    %add3A_23 = arith.addf %mul3A_18, %add3A_22 : vector<4096x32xf32>
    %max3A = arith.constant 0.000000e+00 : f32
    %max3A_24 = vector.broadcast %max3A : f32 to vector<4096x32xf32>
    %max3A_25 = arith.maximumf %add3A_23, %max3A_24 : vector<4096x32xf32>
    %get3A_26 = arith.constant 0 : index
    %get3A_27 = arith.constant 0 : index
    %get3A_28 = vector.load %arg7[%get3A_26, %get3A_27] : memref<64x32xf32, #tpu.memory_space<vmem>>, vector<64x32xf32>
    %dot_general3A_29 = arith.constant dense<0.000000e+00> : vector<4096x64xf32>
    %dot_general3A_30 = tpu.matmul %max3A_25, %get3A_28, %dot_general3A_29 {dimension_numbers = #tpu.dot_dimension_numbers<[1], [1], [0], [0], [0, 0, 1, 0], [], []>, transpose_lhs_hint = false} : vector<4096x32xf32>, vector<64x32xf32>, vector<4096x64xf32> -> vector<4096x64xf32>
    %get3A_31 = arith.constant 0 : index
    %get3A_32 = arith.constant 0 : index
    %get3A_33 = vector.load %arg8[%get3A_31, %get3A_32] : memref<1x64xf32, #tpu.memory_space<vmem>>, vector<1x64xf32>
    %add3A_34 = vector.broadcast %get3A_33 : vector<1x64xf32> to vector<4096x64xf32>
    %add3A_35 = arith.addf %dot_general3A_30, %add3A_34 : vector<4096x64xf32>
    %reduce_sum3A = arith.constant dense<0.000000e+00> : vector<64xf32>
    %reduce_sum3A_36 = vector.multi_reduction <add>, %add3A_35, %reduce_sum3A [0] : vector<4096x64xf32> to vector<64xf32>
    %broadcast_in_dim3A_37 = vector.shape_cast %reduce_sum3A_36 : vector<64xf32> to vector<1x64xf32>
    %eq3A = arith.constant 0 : i32
    %eq3A_38 = arith.cmpi eq, %arg0, %eq3A : i32
    %convert_element_type3A = arith.extui %eq3A_38 : i1 to i32
    %cond3A = arith.constant 0 : i32
    %cond3A_39 = arith.cmpi ne, %convert_element_type3A, %cond3A : i32
    scf.if %cond3A_39 {
      %swap3A = arith.constant 0 : index
      %swap3A_58 = arith.constant 0 : index
      %swap3A_59 = vector.load %arg9[%swap3A, %swap3A_58] : memref<1x64xf32, #tpu.memory_space<vmem>>, vector<1x64xf32>
      tpu.vector_store %arg9[%swap3A, %swap3A_58], %broadcast_in_dim3A_37 {strides = array<i32>} : memref<1x64xf32, #tpu.memory_space<vmem>>, vector<1x64xf32>,
    } else {
    }
    %ne3A = arith.constant 0 : i32
    %ne3A_40 = arith.cmpi ne, %arg0, %ne3A : i32
    %convert_element_type3A_41 = arith.extui %ne3A_40 : i1 to i32
    %cond3A_42 = arith.constant 0 : i32
    %cond3A_43 = arith.cmpi ne, %convert_element_type3A_41, %cond3A_42 : i32
    scf.if %cond3A_43 {
      %get3A_58 = arith.constant 0 : index
      %get3A_59 = arith.constant 0 : index
      %get3A_60 = vector.load %arg9[%get3A_58, %get3A_59] : memref<1x64xf32, #tpu.memory_space<vmem>>, vector<1x64xf32>
      %add3A_61 = arith.addf %get3A_60, %broadcast_in_dim3A_37 : vector<1x64xf32>
      %swap3A = arith.constant 0 : index
      %swap3A_62 = arith.constant 0 : index
      %swap3A_63 = vector.load %arg9[%swap3A, %swap3A_62] : memref<1x64xf32, #tpu.memory_space<vmem>>, vector<1x64xf32>
      tpu.vector_store %arg9[%swap3A, %swap3A_62], %add3A_61 {strides = array<i32>} : memref<1x64xf32, #tpu.memory_space<vmem>>, vector<1x64xf32>,
    } else {
    }
    %mul3A_44 = arith.mulf %add3A_35, %add3A_35 : vector<4096x64xf32>
    %reduce_sum3A_45 = arith.constant dense<0.000000e+00> : vector<64xf32>
    %reduce_sum3A_46 = vector.multi_reduction <add>, %mul3A_44, %reduce_sum3A_45 [0] : vector<4096x64xf32> to vector<64xf32>
    %broadcast_in_dim3A_47 = vector.shape_cast %reduce_sum3A_46 : vector<64xf32> to vector<1x64xf32>
    %eq3A_48 = arith.constant 0 : i32
    %eq3A_49 = arith.cmpi eq, %arg0, %eq3A_48 : i32
    %convert_element_type3A_50 = arith.extui %eq3A_49 : i1 to i32
    %cond3A_51 = arith.constant 0 : i32
    %cond3A_52 = arith.cmpi ne, %convert_element_type3A_50, %cond3A_51 : i32
    scf.if %cond3A_52 {
      %swap3A = arith.constant 0 : index
      %swap3A_58 = arith.constant 0 : index
      %swap3A_59 = vector.load %arg10[%swap3A, %swap3A_58] : memref<1x64xf32, #tpu.memory_space<vmem>>, vector<1x64xf32>
      tpu.vector_store %arg10[%swap3A, %swap3A_58], %broadcast_in_dim3A_47 {strides = array<i32>} : memref<1x64xf32, #tpu.memory_space<vmem>>, vector<1x64xf32>,
    } else {
    }
    %ne3A_53 = arith.constant 0 : i32
    %ne3A_54 = arith.cmpi ne, %arg0, %ne3A_53 : i32
    %convert_element_type3A_55 = arith.extui %ne3A_54 : i1 to i32
    %cond3A_56 = arith.constant 0 : i32
    %cond3A_57 = arith.cmpi ne, %convert_element_type3A_55, %cond3A_56 : i32
    scf.if %cond3A_57 {
      %get3A_58 = arith.constant 0 : index
      %get3A_59 = arith.constant 0 : index
      %get3A_60 = vector.load %arg10[%get3A_58, %get3A_59] : memref<1x64xf32, #tpu.memory_space<vmem>>, vector<1x64xf32>
      %add3A_61 = arith.addf %get3A_60, %broadcast_in_dim3A_47 : vector<1x64xf32>
      %swap3A = arith.constant 0 : index
      %swap3A_62 = arith.constant 0 : index
      %swap3A_63 = vector.load %arg10[%swap3A, %swap3A_62] : memref<1x64xf32, #tpu.memory_space<vmem>>, vector<1x64xf32>
      tpu.vector_store %arg10[%swap3A, %swap3A_62], %add3A_61 {strides = array<i32>} : memref<1x64xf32, #tpu.memory_space<vmem>>, vector<1x64xf32>,
    } else {
    }
    return
  }
  func.func @transform_0(%arg0: i32) -> (i32, i32, i32) {
    %c0_i32 = arith.constant 0 : i32
    %c0_i32_0 = arith.constant 0 : i32
    %c0_i32_1 = arith.constant 0 : i32
    return %arg0, %c0_i32, %c0_i32_0 : i32, i32, i32
  }
  func.func @transform_1(%arg0: i32) -> (i32, i32) {
    %c0_i32 = arith.constant 0 : i32
    %c0_i32_0 = arith.constant 0 : i32
    return %arg0, %c0_i32 : i32, i32
  }
  func.func @transform_2(%arg0: i32) -> (i32, i32) {
    %c0_i32 = arith.constant 0 : i32
    %c0_i32_0 = arith.constant 0 : i32
    %c0_i32_1 = arith.constant 0 : i32
    return %c0_i32, %c0_i32_0 : i32, i32
  }
  func.func @transform_3(%arg0: i32) -> (i32, i32) {
    %c0_i32 = arith.constant 0 : i32
    %c0_i32_0 = arith.constant 0 : i32
    %c0_i32_1 = arith.constant 0 : i32
    return %c0_i32, %c0_i32_0 : i32, i32
  }
  func.func @transform_4(%arg0: i32) -> (i32, i32) {
    %c0_i32 = arith.constant 0 : i32
    %c0_i32_0 = arith.constant 0 : i32
    %c0_i32_1 = arith.constant 0 : i32
    return %c0_i32, %c0_i32_0 : i32, i32
  }
  func.func @transform_5(%arg0: i32) -> (i32, i32) {
    %c0_i32 = arith.constant 0 : i32
    %c0_i32_0 = arith.constant 0 : i32
    %c0_i32_1 = arith.constant 0 : i32
    return %c0_i32, %c0_i32_0 : i32, i32
  }
  func.func @transform_6(%arg0: i32) -> (i32, i32) {
    %c0_i32 = arith.constant 0 : i32
    %c0_i32_0 = arith.constant 0 : i32
    %c0_i32_1 = arith.constant 0 : i32
    return %c0_i32, %c0_i32_0 : i32, i32
  }
  func.func @transform_7(%arg0: i32) -> (i32, i32) {
    %c0_i32 = arith.constant 0 : i32
    %c0_i32_0 = arith.constant 0 : i32
    %c0_i32_1 = arith.constant 0 : i32
    return %c0_i32, %c0_i32_0 : i32, i32
  }
  func.func @transform_8(%arg0: i32) -> (i32, i32) {
    %c0_i32 = arith.constant 0 : i32
    %c0_i32_0 = arith.constant 0 : i32
    %c0_i32_1 = arith.constant 0 : i32
    return %c0_i32, %c0_i32_0 : i32, i32
  }
  func.func @transform_9(%arg0: i32) -> (i32, i32) {
    %c0_i32 = arith.constant 0 : i32
    %c0_i32_0 = arith.constant 0 : i32
    %c0_i32_1 = arith.constant 0 : i32
    return %c0_i32, %c0_i32_0 : i32, i32
  }
}

module attributes {stable_mosaic.version = 14 : i64} {
  func.func @_zstat2_body(%arg0: i32, %arg1: memref<256x32x3xf32, #tpu.memory_space<vmem>>, %arg2: memref<256x3xf32, #tpu.memory_space<vmem>>, %arg3: memref<32x3xf32, #tpu.memory_space<vmem>>, %arg4: memref<1x32xf32, #tpu.memory_space<vmem>>, %arg5: memref<1x32xf32, #tpu.memory_space<vmem>>, %arg6: memref<1x32xf32, #tpu.memory_space<vmem>>, %arg7: memref<64x32xf32, #tpu.memory_space<vmem>>, %arg8: memref<1x64xf32, #tpu.memory_space<vmem>>, %arg9: memref<1x64xf32, #tpu.memory_space<vmem>>, %arg10: memref<1x64xf32, #tpu.memory_space<vmem>>) attributes {dimension_semantics = [#tpu.dimension_semantics<arbitrary>], iteration_bounds = array<i64: 32>, scalar_prefetch = 0 : i64, scratch_operands = 0 : i64, tpu.core_type = #tpu.core_type<tc>, window_params = [{transform_indices = @transform_0, window_bounds = array<i64: 256, 32, 3>}, {transform_indices = @transform_1, window_bounds = array<i64: 256, 3>}, {pipeline_mode = #tpu.pipeline_mode<synchronous>, transform_indices = @transform_2, window_bounds = array<i64: 32, 3>}, {pipeline_mode = #tpu.pipeline_mode<synchronous>, transform_indices = @transform_3, window_bounds = array<i64: 1, 32>}, {pipeline_mode = #tpu.pipeline_mode<synchronous>, transform_indices = @transform_4, window_bounds = array<i64: 1, 32>}, {pipeline_mode = #tpu.pipeline_mode<synchronous>, transform_indices = @transform_5, window_bounds = array<i64: 1, 32>}, {pipeline_mode = #tpu.pipeline_mode<synchronous>, transform_indices = @transform_6, window_bounds = array<i64: 64, 32>}, {pipeline_mode = #tpu.pipeline_mode<synchronous>, transform_indices = @transform_7, window_bounds = array<i64: 1, 64>}, {pipeline_mode = #tpu.pipeline_mode<synchronous>, transform_indices = @transform_8, window_bounds = array<i64: 1, 64>}, {pipeline_mode = #tpu.pipeline_mode<synchronous>, transform_indices = @transform_9, window_bounds = array<i64: 1, 64>}]} {
    %get3A = arith.constant 0 : index
    %get3A_0 = arith.constant 0 : index
    %get3A_1 = arith.constant 0 : index
    %get3A_2 = vector.load %arg1[%get3A, %get3A_0, %get3A_1] : memref<256x32x3xf32, #tpu.memory_space<vmem>>, vector<256x32x3xf32>
    %get3A_3 = arith.constant 0 : index
    %get3A_4 = arith.constant 0 : index
    %get3A_5 = vector.load %arg2[%get3A_3, %get3A_4] : memref<256x3xf32, #tpu.memory_space<vmem>>, vector<256x3xf32>
    %broadcast_in_dim3A = vector.shape_cast %get3A_5 : vector<256x3xf32> to vector<256x1x3xf32>
    %sub3A = vector.broadcast %broadcast_in_dim3A : vector<256x1x3xf32> to vector<256x32x3xf32>
    %sub3A_6 = arith.subf %get3A_2, %sub3A : vector<256x32x3xf32>
    %reshape3A = vector.shape_cast %sub3A_6 : vector<256x32x3xf32> to vector<8192x3xf32>
    %get3A_7 = arith.constant 0 : index
    %get3A_8 = arith.constant 0 : index
    %get3A_9 = vector.load %arg3[%get3A_7, %get3A_8] : memref<32x3xf32, #tpu.memory_space<vmem>>, vector<32x3xf32>
    %dot_general3A = arith.constant dense<0.000000e+00> : vector<8192x32xf32>
    %dot_general3A_10 = tpu.matmul %reshape3A, %get3A_9, %dot_general3A {dimension_numbers = #tpu.dot_dimension_numbers<[1], [1], [0], [0], [0, 0, 1, 0], [], []>, transpose_lhs_hint = false} : vector<8192x3xf32>, vector<32x3xf32>, vector<8192x32xf32> -> vector<8192x32xf32>
    %get3A_11 = arith.constant 0 : index
    %get3A_12 = arith.constant 0 : index
    %get3A_13 = vector.load %arg4[%get3A_11, %get3A_12] : memref<1x32xf32, #tpu.memory_space<vmem>>, vector<1x32xf32>
    %add3A = vector.broadcast %get3A_13 : vector<1x32xf32> to vector<8192x32xf32>
    %add3A_14 = arith.addf %dot_general3A_10, %add3A : vector<8192x32xf32>
    %get3A_15 = arith.constant 0 : index
    %get3A_16 = arith.constant 0 : index
    %get3A_17 = vector.load %arg5[%get3A_15, %get3A_16] : memref<1x32xf32, #tpu.memory_space<vmem>>, vector<1x32xf32>
    %mul3A = vector.broadcast %get3A_17 : vector<1x32xf32> to vector<8192x32xf32>
    %mul3A_18 = arith.mulf %add3A_14, %mul3A : vector<8192x32xf32>
    %get3A_19 = arith.constant 0 : index
    %get3A_20 = arith.constant 0 : index
    %get3A_21 = vector.load %arg6[%get3A_19, %get3A_20] : memref<1x32xf32, #tpu.memory_space<vmem>>, vector<1x32xf32>
    %add3A_22 = vector.broadcast %get3A_21 : vector<1x32xf32> to vector<8192x32xf32>
    %add3A_23 = arith.addf %mul3A_18, %add3A_22 : vector<8192x32xf32>
    %max3A = arith.constant 0.000000e+00 : f32
    %max3A_24 = vector.broadcast %max3A : f32 to vector<8192x32xf32>
    %max3A_25 = arith.maximumf %add3A_23, %max3A_24 : vector<8192x32xf32>
    %get3A_26 = arith.constant 0 : index
    %get3A_27 = arith.constant 0 : index
    %get3A_28 = vector.load %arg7[%get3A_26, %get3A_27] : memref<64x32xf32, #tpu.memory_space<vmem>>, vector<64x32xf32>
    %dot_general3A_29 = arith.constant dense<0.000000e+00> : vector<8192x64xf32>
    %dot_general3A_30 = tpu.matmul %max3A_25, %get3A_28, %dot_general3A_29 {dimension_numbers = #tpu.dot_dimension_numbers<[1], [1], [0], [0], [0, 0, 1, 0], [], []>, transpose_lhs_hint = false} : vector<8192x32xf32>, vector<64x32xf32>, vector<8192x64xf32> -> vector<8192x64xf32>
    %get3A_31 = arith.constant 0 : index
    %get3A_32 = arith.constant 0 : index
    %get3A_33 = vector.load %arg8[%get3A_31, %get3A_32] : memref<1x64xf32, #tpu.memory_space<vmem>>, vector<1x64xf32>
    %add3A_34 = vector.broadcast %get3A_33 : vector<1x64xf32> to vector<8192x64xf32>
    %add3A_35 = arith.addf %dot_general3A_30, %add3A_34 : vector<8192x64xf32>
    %reduce_sum3A = arith.constant dense<0.000000e+00> : vector<64xf32>
    %reduce_sum3A_36 = vector.multi_reduction <add>, %add3A_35, %reduce_sum3A [0] : vector<8192x64xf32> to vector<64xf32>
    %broadcast_in_dim3A_37 = vector.shape_cast %reduce_sum3A_36 : vector<64xf32> to vector<1x64xf32>
    %eq3A = arith.constant 0 : i32
    %eq3A_38 = arith.cmpi eq, %arg0, %eq3A : i32
    %convert_element_type3A = arith.extui %eq3A_38 : i1 to i32
    %cond3A = arith.constant 0 : i32
    %cond3A_39 = arith.cmpi ne, %convert_element_type3A, %cond3A : i32
    scf.if %cond3A_39 {
      %swap3A = arith.constant 0 : index
      %swap3A_58 = arith.constant 0 : index
      %swap3A_59 = vector.load %arg9[%swap3A, %swap3A_58] : memref<1x64xf32, #tpu.memory_space<vmem>>, vector<1x64xf32>
      tpu.vector_store %arg9[%swap3A, %swap3A_58], %broadcast_in_dim3A_37 {strides = array<i32>} : memref<1x64xf32, #tpu.memory_space<vmem>>, vector<1x64xf32>,
    } else {
    }
    %ne3A = arith.constant 0 : i32
    %ne3A_40 = arith.cmpi ne, %arg0, %ne3A : i32
    %convert_element_type3A_41 = arith.extui %ne3A_40 : i1 to i32
    %cond3A_42 = arith.constant 0 : i32
    %cond3A_43 = arith.cmpi ne, %convert_element_type3A_41, %cond3A_42 : i32
    scf.if %cond3A_43 {
      %get3A_58 = arith.constant 0 : index
      %get3A_59 = arith.constant 0 : index
      %get3A_60 = vector.load %arg9[%get3A_58, %get3A_59] : memref<1x64xf32, #tpu.memory_space<vmem>>, vector<1x64xf32>
      %add3A_61 = arith.addf %get3A_60, %broadcast_in_dim3A_37 : vector<1x64xf32>
      %swap3A = arith.constant 0 : index
      %swap3A_62 = arith.constant 0 : index
      %swap3A_63 = vector.load %arg9[%swap3A, %swap3A_62] : memref<1x64xf32, #tpu.memory_space<vmem>>, vector<1x64xf32>
      tpu.vector_store %arg9[%swap3A, %swap3A_62], %add3A_61 {strides = array<i32>} : memref<1x64xf32, #tpu.memory_space<vmem>>, vector<1x64xf32>,
    } else {
    }
    %mul3A_44 = arith.mulf %add3A_35, %add3A_35 : vector<8192x64xf32>
    %reduce_sum3A_45 = arith.constant dense<0.000000e+00> : vector<64xf32>
    %reduce_sum3A_46 = vector.multi_reduction <add>, %mul3A_44, %reduce_sum3A_45 [0] : vector<8192x64xf32> to vector<64xf32>
    %broadcast_in_dim3A_47 = vector.shape_cast %reduce_sum3A_46 : vector<64xf32> to vector<1x64xf32>
    %eq3A_48 = arith.constant 0 : i32
    %eq3A_49 = arith.cmpi eq, %arg0, %eq3A_48 : i32
    %convert_element_type3A_50 = arith.extui %eq3A_49 : i1 to i32
    %cond3A_51 = arith.constant 0 : i32
    %cond3A_52 = arith.cmpi ne, %convert_element_type3A_50, %cond3A_51 : i32
    scf.if %cond3A_52 {
      %swap3A = arith.constant 0 : index
      %swap3A_58 = arith.constant 0 : index
      %swap3A_59 = vector.load %arg10[%swap3A, %swap3A_58] : memref<1x64xf32, #tpu.memory_space<vmem>>, vector<1x64xf32>
      tpu.vector_store %arg10[%swap3A, %swap3A_58], %broadcast_in_dim3A_47 {strides = array<i32>} : memref<1x64xf32, #tpu.memory_space<vmem>>, vector<1x64xf32>,
    } else {
    }
    %ne3A_53 = arith.constant 0 : i32
    %ne3A_54 = arith.cmpi ne, %arg0, %ne3A_53 : i32
    %convert_element_type3A_55 = arith.extui %ne3A_54 : i1 to i32
    %cond3A_56 = arith.constant 0 : i32
    %cond3A_57 = arith.cmpi ne, %convert_element_type3A_55, %cond3A_56 : i32
    scf.if %cond3A_57 {
      %get3A_58 = arith.constant 0 : index
      %get3A_59 = arith.constant 0 : index
      %get3A_60 = vector.load %arg10[%get3A_58, %get3A_59] : memref<1x64xf32, #tpu.memory_space<vmem>>, vector<1x64xf32>
      %add3A_61 = arith.addf %get3A_60, %broadcast_in_dim3A_47 : vector<1x64xf32>
      %swap3A = arith.constant 0 : index
      %swap3A_62 = arith.constant 0 : index
      %swap3A_63 = vector.load %arg10[%swap3A, %swap3A_62] : memref<1x64xf32, #tpu.memory_space<vmem>>, vector<1x64xf32>
      tpu.vector_store %arg10[%swap3A, %swap3A_62], %add3A_61 {strides = array<i32>} : memref<1x64xf32, #tpu.memory_space<vmem>>, vector<1x64xf32>,
    } else {
    }
    return
  }
  func.func @transform_0(%arg0: i32) -> (i32, i32, i32) {
    %c0_i32 = arith.constant 0 : i32
    %c0_i32_0 = arith.constant 0 : i32
    %c0_i32_1 = arith.constant 0 : i32
    return %arg0, %c0_i32, %c0_i32_0 : i32, i32, i32
  }
  func.func @transform_1(%arg0: i32) -> (i32, i32) {
    %c0_i32 = arith.constant 0 : i32
    %c0_i32_0 = arith.constant 0 : i32
    return %arg0, %c0_i32 : i32, i32
  }
  func.func @transform_2(%arg0: i32) -> (i32, i32) {
    %c0_i32 = arith.constant 0 : i32
    %c0_i32_0 = arith.constant 0 : i32
    %c0_i32_1 = arith.constant 0 : i32
    return %c0_i32, %c0_i32_0 : i32, i32
  }
  func.func @transform_3(%arg0: i32) -> (i32, i32) {
    %c0_i32 = arith.constant 0 : i32
    %c0_i32_0 = arith.constant 0 : i32
    %c0_i32_1 = arith.constant 0 : i32
    return %c0_i32, %c0_i32_0 : i32, i32
  }
  func.func @transform_4(%arg0: i32) -> (i32, i32) {
    %c0_i32 = arith.constant 0 : i32
    %c0_i32_0 = arith.constant 0 : i32
    %c0_i32_1 = arith.constant 0 : i32
    return %c0_i32, %c0_i32_0 : i32, i32
  }
  func.func @transform_5(%arg0: i32) -> (i32, i32) {
    %c0_i32 = arith.constant 0 : i32
    %c0_i32_0 = arith.constant 0 : i32
    %c0_i32_1 = arith.constant 0 : i32
    return %c0_i32, %c0_i32_0 : i32, i32
  }
  func.func @transform_6(%arg0: i32) -> (i32, i32) {
    %c0_i32 = arith.constant 0 : i32
    %c0_i32_0 = arith.constant 0 : i32
    %c0_i32_1 = arith.constant 0 : i32
    return %c0_i32, %c0_i32_0 : i32, i32
  }
  func.func @transform_7(%arg0: i32) -> (i32, i32) {
    %c0_i32 = arith.constant 0 : i32
    %c0_i32_0 = arith.constant 0 : i32
    %c0_i32_1 = arith.constant 0 : i32
    return %c0_i32, %c0_i32_0 : i32, i32
  }
  func.func @transform_8(%arg0: i32) -> (i32, i32) {
    %c0_i32 = arith.constant 0 : i32
    %c0_i32_0 = arith.constant 0 : i32
    %c0_i32_1 = arith.constant 0 : i32
    return %c0_i32, %c0_i32_0 : i32, i32
  }
  func.func @transform_9(%arg0: i32) -> (i32, i32) {
    %c0_i32 = arith.constant 0 : i32
    %c0_i32_0 = arith.constant 0 : i32
    %c0_i32_1 = arith.constant 0 : i32
    return %c0_i32, %c0_i32_0 : i32, i32
  }
}

module attributes {stable_mosaic.version = 14 : i64} {
  func.func @_zstat3_body(%arg0: i32, %arg1: memref<256x16x3xf32, #tpu.memory_space<vmem>>, %arg2: memref<256x3xf32, #tpu.memory_space<vmem>>, %arg3: memref<32x3xf32, #tpu.memory_space<vmem>>, %arg4: memref<1x32xf32, #tpu.memory_space<vmem>>, %arg5: memref<1x32xf32, #tpu.memory_space<vmem>>, %arg6: memref<1x32xf32, #tpu.memory_space<vmem>>, %arg7: memref<64x32xf32, #tpu.memory_space<vmem>>, %arg8: memref<1x64xf32, #tpu.memory_space<vmem>>, %arg9: memref<1x64xf32, #tpu.memory_space<vmem>>, %arg10: memref<1x64xf32, #tpu.memory_space<vmem>>, %arg11: memref<128x64xf32, #tpu.memory_space<vmem>>, %arg12: memref<1x128xf32, #tpu.memory_space<vmem>>, %arg13: memref<1x128xf32, #tpu.memory_space<vmem>>, %arg14: memref<1x128xf32, #tpu.memory_space<vmem>>) attributes {dimension_semantics = [#tpu.dimension_semantics<arbitrary>], iteration_bounds = array<i64: 32>, scalar_prefetch = 0 : i64, scratch_operands = 0 : i64, tpu.core_type = #tpu.core_type<tc>, window_params = [{transform_indices = @transform_0, window_bounds = array<i64: 256, 16, 3>}, {transform_indices = @transform_1, window_bounds = array<i64: 256, 3>}, {pipeline_mode = #tpu.pipeline_mode<synchronous>, transform_indices = @transform_2, window_bounds = array<i64: 32, 3>}, {pipeline_mode = #tpu.pipeline_mode<synchronous>, transform_indices = @transform_3, window_bounds = array<i64: 1, 32>}, {pipeline_mode = #tpu.pipeline_mode<synchronous>, transform_indices = @transform_4, window_bounds = array<i64: 1, 32>}, {pipeline_mode = #tpu.pipeline_mode<synchronous>, transform_indices = @transform_5, window_bounds = array<i64: 1, 32>}, {pipeline_mode = #tpu.pipeline_mode<synchronous>, transform_indices = @transform_6, window_bounds = array<i64: 64, 32>}, {pipeline_mode = #tpu.pipeline_mode<synchronous>, transform_indices = @transform_7, window_bounds = array<i64: 1, 64>}, {pipeline_mode = #tpu.pipeline_mode<synchronous>, transform_indices = @transform_8, window_bounds = array<i64: 1, 64>}, {pipeline_mode = #tpu.pipeline_mode<synchronous>, transform_indices = @transform_9, window_bounds = array<i64: 1, 64>}, {pipeline_mode = #tpu.pipeline_mode<synchronous>, transform_indices = @transform_10, window_bounds = array<i64: 128, 64>}, {pipeline_mode = #tpu.pipeline_mode<synchronous>, transform_indices = @transform_11, window_bounds = array<i64: 1, 128>}, {pipeline_mode = #tpu.pipeline_mode<synchronous>, transform_indices = @transform_12, window_bounds = array<i64: 1, 128>}, {pipeline_mode = #tpu.pipeline_mode<synchronous>, transform_indices = @transform_13, window_bounds = array<i64: 1, 128>}]} {
    %get3A = arith.constant 0 : index
    %get3A_0 = arith.constant 0 : index
    %get3A_1 = arith.constant 0 : index
    %get3A_2 = vector.load %arg1[%get3A, %get3A_0, %get3A_1] : memref<256x16x3xf32, #tpu.memory_space<vmem>>, vector<256x16x3xf32>
    %get3A_3 = arith.constant 0 : index
    %get3A_4 = arith.constant 0 : index
    %get3A_5 = vector.load %arg2[%get3A_3, %get3A_4] : memref<256x3xf32, #tpu.memory_space<vmem>>, vector<256x3xf32>
    %broadcast_in_dim3A = vector.shape_cast %get3A_5 : vector<256x3xf32> to vector<256x1x3xf32>
    %sub3A = vector.broadcast %broadcast_in_dim3A : vector<256x1x3xf32> to vector<256x16x3xf32>
    %sub3A_6 = arith.subf %get3A_2, %sub3A : vector<256x16x3xf32>
    %reshape3A = vector.shape_cast %sub3A_6 : vector<256x16x3xf32> to vector<4096x3xf32>
    %get3A_7 = arith.constant 0 : index
    %get3A_8 = arith.constant 0 : index
    %get3A_9 = vector.load %arg3[%get3A_7, %get3A_8] : memref<32x3xf32, #tpu.memory_space<vmem>>, vector<32x3xf32>
    %dot_general3A = arith.constant dense<0.000000e+00> : vector<4096x32xf32>
    %dot_general3A_10 = tpu.matmul %reshape3A, %get3A_9, %dot_general3A {dimension_numbers = #tpu.dot_dimension_numbers<[1], [1], [0], [0], [0, 0, 1, 0], [], []>, transpose_lhs_hint = false} : vector<4096x3xf32>, vector<32x3xf32>, vector<4096x32xf32> -> vector<4096x32xf32>
    %get3A_11 = arith.constant 0 : index
    %get3A_12 = arith.constant 0 : index
    %get3A_13 = vector.load %arg4[%get3A_11, %get3A_12] : memref<1x32xf32, #tpu.memory_space<vmem>>, vector<1x32xf32>
    %add3A = vector.broadcast %get3A_13 : vector<1x32xf32> to vector<4096x32xf32>
    %add3A_14 = arith.addf %dot_general3A_10, %add3A : vector<4096x32xf32>
    %get3A_15 = arith.constant 0 : index
    %get3A_16 = arith.constant 0 : index
    %get3A_17 = vector.load %arg5[%get3A_15, %get3A_16] : memref<1x32xf32, #tpu.memory_space<vmem>>, vector<1x32xf32>
    %mul3A = vector.broadcast %get3A_17 : vector<1x32xf32> to vector<4096x32xf32>
    %mul3A_18 = arith.mulf %add3A_14, %mul3A : vector<4096x32xf32>
    %get3A_19 = arith.constant 0 : index
    %get3A_20 = arith.constant 0 : index
    %get3A_21 = vector.load %arg6[%get3A_19, %get3A_20] : memref<1x32xf32, #tpu.memory_space<vmem>>, vector<1x32xf32>
    %add3A_22 = vector.broadcast %get3A_21 : vector<1x32xf32> to vector<4096x32xf32>
    %add3A_23 = arith.addf %mul3A_18, %add3A_22 : vector<4096x32xf32>
    %max3A = arith.constant 0.000000e+00 : f32
    %max3A_24 = vector.broadcast %max3A : f32 to vector<4096x32xf32>
    %max3A_25 = arith.maximumf %add3A_23, %max3A_24 : vector<4096x32xf32>
    %get3A_26 = arith.constant 0 : index
    %get3A_27 = arith.constant 0 : index
    %get3A_28 = vector.load %arg7[%get3A_26, %get3A_27] : memref<64x32xf32, #tpu.memory_space<vmem>>, vector<64x32xf32>
    %dot_general3A_29 = arith.constant dense<0.000000e+00> : vector<4096x64xf32>
    %dot_general3A_30 = tpu.matmul %max3A_25, %get3A_28, %dot_general3A_29 {dimension_numbers = #tpu.dot_dimension_numbers<[1], [1], [0], [0], [0, 0, 1, 0], [], []>, transpose_lhs_hint = false} : vector<4096x32xf32>, vector<64x32xf32>, vector<4096x64xf32> -> vector<4096x64xf32>
    %get3A_31 = arith.constant 0 : index
    %get3A_32 = arith.constant 0 : index
    %get3A_33 = vector.load %arg8[%get3A_31, %get3A_32] : memref<1x64xf32, #tpu.memory_space<vmem>>, vector<1x64xf32>
    %add3A_34 = vector.broadcast %get3A_33 : vector<1x64xf32> to vector<4096x64xf32>
    %add3A_35 = arith.addf %dot_general3A_30, %add3A_34 : vector<4096x64xf32>
    %get3A_36 = arith.constant 0 : index
    %get3A_37 = arith.constant 0 : index
    %get3A_38 = vector.load %arg9[%get3A_36, %get3A_37] : memref<1x64xf32, #tpu.memory_space<vmem>>, vector<1x64xf32>
    %mul3A_39 = vector.broadcast %get3A_38 : vector<1x64xf32> to vector<4096x64xf32>
    %mul3A_40 = arith.mulf %add3A_35, %mul3A_39 : vector<4096x64xf32>
    %get3A_41 = arith.constant 0 : index
    %get3A_42 = arith.constant 0 : index
    %get3A_43 = vector.load %arg10[%get3A_41, %get3A_42] : memref<1x64xf32, #tpu.memory_space<vmem>>, vector<1x64xf32>
    %add3A_44 = vector.broadcast %get3A_43 : vector<1x64xf32> to vector<4096x64xf32>
    %add3A_45 = arith.addf %mul3A_40, %add3A_44 : vector<4096x64xf32>
    %max3A_46 = arith.constant 0.000000e+00 : f32
    %max3A_47 = vector.broadcast %max3A_46 : f32 to vector<4096x64xf32>
    %max3A_48 = arith.maximumf %add3A_45, %max3A_47 : vector<4096x64xf32>
    %get3A_49 = arith.constant 0 : index
    %get3A_50 = arith.constant 0 : index
    %get3A_51 = vector.load %arg11[%get3A_49, %get3A_50] : memref<128x64xf32, #tpu.memory_space<vmem>>, vector<128x64xf32>
    %dot_general3A_52 = arith.constant dense<0.000000e+00> : vector<4096x128xf32>
    %dot_general3A_53 = tpu.matmul %max3A_48, %get3A_51, %dot_general3A_52 {dimension_numbers = #tpu.dot_dimension_numbers<[1], [1], [0], [0], [0, 0, 1, 0], [], []>, transpose_lhs_hint = false} : vector<4096x64xf32>, vector<128x64xf32>, vector<4096x128xf32> -> vector<4096x128xf32>
    %get3A_54 = arith.constant 0 : index
    %get3A_55 = arith.constant 0 : index
    %get3A_56 = vector.load %arg12[%get3A_54, %get3A_55] : memref<1x128xf32, #tpu.memory_space<vmem>>, vector<1x128xf32>
    %add3A_57 = vector.broadcast %get3A_56 : vector<1x128xf32> to vector<4096x128xf32>
    %add3A_58 = arith.addf %dot_general3A_53, %add3A_57 : vector<4096x128xf32>
    %reduce_sum3A = arith.constant dense<0.000000e+00> : vector<128xf32>
    %reduce_sum3A_59 = vector.multi_reduction <add>, %add3A_58, %reduce_sum3A [0] : vector<4096x128xf32> to vector<128xf32>
    %broadcast_in_dim3A_60 = vector.shape_cast %reduce_sum3A_59 : vector<128xf32> to vector<1x128xf32>
    %eq3A = arith.constant 0 : i32
    %eq3A_61 = arith.cmpi eq, %arg0, %eq3A : i32
    %convert_element_type3A = arith.extui %eq3A_61 : i1 to i32
    %cond3A = arith.constant 0 : i32
    %cond3A_62 = arith.cmpi ne, %convert_element_type3A, %cond3A : i32
    scf.if %cond3A_62 {
      %swap3A = arith.constant 0 : index
      %swap3A_81 = arith.constant 0 : index
      %swap3A_82 = vector.load %arg13[%swap3A, %swap3A_81] : memref<1x128xf32, #tpu.memory_space<vmem>>, vector<1x128xf32>
      tpu.vector_store %arg13[%swap3A, %swap3A_81], %broadcast_in_dim3A_60 {strides = array<i32>} : memref<1x128xf32, #tpu.memory_space<vmem>>, vector<1x128xf32>,
    } else {
    }
    %ne3A = arith.constant 0 : i32
    %ne3A_63 = arith.cmpi ne, %arg0, %ne3A : i32
    %convert_element_type3A_64 = arith.extui %ne3A_63 : i1 to i32
    %cond3A_65 = arith.constant 0 : i32
    %cond3A_66 = arith.cmpi ne, %convert_element_type3A_64, %cond3A_65 : i32
    scf.if %cond3A_66 {
      %get3A_81 = arith.constant 0 : index
      %get3A_82 = arith.constant 0 : index
      %get3A_83 = vector.load %arg13[%get3A_81, %get3A_82] : memref<1x128xf32, #tpu.memory_space<vmem>>, vector<1x128xf32>
      %add3A_84 = arith.addf %get3A_83, %broadcast_in_dim3A_60 : vector<1x128xf32>
      %swap3A = arith.constant 0 : index
      %swap3A_85 = arith.constant 0 : index
      %swap3A_86 = vector.load %arg13[%swap3A, %swap3A_85] : memref<1x128xf32, #tpu.memory_space<vmem>>, vector<1x128xf32>
      tpu.vector_store %arg13[%swap3A, %swap3A_85], %add3A_84 {strides = array<i32>} : memref<1x128xf32, #tpu.memory_space<vmem>>, vector<1x128xf32>,
    } else {
    }
    %mul3A_67 = arith.mulf %add3A_58, %add3A_58 : vector<4096x128xf32>
    %reduce_sum3A_68 = arith.constant dense<0.000000e+00> : vector<128xf32>
    %reduce_sum3A_69 = vector.multi_reduction <add>, %mul3A_67, %reduce_sum3A_68 [0] : vector<4096x128xf32> to vector<128xf32>
    %broadcast_in_dim3A_70 = vector.shape_cast %reduce_sum3A_69 : vector<128xf32> to vector<1x128xf32>
    %eq3A_71 = arith.constant 0 : i32
    %eq3A_72 = arith.cmpi eq, %arg0, %eq3A_71 : i32
    %convert_element_type3A_73 = arith.extui %eq3A_72 : i1 to i32
    %cond3A_74 = arith.constant 0 : i32
    %cond3A_75 = arith.cmpi ne, %convert_element_type3A_73, %cond3A_74 : i32
    scf.if %cond3A_75 {
      %swap3A = arith.constant 0 : index
      %swap3A_81 = arith.constant 0 : index
      %swap3A_82 = vector.load %arg14[%swap3A, %swap3A_81] : memref<1x128xf32, #tpu.memory_space<vmem>>, vector<1x128xf32>
      tpu.vector_store %arg14[%swap3A, %swap3A_81], %broadcast_in_dim3A_70 {strides = array<i32>} : memref<1x128xf32, #tpu.memory_space<vmem>>, vector<1x128xf32>,
    } else {
    }
    %ne3A_76 = arith.constant 0 : i32
    %ne3A_77 = arith.cmpi ne, %arg0, %ne3A_76 : i32
    %convert_element_type3A_78 = arith.extui %ne3A_77 : i1 to i32
    %cond3A_79 = arith.constant 0 : i32
    %cond3A_80 = arith.cmpi ne, %convert_element_type3A_78, %cond3A_79 : i32
    scf.if %cond3A_80 {
      %get3A_81 = arith.constant 0 : index
      %get3A_82 = arith.constant 0 : index
      %get3A_83 = vector.load %arg14[%get3A_81, %get3A_82] : memref<1x128xf32, #tpu.memory_space<vmem>>, vector<1x128xf32>
      %add3A_84 = arith.addf %get3A_83, %broadcast_in_dim3A_70 : vector<1x128xf32>
      %swap3A = arith.constant 0 : index
      %swap3A_85 = arith.constant 0 : index
      %swap3A_86 = vector.load %arg14[%swap3A, %swap3A_85] : memref<1x128xf32, #tpu.memory_space<vmem>>, vector<1x128xf32>
      tpu.vector_store %arg14[%swap3A, %swap3A_85], %add3A_84 {strides = array<i32>} : memref<1x128xf32, #tpu.memory_space<vmem>>, vector<1x128xf32>,
    } else {
    }
    return
  }
  func.func @transform_0(%arg0: i32) -> (i32, i32, i32) {
    %c0_i32 = arith.constant 0 : i32
    %c0_i32_0 = arith.constant 0 : i32
    %c0_i32_1 = arith.constant 0 : i32
    return %arg0, %c0_i32, %c0_i32_0 : i32, i32, i32
  }
  func.func @transform_1(%arg0: i32) -> (i32, i32) {
    %c0_i32 = arith.constant 0 : i32
    %c0_i32_0 = arith.constant 0 : i32
    return %arg0, %c0_i32 : i32, i32
  }
  func.func @transform_2(%arg0: i32) -> (i32, i32) {
    %c0_i32 = arith.constant 0 : i32
    %c0_i32_0 = arith.constant 0 : i32
    %c0_i32_1 = arith.constant 0 : i32
    return %c0_i32, %c0_i32_0 : i32, i32
  }
  func.func @transform_3(%arg0: i32) -> (i32, i32) {
    %c0_i32 = arith.constant 0 : i32
    %c0_i32_0 = arith.constant 0 : i32
    %c0_i32_1 = arith.constant 0 : i32
    return %c0_i32, %c0_i32_0 : i32, i32
  }
  func.func @transform_4(%arg0: i32) -> (i32, i32) {
    %c0_i32 = arith.constant 0 : i32
    %c0_i32_0 = arith.constant 0 : i32
    %c0_i32_1 = arith.constant 0 : i32
    return %c0_i32, %c0_i32_0 : i32, i32
  }
  func.func @transform_5(%arg0: i32) -> (i32, i32) {
    %c0_i32 = arith.constant 0 : i32
    %c0_i32_0 = arith.constant 0 : i32
    %c0_i32_1 = arith.constant 0 : i32
    return %c0_i32, %c0_i32_0 : i32, i32
  }
  func.func @transform_6(%arg0: i32) -> (i32, i32) {
    %c0_i32 = arith.constant 0 : i32
    %c0_i32_0 = arith.constant 0 : i32
    %c0_i32_1 = arith.constant 0 : i32
    return %c0_i32, %c0_i32_0 : i32, i32
  }
  func.func @transform_7(%arg0: i32) -> (i32, i32) {
    %c0_i32 = arith.constant 0 : i32
    %c0_i32_0 = arith.constant 0 : i32
    %c0_i32_1 = arith.constant 0 : i32
    return %c0_i32, %c0_i32_0 : i32, i32
  }
  func.func @transform_8(%arg0: i32) -> (i32, i32) {
    %c0_i32 = arith.constant 0 : i32
    %c0_i32_0 = arith.constant 0 : i32
    %c0_i32_1 = arith.constant 0 : i32
    return %c0_i32, %c0_i32_0 : i32, i32
  }
  func.func @transform_9(%arg0: i32) -> (i32, i32) {
    %c0_i32 = arith.constant 0 : i32
    %c0_i32_0 = arith.constant 0 : i32
    %c0_i32_1 = arith.constant 0 : i32
    return %c0_i32, %c0_i32_0 : i32, i32
  }
  func.func @transform_10(%arg0: i32) -> (i32, i32) {
    %c0_i32 = arith.constant 0 : i32
    %c0_i32_0 = arith.constant 0 : i32
    %c0_i32_1 = arith.constant 0 : i32
    return %c0_i32, %c0_i32_0 : i32, i32
  }
  func.func @transform_11(%arg0: i32) -> (i32, i32) {
    %c0_i32 = arith.constant 0 : i32
    %c0_i32_0 = arith.constant 0 : i32
    %c0_i32_1 = arith.constant 0 : i32
    return %c0_i32, %c0_i32_0 : i32, i32
  }
  func.func @transform_12(%arg0: i32) -> (i32, i32) {
    %c0_i32 = arith.constant 0 : i32
    %c0_i32_0 = arith.constant 0 : i32
    %c0_i32_1 = arith.constant 0 : i32
    return %c0_i32, %c0_i32_0 : i32, i32
  }
  func.func @transform_13(%arg0: i32) -> (i32, i32) {
    %c0_i32 = arith.constant 0 : i32
    %c0_i32_0 = arith.constant 0 : i32
    %c0_i32_1 = arith.constant 0 : i32
    return %c0_i32, %c0_i32_0 : i32, i32
  }
}

module attributes {stable_mosaic.version = 14 : i64} {
  func.func @_zstat3_body(%arg0: i32, %arg1: memref<256x32x3xf32, #tpu.memory_space<vmem>>, %arg2: memref<256x3xf32, #tpu.memory_space<vmem>>, %arg3: memref<32x3xf32, #tpu.memory_space<vmem>>, %arg4: memref<1x32xf32, #tpu.memory_space<vmem>>, %arg5: memref<1x32xf32, #tpu.memory_space<vmem>>, %arg6: memref<1x32xf32, #tpu.memory_space<vmem>>, %arg7: memref<64x32xf32, #tpu.memory_space<vmem>>, %arg8: memref<1x64xf32, #tpu.memory_space<vmem>>, %arg9: memref<1x64xf32, #tpu.memory_space<vmem>>, %arg10: memref<1x64xf32, #tpu.memory_space<vmem>>, %arg11: memref<128x64xf32, #tpu.memory_space<vmem>>, %arg12: memref<1x128xf32, #tpu.memory_space<vmem>>, %arg13: memref<1x128xf32, #tpu.memory_space<vmem>>, %arg14: memref<1x128xf32, #tpu.memory_space<vmem>>) attributes {dimension_semantics = [#tpu.dimension_semantics<arbitrary>], iteration_bounds = array<i64: 32>, scalar_prefetch = 0 : i64, scratch_operands = 0 : i64, tpu.core_type = #tpu.core_type<tc>, window_params = [{transform_indices = @transform_0, window_bounds = array<i64: 256, 32, 3>}, {transform_indices = @transform_1, window_bounds = array<i64: 256, 3>}, {pipeline_mode = #tpu.pipeline_mode<synchronous>, transform_indices = @transform_2, window_bounds = array<i64: 32, 3>}, {pipeline_mode = #tpu.pipeline_mode<synchronous>, transform_indices = @transform_3, window_bounds = array<i64: 1, 32>}, {pipeline_mode = #tpu.pipeline_mode<synchronous>, transform_indices = @transform_4, window_bounds = array<i64: 1, 32>}, {pipeline_mode = #tpu.pipeline_mode<synchronous>, transform_indices = @transform_5, window_bounds = array<i64: 1, 32>}, {pipeline_mode = #tpu.pipeline_mode<synchronous>, transform_indices = @transform_6, window_bounds = array<i64: 64, 32>}, {pipeline_mode = #tpu.pipeline_mode<synchronous>, transform_indices = @transform_7, window_bounds = array<i64: 1, 64>}, {pipeline_mode = #tpu.pipeline_mode<synchronous>, transform_indices = @transform_8, window_bounds = array<i64: 1, 64>}, {pipeline_mode = #tpu.pipeline_mode<synchronous>, transform_indices = @transform_9, window_bounds = array<i64: 1, 64>}, {pipeline_mode = #tpu.pipeline_mode<synchronous>, transform_indices = @transform_10, window_bounds = array<i64: 128, 64>}, {pipeline_mode = #tpu.pipeline_mode<synchronous>, transform_indices = @transform_11, window_bounds = array<i64: 1, 128>}, {pipeline_mode = #tpu.pipeline_mode<synchronous>, transform_indices = @transform_12, window_bounds = array<i64: 1, 128>}, {pipeline_mode = #tpu.pipeline_mode<synchronous>, transform_indices = @transform_13, window_bounds = array<i64: 1, 128>}]} {
    %get3A = arith.constant 0 : index
    %get3A_0 = arith.constant 0 : index
    %get3A_1 = arith.constant 0 : index
    %get3A_2 = vector.load %arg1[%get3A, %get3A_0, %get3A_1] : memref<256x32x3xf32, #tpu.memory_space<vmem>>, vector<256x32x3xf32>
    %get3A_3 = arith.constant 0 : index
    %get3A_4 = arith.constant 0 : index
    %get3A_5 = vector.load %arg2[%get3A_3, %get3A_4] : memref<256x3xf32, #tpu.memory_space<vmem>>, vector<256x3xf32>
    %broadcast_in_dim3A = vector.shape_cast %get3A_5 : vector<256x3xf32> to vector<256x1x3xf32>
    %sub3A = vector.broadcast %broadcast_in_dim3A : vector<256x1x3xf32> to vector<256x32x3xf32>
    %sub3A_6 = arith.subf %get3A_2, %sub3A : vector<256x32x3xf32>
    %reshape3A = vector.shape_cast %sub3A_6 : vector<256x32x3xf32> to vector<8192x3xf32>
    %get3A_7 = arith.constant 0 : index
    %get3A_8 = arith.constant 0 : index
    %get3A_9 = vector.load %arg3[%get3A_7, %get3A_8] : memref<32x3xf32, #tpu.memory_space<vmem>>, vector<32x3xf32>
    %dot_general3A = arith.constant dense<0.000000e+00> : vector<8192x32xf32>
    %dot_general3A_10 = tpu.matmul %reshape3A, %get3A_9, %dot_general3A {dimension_numbers = #tpu.dot_dimension_numbers<[1], [1], [0], [0], [0, 0, 1, 0], [], []>, transpose_lhs_hint = false} : vector<8192x3xf32>, vector<32x3xf32>, vector<8192x32xf32> -> vector<8192x32xf32>
    %get3A_11 = arith.constant 0 : index
    %get3A_12 = arith.constant 0 : index
    %get3A_13 = vector.load %arg4[%get3A_11, %get3A_12] : memref<1x32xf32, #tpu.memory_space<vmem>>, vector<1x32xf32>
    %add3A = vector.broadcast %get3A_13 : vector<1x32xf32> to vector<8192x32xf32>
    %add3A_14 = arith.addf %dot_general3A_10, %add3A : vector<8192x32xf32>
    %get3A_15 = arith.constant 0 : index
    %get3A_16 = arith.constant 0 : index
    %get3A_17 = vector.load %arg5[%get3A_15, %get3A_16] : memref<1x32xf32, #tpu.memory_space<vmem>>, vector<1x32xf32>
    %mul3A = vector.broadcast %get3A_17 : vector<1x32xf32> to vector<8192x32xf32>
    %mul3A_18 = arith.mulf %add3A_14, %mul3A : vector<8192x32xf32>
    %get3A_19 = arith.constant 0 : index
    %get3A_20 = arith.constant 0 : index
    %get3A_21 = vector.load %arg6[%get3A_19, %get3A_20] : memref<1x32xf32, #tpu.memory_space<vmem>>, vector<1x32xf32>
    %add3A_22 = vector.broadcast %get3A_21 : vector<1x32xf32> to vector<8192x32xf32>
    %add3A_23 = arith.addf %mul3A_18, %add3A_22 : vector<8192x32xf32>
    %max3A = arith.constant 0.000000e+00 : f32
    %max3A_24 = vector.broadcast %max3A : f32 to vector<8192x32xf32>
    %max3A_25 = arith.maximumf %add3A_23, %max3A_24 : vector<8192x32xf32>
    %get3A_26 = arith.constant 0 : index
    %get3A_27 = arith.constant 0 : index
    %get3A_28 = vector.load %arg7[%get3A_26, %get3A_27] : memref<64x32xf32, #tpu.memory_space<vmem>>, vector<64x32xf32>
    %dot_general3A_29 = arith.constant dense<0.000000e+00> : vector<8192x64xf32>
    %dot_general3A_30 = tpu.matmul %max3A_25, %get3A_28, %dot_general3A_29 {dimension_numbers = #tpu.dot_dimension_numbers<[1], [1], [0], [0], [0, 0, 1, 0], [], []>, transpose_lhs_hint = false} : vector<8192x32xf32>, vector<64x32xf32>, vector<8192x64xf32> -> vector<8192x64xf32>
    %get3A_31 = arith.constant 0 : index
    %get3A_32 = arith.constant 0 : index
    %get3A_33 = vector.load %arg8[%get3A_31, %get3A_32] : memref<1x64xf32, #tpu.memory_space<vmem>>, vector<1x64xf32>
    %add3A_34 = vector.broadcast %get3A_33 : vector<1x64xf32> to vector<8192x64xf32>
    %add3A_35 = arith.addf %dot_general3A_30, %add3A_34 : vector<8192x64xf32>
    %get3A_36 = arith.constant 0 : index
    %get3A_37 = arith.constant 0 : index
    %get3A_38 = vector.load %arg9[%get3A_36, %get3A_37] : memref<1x64xf32, #tpu.memory_space<vmem>>, vector<1x64xf32>
    %mul3A_39 = vector.broadcast %get3A_38 : vector<1x64xf32> to vector<8192x64xf32>
    %mul3A_40 = arith.mulf %add3A_35, %mul3A_39 : vector<8192x64xf32>
    %get3A_41 = arith.constant 0 : index
    %get3A_42 = arith.constant 0 : index
    %get3A_43 = vector.load %arg10[%get3A_41, %get3A_42] : memref<1x64xf32, #tpu.memory_space<vmem>>, vector<1x64xf32>
    %add3A_44 = vector.broadcast %get3A_43 : vector<1x64xf32> to vector<8192x64xf32>
    %add3A_45 = arith.addf %mul3A_40, %add3A_44 : vector<8192x64xf32>
    %max3A_46 = arith.constant 0.000000e+00 : f32
    %max3A_47 = vector.broadcast %max3A_46 : f32 to vector<8192x64xf32>
    %max3A_48 = arith.maximumf %add3A_45, %max3A_47 : vector<8192x64xf32>
    %get3A_49 = arith.constant 0 : index
    %get3A_50 = arith.constant 0 : index
    %get3A_51 = vector.load %arg11[%get3A_49, %get3A_50] : memref<128x64xf32, #tpu.memory_space<vmem>>, vector<128x64xf32>
    %dot_general3A_52 = arith.constant dense<0.000000e+00> : vector<8192x128xf32>
    %dot_general3A_53 = tpu.matmul %max3A_48, %get3A_51, %dot_general3A_52 {dimension_numbers = #tpu.dot_dimension_numbers<[1], [1], [0], [0], [0, 0, 1, 0], [], []>, transpose_lhs_hint = false} : vector<8192x64xf32>, vector<128x64xf32>, vector<8192x128xf32> -> vector<8192x128xf32>
    %get3A_54 = arith.constant 0 : index
    %get3A_55 = arith.constant 0 : index
    %get3A_56 = vector.load %arg12[%get3A_54, %get3A_55] : memref<1x128xf32, #tpu.memory_space<vmem>>, vector<1x128xf32>
    %add3A_57 = vector.broadcast %get3A_56 : vector<1x128xf32> to vector<8192x128xf32>
    %add3A_58 = arith.addf %dot_general3A_53, %add3A_57 : vector<8192x128xf32>
    %reduce_sum3A = arith.constant dense<0.000000e+00> : vector<128xf32>
    %reduce_sum3A_59 = vector.multi_reduction <add>, %add3A_58, %reduce_sum3A [0] : vector<8192x128xf32> to vector<128xf32>
    %broadcast_in_dim3A_60 = vector.shape_cast %reduce_sum3A_59 : vector<128xf32> to vector<1x128xf32>
    %eq3A = arith.constant 0 : i32
    %eq3A_61 = arith.cmpi eq, %arg0, %eq3A : i32
    %convert_element_type3A = arith.extui %eq3A_61 : i1 to i32
    %cond3A = arith.constant 0 : i32
    %cond3A_62 = arith.cmpi ne, %convert_element_type3A, %cond3A : i32
    scf.if %cond3A_62 {
      %swap3A = arith.constant 0 : index
      %swap3A_81 = arith.constant 0 : index
      %swap3A_82 = vector.load %arg13[%swap3A, %swap3A_81] : memref<1x128xf32, #tpu.memory_space<vmem>>, vector<1x128xf32>
      tpu.vector_store %arg13[%swap3A, %swap3A_81], %broadcast_in_dim3A_60 {strides = array<i32>} : memref<1x128xf32, #tpu.memory_space<vmem>>, vector<1x128xf32>,
    } else {
    }
    %ne3A = arith.constant 0 : i32
    %ne3A_63 = arith.cmpi ne, %arg0, %ne3A : i32
    %convert_element_type3A_64 = arith.extui %ne3A_63 : i1 to i32
    %cond3A_65 = arith.constant 0 : i32
    %cond3A_66 = arith.cmpi ne, %convert_element_type3A_64, %cond3A_65 : i32
    scf.if %cond3A_66 {
      %get3A_81 = arith.constant 0 : index
      %get3A_82 = arith.constant 0 : index
      %get3A_83 = vector.load %arg13[%get3A_81, %get3A_82] : memref<1x128xf32, #tpu.memory_space<vmem>>, vector<1x128xf32>
      %add3A_84 = arith.addf %get3A_83, %broadcast_in_dim3A_60 : vector<1x128xf32>
      %swap3A = arith.constant 0 : index
      %swap3A_85 = arith.constant 0 : index
      %swap3A_86 = vector.load %arg13[%swap3A, %swap3A_85] : memref<1x128xf32, #tpu.memory_space<vmem>>, vector<1x128xf32>
      tpu.vector_store %arg13[%swap3A, %swap3A_85], %add3A_84 {strides = array<i32>} : memref<1x128xf32, #tpu.memory_space<vmem>>, vector<1x128xf32>,
    } else {
    }
    %mul3A_67 = arith.mulf %add3A_58, %add3A_58 : vector<8192x128xf32>
    %reduce_sum3A_68 = arith.constant dense<0.000000e+00> : vector<128xf32>
    %reduce_sum3A_69 = vector.multi_reduction <add>, %mul3A_67, %reduce_sum3A_68 [0] : vector<8192x128xf32> to vector<128xf32>
    %broadcast_in_dim3A_70 = vector.shape_cast %reduce_sum3A_69 : vector<128xf32> to vector<1x128xf32>
    %eq3A_71 = arith.constant 0 : i32
    %eq3A_72 = arith.cmpi eq, %arg0, %eq3A_71 : i32
    %convert_element_type3A_73 = arith.extui %eq3A_72 : i1 to i32
    %cond3A_74 = arith.constant 0 : i32
    %cond3A_75 = arith.cmpi ne, %convert_element_type3A_73, %cond3A_74 : i32
    scf.if %cond3A_75 {
      %swap3A = arith.constant 0 : index
      %swap3A_81 = arith.constant 0 : index
      %swap3A_82 = vector.load %arg14[%swap3A, %swap3A_81] : memref<1x128xf32, #tpu.memory_space<vmem>>, vector<1x128xf32>
      tpu.vector_store %arg14[%swap3A, %swap3A_81], %broadcast_in_dim3A_70 {strides = array<i32>} : memref<1x128xf32, #tpu.memory_space<vmem>>, vector<1x128xf32>,
    } else {
    }
    %ne3A_76 = arith.constant 0 : i32
    %ne3A_77 = arith.cmpi ne, %arg0, %ne3A_76 : i32
    %convert_element_type3A_78 = arith.extui %ne3A_77 : i1 to i32
    %cond3A_79 = arith.constant 0 : i32
    %cond3A_80 = arith.cmpi ne, %convert_element_type3A_78, %cond3A_79 : i32
    scf.if %cond3A_80 {
      %get3A_81 = arith.constant 0 : index
      %get3A_82 = arith.constant 0 : index
      %get3A_83 = vector.load %arg14[%get3A_81, %get3A_82] : memref<1x128xf32, #tpu.memory_space<vmem>>, vector<1x128xf32>
      %add3A_84 = arith.addf %get3A_83, %broadcast_in_dim3A_70 : vector<1x128xf32>
      %swap3A = arith.constant 0 : index
      %swap3A_85 = arith.constant 0 : index
      %swap3A_86 = vector.load %arg14[%swap3A, %swap3A_85] : memref<1x128xf32, #tpu.memory_space<vmem>>, vector<1x128xf32>
      tpu.vector_store %arg14[%swap3A, %swap3A_85], %add3A_84 {strides = array<i32>} : memref<1x128xf32, #tpu.memory_space<vmem>>, vector<1x128xf32>,
    } else {
    }
    return
  }
  func.func @transform_0(%arg0: i32) -> (i32, i32, i32) {
    %c0_i32 = arith.constant 0 : i32
    %c0_i32_0 = arith.constant 0 : i32
    %c0_i32_1 = arith.constant 0 : i32
    return %arg0, %c0_i32, %c0_i32_0 : i32, i32, i32
  }
  func.func @transform_1(%arg0: i32) -> (i32, i32) {
    %c0_i32 = arith.constant 0 : i32
    %c0_i32_0 = arith.constant 0 : i32
    return %arg0, %c0_i32 : i32, i32
  }
  func.func @transform_2(%arg0: i32) -> (i32, i32) {
    %c0_i32 = arith.constant 0 : i32
    %c0_i32_0 = arith.constant 0 : i32
    %c0_i32_1 = arith.constant 0 : i32
    return %c0_i32, %c0_i32_0 : i32, i32
  }
  func.func @transform_3(%arg0: i32) -> (i32, i32) {
    %c0_i32 = arith.constant 0 : i32
    %c0_i32_0 = arith.constant 0 : i32
    %c0_i32_1 = arith.constant 0 : i32
    return %c0_i32, %c0_i32_0 : i32, i32
  }
  func.func @transform_4(%arg0: i32) -> (i32, i32) {
    %c0_i32 = arith.constant 0 : i32
    %c0_i32_0 = arith.constant 0 : i32
    %c0_i32_1 = arith.constant 0 : i32
    return %c0_i32, %c0_i32_0 : i32, i32
  }
  func.func @transform_5(%arg0: i32) -> (i32, i32) {
    %c0_i32 = arith.constant 0 : i32
    %c0_i32_0 = arith.constant 0 : i32
    %c0_i32_1 = arith.constant 0 : i32
    return %c0_i32, %c0_i32_0 : i32, i32
  }
  func.func @transform_6(%arg0: i32) -> (i32, i32) {
    %c0_i32 = arith.constant 0 : i32
    %c0_i32_0 = arith.constant 0 : i32
    %c0_i32_1 = arith.constant 0 : i32
    return %c0_i32, %c0_i32_0 : i32, i32
  }
  func.func @transform_7(%arg0: i32) -> (i32, i32) {
    %c0_i32 = arith.constant 0 : i32
    %c0_i32_0 = arith.constant 0 : i32
    %c0_i32_1 = arith.constant 0 : i32
    return %c0_i32, %c0_i32_0 : i32, i32
  }
  func.func @transform_8(%arg0: i32) -> (i32, i32) {
    %c0_i32 = arith.constant 0 : i32
    %c0_i32_0 = arith.constant 0 : i32
    %c0_i32_1 = arith.constant 0 : i32
    return %c0_i32, %c0_i32_0 : i32, i32
  }
  func.func @transform_9(%arg0: i32) -> (i32, i32) {
    %c0_i32 = arith.constant 0 : i32
    %c0_i32_0 = arith.constant 0 : i32
    %c0_i32_1 = arith.constant 0 : i32
    return %c0_i32, %c0_i32_0 : i32, i32
  }
  func.func @transform_10(%arg0: i32) -> (i32, i32) {
    %c0_i32 = arith.constant 0 : i32
    %c0_i32_0 = arith.constant 0 : i32
    %c0_i32_1 = arith.constant 0 : i32
    return %c0_i32, %c0_i32_0 : i32, i32
  }
  func.func @transform_11(%arg0: i32) -> (i32, i32) {
    %c0_i32 = arith.constant 0 : i32
    %c0_i32_0 = arith.constant 0 : i32
    %c0_i32_1 = arith.constant 0 : i32
    return %c0_i32, %c0_i32_0 : i32, i32
  }
  func.func @transform_12(%arg0: i32) -> (i32, i32) {
    %c0_i32 = arith.constant 0 : i32
    %c0_i32_0 = arith.constant 0 : i32
    %c0_i32_1 = arith.constant 0 : i32
    return %c0_i32, %c0_i32_0 : i32, i32
  }
  func.func @transform_13(%arg0: i32) -> (i32, i32) {
    %c0_i32 = arith.constant 0 : i32
    %c0_i32_0 = arith.constant 0 : i32
    %c0_i32_1 = arith.constant 0 : i32
    return %c0_i32, %c0_i32_0 : i32, i32
  }
}

module attributes {stable_mosaic.version = 14 : i64} {
  func.func @_layer3_body(%arg0: i32, %arg1: memref<256x32x3xf32, #tpu.memory_space<vmem>>, %arg2: memref<256x3xf32, #tpu.memory_space<vmem>>, %arg3: memref<32x3xf32, #tpu.memory_space<vmem>>, %arg4: memref<1x32xf32, #tpu.memory_space<vmem>>, %arg5: memref<1x32xf32, #tpu.memory_space<vmem>>, %arg6: memref<1x32xf32, #tpu.memory_space<vmem>>, %arg7: memref<64x32xf32, #tpu.memory_space<vmem>>, %arg8: memref<1x64xf32, #tpu.memory_space<vmem>>, %arg9: memref<1x64xf32, #tpu.memory_space<vmem>>, %arg10: memref<1x64xf32, #tpu.memory_space<vmem>>, %arg11: memref<128x64xf32, #tpu.memory_space<vmem>>, %arg12: memref<1x128xf32, #tpu.memory_space<vmem>>, %arg13: memref<1x128xf32, #tpu.memory_space<vmem>>, %arg14: memref<1x128xf32, #tpu.memory_space<vmem>>, %arg15: memref<128x128xf32, #tpu.memory_space<vmem>>, %arg16: memref<1x128xf32, #tpu.memory_space<vmem>>, %arg17: memref<256x128xf32, #tpu.memory_space<vmem>>, %arg18: memref<256x128xf32, #tpu.memory_space<vmem>>, %arg19: memref<1x128xf32, #tpu.memory_space<vmem>>, %arg20: memref<1x128xf32, #tpu.memory_space<vmem>>) attributes {dimension_semantics = [#tpu.dimension_semantics<arbitrary>], iteration_bounds = array<i64: 32>, scalar_prefetch = 0 : i64, scratch_operands = 0 : i64, tpu.core_type = #tpu.core_type<tc>, window_params = [{transform_indices = @transform_0, window_bounds = array<i64: 256, 32, 3>}, {transform_indices = @transform_1, window_bounds = array<i64: 256, 3>}, {pipeline_mode = #tpu.pipeline_mode<synchronous>, transform_indices = @transform_2, window_bounds = array<i64: 32, 3>}, {pipeline_mode = #tpu.pipeline_mode<synchronous>, transform_indices = @transform_3, window_bounds = array<i64: 1, 32>}, {pipeline_mode = #tpu.pipeline_mode<synchronous>, transform_indices = @transform_4, window_bounds = array<i64: 1, 32>}, {pipeline_mode = #tpu.pipeline_mode<synchronous>, transform_indices = @transform_5, window_bounds = array<i64: 1, 32>}, {pipeline_mode = #tpu.pipeline_mode<synchronous>, transform_indices = @transform_6, window_bounds = array<i64: 64, 32>}, {pipeline_mode = #tpu.pipeline_mode<synchronous>, transform_indices = @transform_7, window_bounds = array<i64: 1, 64>}, {pipeline_mode = #tpu.pipeline_mode<synchronous>, transform_indices = @transform_8, window_bounds = array<i64: 1, 64>}, {pipeline_mode = #tpu.pipeline_mode<synchronous>, transform_indices = @transform_9, window_bounds = array<i64: 1, 64>}, {pipeline_mode = #tpu.pipeline_mode<synchronous>, transform_indices = @transform_10, window_bounds = array<i64: 128, 64>}, {pipeline_mode = #tpu.pipeline_mode<synchronous>, transform_indices = @transform_11, window_bounds = array<i64: 1, 128>}, {pipeline_mode = #tpu.pipeline_mode<synchronous>, transform_indices = @transform_12, window_bounds = array<i64: 1, 128>}, {pipeline_mode = #tpu.pipeline_mode<synchronous>, transform_indices = @transform_13, window_bounds = array<i64: 1, 128>}, {pipeline_mode = #tpu.pipeline_mode<synchronous>, transform_indices = @transform_14, window_bounds = array<i64: 128, 128>}, {pipeline_mode = #tpu.pipeline_mode<synchronous>, transform_indices = @transform_15, window_bounds = array<i64: 1, 128>}, {transform_indices = @transform_16, window_bounds = array<i64: 256, 128>}, {transform_indices = @transform_17, window_bounds = array<i64: 256, 128>}, {pipeline_mode = #tpu.pipeline_mode<synchronous>, transform_indices = @transform_18, window_bounds = array<i64: 1, 128>}, {pipeline_mode = #tpu.pipeline_mode<synchronous>, transform_indices = @transform_19, window_bounds = array<i64: 1, 128>}]} {
    %get3A = arith.constant 0 : index
    %get3A_0 = arith.constant 0 : index
    %get3A_1 = arith.constant 0 : index
    %get3A_2 = vector.load %arg1[%get3A, %get3A_0, %get3A_1] : memref<256x32x3xf32, #tpu.memory_space<vmem>>, vector<256x32x3xf32>
    %get3A_3 = arith.constant 0 : index
    %get3A_4 = arith.constant 0 : index
    %get3A_5 = vector.load %arg2[%get3A_3, %get3A_4] : memref<256x3xf32, #tpu.memory_space<vmem>>, vector<256x3xf32>
    %broadcast_in_dim3A = vector.shape_cast %get3A_5 : vector<256x3xf32> to vector<256x1x3xf32>
    %sub3A = vector.broadcast %broadcast_in_dim3A : vector<256x1x3xf32> to vector<256x32x3xf32>
    %sub3A_6 = arith.subf %get3A_2, %sub3A : vector<256x32x3xf32>
    %reshape3A = vector.shape_cast %sub3A_6 : vector<256x32x3xf32> to vector<8192x3xf32>
    %get3A_7 = arith.constant 0 : index
    %get3A_8 = arith.constant 0 : index
    %get3A_9 = vector.load %arg3[%get3A_7, %get3A_8] : memref<32x3xf32, #tpu.memory_space<vmem>>, vector<32x3xf32>
    %dot_general3A = arith.constant dense<0.000000e+00> : vector<8192x32xf32>
    %dot_general3A_10 = tpu.matmul %reshape3A, %get3A_9, %dot_general3A {dimension_numbers = #tpu.dot_dimension_numbers<[1], [1], [0], [0], [0, 0, 1, 0], [], []>, transpose_lhs_hint = false} : vector<8192x3xf32>, vector<32x3xf32>, vector<8192x32xf32> -> vector<8192x32xf32>
    %get3A_11 = arith.constant 0 : index
    %get3A_12 = arith.constant 0 : index
    %get3A_13 = vector.load %arg4[%get3A_11, %get3A_12] : memref<1x32xf32, #tpu.memory_space<vmem>>, vector<1x32xf32>
    %add3A = vector.broadcast %get3A_13 : vector<1x32xf32> to vector<8192x32xf32>
    %add3A_14 = arith.addf %dot_general3A_10, %add3A : vector<8192x32xf32>
    %get3A_15 = arith.constant 0 : index
    %get3A_16 = arith.constant 0 : index
    %get3A_17 = vector.load %arg5[%get3A_15, %get3A_16] : memref<1x32xf32, #tpu.memory_space<vmem>>, vector<1x32xf32>
    %mul3A = vector.broadcast %get3A_17 : vector<1x32xf32> to vector<8192x32xf32>
    %mul3A_18 = arith.mulf %add3A_14, %mul3A : vector<8192x32xf32>
    %get3A_19 = arith.constant 0 : index
    %get3A_20 = arith.constant 0 : index
    %get3A_21 = vector.load %arg6[%get3A_19, %get3A_20] : memref<1x32xf32, #tpu.memory_space<vmem>>, vector<1x32xf32>
    %add3A_22 = vector.broadcast %get3A_21 : vector<1x32xf32> to vector<8192x32xf32>
    %add3A_23 = arith.addf %mul3A_18, %add3A_22 : vector<8192x32xf32>
    %max3A = arith.constant 0.000000e+00 : f32
    %max3A_24 = vector.broadcast %max3A : f32 to vector<8192x32xf32>
    %max3A_25 = arith.maximumf %add3A_23, %max3A_24 : vector<8192x32xf32>
    %get3A_26 = arith.constant 0 : index
    %get3A_27 = arith.constant 0 : index
    %get3A_28 = vector.load %arg7[%get3A_26, %get3A_27] : memref<64x32xf32, #tpu.memory_space<vmem>>, vector<64x32xf32>
    %dot_general3A_29 = arith.constant dense<0.000000e+00> : vector<8192x64xf32>
    %dot_general3A_30 = tpu.matmul %max3A_25, %get3A_28, %dot_general3A_29 {dimension_numbers = #tpu.dot_dimension_numbers<[1], [1], [0], [0], [0, 0, 1, 0], [], []>, transpose_lhs_hint = false} : vector<8192x32xf32>, vector<64x32xf32>, vector<8192x64xf32> -> vector<8192x64xf32>
    %get3A_31 = arith.constant 0 : index
    %get3A_32 = arith.constant 0 : index
    %get3A_33 = vector.load %arg8[%get3A_31, %get3A_32] : memref<1x64xf32, #tpu.memory_space<vmem>>, vector<1x64xf32>
    %add3A_34 = vector.broadcast %get3A_33 : vector<1x64xf32> to vector<8192x64xf32>
    %add3A_35 = arith.addf %dot_general3A_30, %add3A_34 : vector<8192x64xf32>
    %get3A_36 = arith.constant 0 : index
    %get3A_37 = arith.constant 0 : index
    %get3A_38 = vector.load %arg9[%get3A_36, %get3A_37] : memref<1x64xf32, #tpu.memory_space<vmem>>, vector<1x64xf32>
    %mul3A_39 = vector.broadcast %get3A_38 : vector<1x64xf32> to vector<8192x64xf32>
    %mul3A_40 = arith.mulf %add3A_35, %mul3A_39 : vector<8192x64xf32>
    %get3A_41 = arith.constant 0 : index
    %get3A_42 = arith.constant 0 : index
    %get3A_43 = vector.load %arg10[%get3A_41, %get3A_42] : memref<1x64xf32, #tpu.memory_space<vmem>>, vector<1x64xf32>
    %add3A_44 = vector.broadcast %get3A_43 : vector<1x64xf32> to vector<8192x64xf32>
    %add3A_45 = arith.addf %mul3A_40, %add3A_44 : vector<8192x64xf32>
    %max3A_46 = arith.constant 0.000000e+00 : f32
    %max3A_47 = vector.broadcast %max3A_46 : f32 to vector<8192x64xf32>
    %max3A_48 = arith.maximumf %add3A_45, %max3A_47 : vector<8192x64xf32>
    %get3A_49 = arith.constant 0 : index
    %get3A_50 = arith.constant 0 : index
    %get3A_51 = vector.load %arg11[%get3A_49, %get3A_50] : memref<128x64xf32, #tpu.memory_space<vmem>>, vector<128x64xf32>
    %dot_general3A_52 = arith.constant dense<0.000000e+00> : vector<8192x128xf32>
    %dot_general3A_53 = tpu.matmul %max3A_48, %get3A_51, %dot_general3A_52 {dimension_numbers = #tpu.dot_dimension_numbers<[1], [1], [0], [0], [0, 0, 1, 0], [], []>, transpose_lhs_hint = false} : vector<8192x64xf32>, vector<128x64xf32>, vector<8192x128xf32> -> vector<8192x128xf32>
    %get3A_54 = arith.constant 0 : index
    %get3A_55 = arith.constant 0 : index
    %get3A_56 = vector.load %arg12[%get3A_54, %get3A_55] : memref<1x128xf32, #tpu.memory_space<vmem>>, vector<1x128xf32>
    %add3A_57 = vector.broadcast %get3A_56 : vector<1x128xf32> to vector<8192x128xf32>
    %add3A_58 = arith.addf %dot_general3A_53, %add3A_57 : vector<8192x128xf32>
    %get3A_59 = arith.constant 0 : index
    %get3A_60 = arith.constant 0 : index
    %get3A_61 = vector.load %arg13[%get3A_59, %get3A_60] : memref<1x128xf32, #tpu.memory_space<vmem>>, vector<1x128xf32>
    %mul3A_62 = vector.broadcast %get3A_61 : vector<1x128xf32> to vector<8192x128xf32>
    %mul3A_63 = arith.mulf %add3A_58, %mul3A_62 : vector<8192x128xf32>
    %get3A_64 = arith.constant 0 : index
    %get3A_65 = arith.constant 0 : index
    %get3A_66 = vector.load %arg14[%get3A_64, %get3A_65] : memref<1x128xf32, #tpu.memory_space<vmem>>, vector<1x128xf32>
    %add3A_67 = vector.broadcast %get3A_66 : vector<1x128xf32> to vector<8192x128xf32>
    %add3A_68 = arith.addf %mul3A_63, %add3A_67 : vector<8192x128xf32>
    %max3A_69 = arith.constant 0.000000e+00 : f32
    %max3A_70 = vector.broadcast %max3A_69 : f32 to vector<8192x128xf32>
    %max3A_71 = arith.maximumf %add3A_68, %max3A_70 : vector<8192x128xf32>
    %reshape3A_72 = vector.shape_cast %max3A_71 : vector<8192x128xf32> to vector<256x32x128xf32>
    %reduce_max3A = arith.constant dense<0xFF800000> : vector<256x128xf32>
    %reduce_max3A_73 = vector.multi_reduction <maximumf>, %reshape3A_72, %reduce_max3A [1] : vector<256x32x128xf32> to vector<256x128xf32>
    %get3A_74 = arith.constant 0 : index
    %get3A_75 = arith.constant 0 : index
    %get3A_76 = vector.load %arg15[%get3A_74, %get3A_75] : memref<128x128xf32, #tpu.memory_space<vmem>>, vector<128x128xf32>
    %dot_general3A_77 = arith.constant dense<0.000000e+00> : vector<256x128xf32>
    %dot_general3A_78 = tpu.matmul %reduce_max3A_73, %get3A_76, %dot_general3A_77 {dimension_numbers = #tpu.dot_dimension_numbers<[1], [1], [0], [0], [0, 0, 1, 0], [], []>, transpose_lhs_hint = false} : vector<256x128xf32>, vector<128x128xf32>, vector<256x128xf32> -> vector<256x128xf32>
    %get3A_79 = arith.constant 0 : index
    %get3A_80 = arith.constant 0 : index
    %get3A_81 = vector.load %arg16[%get3A_79, %get3A_80] : memref<1x128xf32, #tpu.memory_space<vmem>>, vector<1x128xf32>
    %add3A_82 = vector.broadcast %get3A_81 : vector<1x128xf32> to vector<256x128xf32>
    %add3A_83 = arith.addf %dot_general3A_78, %add3A_82 : vector<256x128xf32>
    %swap3A = arith.constant 0 : index
    %swap3A_84 = arith.constant 0 : index
    %swap3A_85 = vector.load %arg17[%swap3A, %swap3A_84] : memref<256x128xf32, #tpu.memory_space<vmem>>, vector<256x128xf32>
    tpu.vector_store %arg17[%swap3A, %swap3A_84], %reduce_max3A_73 {strides = array<i32>} : memref<256x128xf32, #tpu.memory_space<vmem>>, vector<256x128xf32>,
    %swap3A_86 = arith.constant 0 : index
    %swap3A_87 = arith.constant 0 : index
    %swap3A_88 = vector.load %arg18[%swap3A_86, %swap3A_87] : memref<256x128xf32, #tpu.memory_space<vmem>>, vector<256x128xf32>
    tpu.vector_store %arg18[%swap3A_86, %swap3A_87], %add3A_83 {strides = array<i32>} : memref<256x128xf32, #tpu.memory_space<vmem>>, vector<256x128xf32>,
    %reduce_sum3A = arith.constant dense<0.000000e+00> : vector<128xf32>
    %reduce_sum3A_89 = vector.multi_reduction <add>, %add3A_83, %reduce_sum3A [0] : vector<256x128xf32> to vector<128xf32>
    %broadcast_in_dim3A_90 = vector.shape_cast %reduce_sum3A_89 : vector<128xf32> to vector<1x128xf32>
    %eq3A = arith.constant 0 : i32
    %eq3A_91 = arith.cmpi eq, %arg0, %eq3A : i32
    %convert_element_type3A = arith.extui %eq3A_91 : i1 to i32
    %cond3A = arith.constant 0 : i32
    %cond3A_92 = arith.cmpi ne, %convert_element_type3A, %cond3A : i32
    scf.if %cond3A_92 {
      %swap3A_111 = arith.constant 0 : index
      %swap3A_112 = arith.constant 0 : index
      %swap3A_113 = vector.load %arg19[%swap3A_111, %swap3A_112] : memref<1x128xf32, #tpu.memory_space<vmem>>, vector<1x128xf32>
      tpu.vector_store %arg19[%swap3A_111, %swap3A_112], %broadcast_in_dim3A_90 {strides = array<i32>} : memref<1x128xf32, #tpu.memory_space<vmem>>, vector<1x128xf32>,
    } else {
    }
    %ne3A = arith.constant 0 : i32
    %ne3A_93 = arith.cmpi ne, %arg0, %ne3A : i32
    %convert_element_type3A_94 = arith.extui %ne3A_93 : i1 to i32
    %cond3A_95 = arith.constant 0 : i32
    %cond3A_96 = arith.cmpi ne, %convert_element_type3A_94, %cond3A_95 : i32
    scf.if %cond3A_96 {
      %get3A_111 = arith.constant 0 : index
      %get3A_112 = arith.constant 0 : index
      %get3A_113 = vector.load %arg19[%get3A_111, %get3A_112] : memref<1x128xf32, #tpu.memory_space<vmem>>, vector<1x128xf32>
      %add3A_114 = arith.addf %get3A_113, %broadcast_in_dim3A_90 : vector<1x128xf32>
      %swap3A_115 = arith.constant 0 : index
      %swap3A_116 = arith.constant 0 : index
      %swap3A_117 = vector.load %arg19[%swap3A_115, %swap3A_116] : memref<1x128xf32, #tpu.memory_space<vmem>>, vector<1x128xf32>
      tpu.vector_store %arg19[%swap3A_115, %swap3A_116], %add3A_114 {strides = array<i32>} : memref<1x128xf32, #tpu.memory_space<vmem>>, vector<1x128xf32>,
    } else {
    }
    %mul3A_97 = arith.mulf %add3A_83, %add3A_83 : vector<256x128xf32>
    %reduce_sum3A_98 = arith.constant dense<0.000000e+00> : vector<128xf32>
    %reduce_sum3A_99 = vector.multi_reduction <add>, %mul3A_97, %reduce_sum3A_98 [0] : vector<256x128xf32> to vector<128xf32>
    %broadcast_in_dim3A_100 = vector.shape_cast %reduce_sum3A_99 : vector<128xf32> to vector<1x128xf32>
    %eq3A_101 = arith.constant 0 : i32
    %eq3A_102 = arith.cmpi eq, %arg0, %eq3A_101 : i32
    %convert_element_type3A_103 = arith.extui %eq3A_102 : i1 to i32
    %cond3A_104 = arith.constant 0 : i32
    %cond3A_105 = arith.cmpi ne, %convert_element_type3A_103, %cond3A_104 : i32
    scf.if %cond3A_105 {
      %swap3A_111 = arith.constant 0 : index
      %swap3A_112 = arith.constant 0 : index
      %swap3A_113 = vector.load %arg20[%swap3A_111, %swap3A_112] : memref<1x128xf32, #tpu.memory_space<vmem>>, vector<1x128xf32>
      tpu.vector_store %arg20[%swap3A_111, %swap3A_112], %broadcast_in_dim3A_100 {strides = array<i32>} : memref<1x128xf32, #tpu.memory_space<vmem>>, vector<1x128xf32>,
    } else {
    }
    %ne3A_106 = arith.constant 0 : i32
    %ne3A_107 = arith.cmpi ne, %arg0, %ne3A_106 : i32
    %convert_element_type3A_108 = arith.extui %ne3A_107 : i1 to i32
    %cond3A_109 = arith.constant 0 : i32
    %cond3A_110 = arith.cmpi ne, %convert_element_type3A_108, %cond3A_109 : i32
    scf.if %cond3A_110 {
      %get3A_111 = arith.constant 0 : index
      %get3A_112 = arith.constant 0 : index
      %get3A_113 = vector.load %arg20[%get3A_111, %get3A_112] : memref<1x128xf32, #tpu.memory_space<vmem>>, vector<1x128xf32>
      %add3A_114 = arith.addf %get3A_113, %broadcast_in_dim3A_100 : vector<1x128xf32>
      %swap3A_115 = arith.constant 0 : index
      %swap3A_116 = arith.constant 0 : index
      %swap3A_117 = vector.load %arg20[%swap3A_115, %swap3A_116] : memref<1x128xf32, #tpu.memory_space<vmem>>, vector<1x128xf32>
      tpu.vector_store %arg20[%swap3A_115, %swap3A_116], %add3A_114 {strides = array<i32>} : memref<1x128xf32, #tpu.memory_space<vmem>>, vector<1x128xf32>,
    } else {
    }
    return
  }
  func.func @transform_0(%arg0: i32) -> (i32, i32, i32) {
    %c0_i32 = arith.constant 0 : i32
    %c0_i32_0 = arith.constant 0 : i32
    %c0_i32_1 = arith.constant 0 : i32
    return %arg0, %c0_i32, %c0_i32_0 : i32, i32, i32
  }
  func.func @transform_1(%arg0: i32) -> (i32, i32) {
    %c0_i32 = arith.constant 0 : i32
    %c0_i32_0 = arith.constant 0 : i32
    return %arg0, %c0_i32 : i32, i32
  }
  func.func @transform_2(%arg0: i32) -> (i32, i32) {
    %c0_i32 = arith.constant 0 : i32
    %c0_i32_0 = arith.constant 0 : i32
    %c0_i32_1 = arith.constant 0 : i32
    return %c0_i32, %c0_i32_0 : i32, i32
  }
  func.func @transform_3(%arg0: i32) -> (i32, i32) {
    %c0_i32 = arith.constant 0 : i32
    %c0_i32_0 = arith.constant 0 : i32
    %c0_i32_1 = arith.constant 0 : i32
    return %c0_i32, %c0_i32_0 : i32, i32
  }
  func.func @transform_4(%arg0: i32) -> (i32, i32) {
    %c0_i32 = arith.constant 0 : i32
    %c0_i32_0 = arith.constant 0 : i32
    %c0_i32_1 = arith.constant 0 : i32
    return %c0_i32, %c0_i32_0 : i32, i32
  }
  func.func @transform_5(%arg0: i32) -> (i32, i32) {
    %c0_i32 = arith.constant 0 : i32
    %c0_i32_0 = arith.constant 0 : i32
    %c0_i32_1 = arith.constant 0 : i32
    return %c0_i32, %c0_i32_0 : i32, i32
  }
  func.func @transform_6(%arg0: i32) -> (i32, i32) {
    %c0_i32 = arith.constant 0 : i32
    %c0_i32_0 = arith.constant 0 : i32
    %c0_i32_1 = arith.constant 0 : i32
    return %c0_i32, %c0_i32_0 : i32, i32
  }
  func.func @transform_7(%arg0: i32) -> (i32, i32) {
    %c0_i32 = arith.constant 0 : i32
    %c0_i32_0 = arith.constant 0 : i32
    %c0_i32_1 = arith.constant 0 : i32
    return %c0_i32, %c0_i32_0 : i32, i32
  }
  func.func @transform_8(%arg0: i32) -> (i32, i32) {
    %c0_i32 = arith.constant 0 : i32
    %c0_i32_0 = arith.constant 0 : i32
    %c0_i32_1 = arith.constant 0 : i32
    return %c0_i32, %c0_i32_0 : i32, i32
  }
  func.func @transform_9(%arg0: i32) -> (i32, i32) {
    %c0_i32 = arith.constant 0 : i32
    %c0_i32_0 = arith.constant 0 : i32
    %c0_i32_1 = arith.constant 0 : i32
    return %c0_i32, %c0_i32_0 : i32, i32
  }
  func.func @transform_10(%arg0: i32) -> (i32, i32) {
    %c0_i32 = arith.constant 0 : i32
    %c0_i32_0 = arith.constant 0 : i32
    %c0_i32_1 = arith.constant 0 : i32
    return %c0_i32, %c0_i32_0 : i32, i32
  }
  func.func @transform_11(%arg0: i32) -> (i32, i32) {
    %c0_i32 = arith.constant 0 : i32
    %c0_i32_0 = arith.constant 0 : i32
    %c0_i32_1 = arith.constant 0 : i32
    return %c0_i32, %c0_i32_0 : i32, i32
  }
  func.func @transform_12(%arg0: i32) -> (i32, i32) {
    %c0_i32 = arith.constant 0 : i32
    %c0_i32_0 = arith.constant 0 : i32
    %c0_i32_1 = arith.constant 0 : i32
    return %c0_i32, %c0_i32_0 : i32, i32
  }
  func.func @transform_13(%arg0: i32) -> (i32, i32) {
    %c0_i32 = arith.constant 0 : i32
    %c0_i32_0 = arith.constant 0 : i32
    %c0_i32_1 = arith.constant 0 : i32
    return %c0_i32, %c0_i32_0 : i32, i32
  }
  func.func @transform_14(%arg0: i32) -> (i32, i32) {
    %c0_i32 = arith.constant 0 : i32
    %c0_i32_0 = arith.constant 0 : i32
    %c0_i32_1 = arith.constant 0 : i32
    return %c0_i32, %c0_i32_0 : i32, i32
  }
  func.func @transform_15(%arg0: i32) -> (i32, i32) {
    %c0_i32 = arith.constant 0 : i32
    %c0_i32_0 = arith.constant 0 : i32
    %c0_i32_1 = arith.constant 0 : i32
    return %c0_i32, %c0_i32_0 : i32, i32
  }
  func.func @transform_16(%arg0: i32) -> (i32, i32) {
    %c0_i32 = arith.constant 0 : i32
    %c0_i32_0 = arith.constant 0 : i32
    return %arg0, %c0_i32 : i32, i32
  }
  func.func @transform_17(%arg0: i32) -> (i32, i32) {
    %c0_i32 = arith.constant 0 : i32
    %c0_i32_0 = arith.constant 0 : i32
    return %arg0, %c0_i32 : i32, i32
  }
  func.func @transform_18(%arg0: i32) -> (i32, i32) {
    %c0_i32 = arith.constant 0 : i32
    %c0_i32_0 = arith.constant 0 : i32
    %c0_i32_1 = arith.constant 0 : i32
    return %c0_i32, %c0_i32_0 : i32, i32
  }
  func.func @transform_19(%arg0: i32) -> (i32, i32) {
    %c0_i32 = arith.constant 0 : i32
    %c0_i32_0 = arith.constant 0 : i32
    %c0_i32_1 = arith.constant 0 : i32
    return %c0_i32, %c0_i32_0 : i32, i32
  }
}

module attributes {stable_mosaic.version = 14 : i64} {
  func.func @_layer3_body(%arg0: i32, %arg1: memref<256x16x3xf32, #tpu.memory_space<vmem>>, %arg2: memref<256x3xf32, #tpu.memory_space<vmem>>, %arg3: memref<32x3xf32, #tpu.memory_space<vmem>>, %arg4: memref<1x32xf32, #tpu.memory_space<vmem>>, %arg5: memref<1x32xf32, #tpu.memory_space<vmem>>, %arg6: memref<1x32xf32, #tpu.memory_space<vmem>>, %arg7: memref<64x32xf32, #tpu.memory_space<vmem>>, %arg8: memref<1x64xf32, #tpu.memory_space<vmem>>, %arg9: memref<1x64xf32, #tpu.memory_space<vmem>>, %arg10: memref<1x64xf32, #tpu.memory_space<vmem>>, %arg11: memref<128x64xf32, #tpu.memory_space<vmem>>, %arg12: memref<1x128xf32, #tpu.memory_space<vmem>>, %arg13: memref<1x128xf32, #tpu.memory_space<vmem>>, %arg14: memref<1x128xf32, #tpu.memory_space<vmem>>, %arg15: memref<128x128xf32, #tpu.memory_space<vmem>>, %arg16: memref<1x128xf32, #tpu.memory_space<vmem>>, %arg17: memref<256x128xf32, #tpu.memory_space<vmem>>, %arg18: memref<256x128xf32, #tpu.memory_space<vmem>>, %arg19: memref<1x128xf32, #tpu.memory_space<vmem>>, %arg20: memref<1x128xf32, #tpu.memory_space<vmem>>) attributes {dimension_semantics = [#tpu.dimension_semantics<arbitrary>], iteration_bounds = array<i64: 32>, scalar_prefetch = 0 : i64, scratch_operands = 0 : i64, tpu.core_type = #tpu.core_type<tc>, window_params = [{transform_indices = @transform_0, window_bounds = array<i64: 256, 16, 3>}, {transform_indices = @transform_1, window_bounds = array<i64: 256, 3>}, {pipeline_mode = #tpu.pipeline_mode<synchronous>, transform_indices = @transform_2, window_bounds = array<i64: 32, 3>}, {pipeline_mode = #tpu.pipeline_mode<synchronous>, transform_indices = @transform_3, window_bounds = array<i64: 1, 32>}, {pipeline_mode = #tpu.pipeline_mode<synchronous>, transform_indices = @transform_4, window_bounds = array<i64: 1, 32>}, {pipeline_mode = #tpu.pipeline_mode<synchronous>, transform_indices = @transform_5, window_bounds = array<i64: 1, 32>}, {pipeline_mode = #tpu.pipeline_mode<synchronous>, transform_indices = @transform_6, window_bounds = array<i64: 64, 32>}, {pipeline_mode = #tpu.pipeline_mode<synchronous>, transform_indices = @transform_7, window_bounds = array<i64: 1, 64>}, {pipeline_mode = #tpu.pipeline_mode<synchronous>, transform_indices = @transform_8, window_bounds = array<i64: 1, 64>}, {pipeline_mode = #tpu.pipeline_mode<synchronous>, transform_indices = @transform_9, window_bounds = array<i64: 1, 64>}, {pipeline_mode = #tpu.pipeline_mode<synchronous>, transform_indices = @transform_10, window_bounds = array<i64: 128, 64>}, {pipeline_mode = #tpu.pipeline_mode<synchronous>, transform_indices = @transform_11, window_bounds = array<i64: 1, 128>}, {pipeline_mode = #tpu.pipeline_mode<synchronous>, transform_indices = @transform_12, window_bounds = array<i64: 1, 128>}, {pipeline_mode = #tpu.pipeline_mode<synchronous>, transform_indices = @transform_13, window_bounds = array<i64: 1, 128>}, {pipeline_mode = #tpu.pipeline_mode<synchronous>, transform_indices = @transform_14, window_bounds = array<i64: 128, 128>}, {pipeline_mode = #tpu.pipeline_mode<synchronous>, transform_indices = @transform_15, window_bounds = array<i64: 1, 128>}, {transform_indices = @transform_16, window_bounds = array<i64: 256, 128>}, {transform_indices = @transform_17, window_bounds = array<i64: 256, 128>}, {pipeline_mode = #tpu.pipeline_mode<synchronous>, transform_indices = @transform_18, window_bounds = array<i64: 1, 128>}, {pipeline_mode = #tpu.pipeline_mode<synchronous>, transform_indices = @transform_19, window_bounds = array<i64: 1, 128>}]} {
    %get3A = arith.constant 0 : index
    %get3A_0 = arith.constant 0 : index
    %get3A_1 = arith.constant 0 : index
    %get3A_2 = vector.load %arg1[%get3A, %get3A_0, %get3A_1] : memref<256x16x3xf32, #tpu.memory_space<vmem>>, vector<256x16x3xf32>
    %get3A_3 = arith.constant 0 : index
    %get3A_4 = arith.constant 0 : index
    %get3A_5 = vector.load %arg2[%get3A_3, %get3A_4] : memref<256x3xf32, #tpu.memory_space<vmem>>, vector<256x3xf32>
    %broadcast_in_dim3A = vector.shape_cast %get3A_5 : vector<256x3xf32> to vector<256x1x3xf32>
    %sub3A = vector.broadcast %broadcast_in_dim3A : vector<256x1x3xf32> to vector<256x16x3xf32>
    %sub3A_6 = arith.subf %get3A_2, %sub3A : vector<256x16x3xf32>
    %reshape3A = vector.shape_cast %sub3A_6 : vector<256x16x3xf32> to vector<4096x3xf32>
    %get3A_7 = arith.constant 0 : index
    %get3A_8 = arith.constant 0 : index
    %get3A_9 = vector.load %arg3[%get3A_7, %get3A_8] : memref<32x3xf32, #tpu.memory_space<vmem>>, vector<32x3xf32>
    %dot_general3A = arith.constant dense<0.000000e+00> : vector<4096x32xf32>
    %dot_general3A_10 = tpu.matmul %reshape3A, %get3A_9, %dot_general3A {dimension_numbers = #tpu.dot_dimension_numbers<[1], [1], [0], [0], [0, 0, 1, 0], [], []>, transpose_lhs_hint = false} : vector<4096x3xf32>, vector<32x3xf32>, vector<4096x32xf32> -> vector<4096x32xf32>
    %get3A_11 = arith.constant 0 : index
    %get3A_12 = arith.constant 0 : index
    %get3A_13 = vector.load %arg4[%get3A_11, %get3A_12] : memref<1x32xf32, #tpu.memory_space<vmem>>, vector<1x32xf32>
    %add3A = vector.broadcast %get3A_13 : vector<1x32xf32> to vector<4096x32xf32>
    %add3A_14 = arith.addf %dot_general3A_10, %add3A : vector<4096x32xf32>
    %get3A_15 = arith.constant 0 : index
    %get3A_16 = arith.constant 0 : index
    %get3A_17 = vector.load %arg5[%get3A_15, %get3A_16] : memref<1x32xf32, #tpu.memory_space<vmem>>, vector<1x32xf32>
    %mul3A = vector.broadcast %get3A_17 : vector<1x32xf32> to vector<4096x32xf32>
    %mul3A_18 = arith.mulf %add3A_14, %mul3A : vector<4096x32xf32>
    %get3A_19 = arith.constant 0 : index
    %get3A_20 = arith.constant 0 : index
    %get3A_21 = vector.load %arg6[%get3A_19, %get3A_20] : memref<1x32xf32, #tpu.memory_space<vmem>>, vector<1x32xf32>
    %add3A_22 = vector.broadcast %get3A_21 : vector<1x32xf32> to vector<4096x32xf32>
    %add3A_23 = arith.addf %mul3A_18, %add3A_22 : vector<4096x32xf32>
    %max3A = arith.constant 0.000000e+00 : f32
    %max3A_24 = vector.broadcast %max3A : f32 to vector<4096x32xf32>
    %max3A_25 = arith.maximumf %add3A_23, %max3A_24 : vector<4096x32xf32>
    %get3A_26 = arith.constant 0 : index
    %get3A_27 = arith.constant 0 : index
    %get3A_28 = vector.load %arg7[%get3A_26, %get3A_27] : memref<64x32xf32, #tpu.memory_space<vmem>>, vector<64x32xf32>
    %dot_general3A_29 = arith.constant dense<0.000000e+00> : vector<4096x64xf32>
    %dot_general3A_30 = tpu.matmul %max3A_25, %get3A_28, %dot_general3A_29 {dimension_numbers = #tpu.dot_dimension_numbers<[1], [1], [0], [0], [0, 0, 1, 0], [], []>, transpose_lhs_hint = false} : vector<4096x32xf32>, vector<64x32xf32>, vector<4096x64xf32> -> vector<4096x64xf32>
    %get3A_31 = arith.constant 0 : index
    %get3A_32 = arith.constant 0 : index
    %get3A_33 = vector.load %arg8[%get3A_31, %get3A_32] : memref<1x64xf32, #tpu.memory_space<vmem>>, vector<1x64xf32>
    %add3A_34 = vector.broadcast %get3A_33 : vector<1x64xf32> to vector<4096x64xf32>
    %add3A_35 = arith.addf %dot_general3A_30, %add3A_34 : vector<4096x64xf32>
    %get3A_36 = arith.constant 0 : index
    %get3A_37 = arith.constant 0 : index
    %get3A_38 = vector.load %arg9[%get3A_36, %get3A_37] : memref<1x64xf32, #tpu.memory_space<vmem>>, vector<1x64xf32>
    %mul3A_39 = vector.broadcast %get3A_38 : vector<1x64xf32> to vector<4096x64xf32>
    %mul3A_40 = arith.mulf %add3A_35, %mul3A_39 : vector<4096x64xf32>
    %get3A_41 = arith.constant 0 : index
    %get3A_42 = arith.constant 0 : index
    %get3A_43 = vector.load %arg10[%get3A_41, %get3A_42] : memref<1x64xf32, #tpu.memory_space<vmem>>, vector<1x64xf32>
    %add3A_44 = vector.broadcast %get3A_43 : vector<1x64xf32> to vector<4096x64xf32>
    %add3A_45 = arith.addf %mul3A_40, %add3A_44 : vector<4096x64xf32>
    %max3A_46 = arith.constant 0.000000e+00 : f32
    %max3A_47 = vector.broadcast %max3A_46 : f32 to vector<4096x64xf32>
    %max3A_48 = arith.maximumf %add3A_45, %max3A_47 : vector<4096x64xf32>
    %get3A_49 = arith.constant 0 : index
    %get3A_50 = arith.constant 0 : index
    %get3A_51 = vector.load %arg11[%get3A_49, %get3A_50] : memref<128x64xf32, #tpu.memory_space<vmem>>, vector<128x64xf32>
    %dot_general3A_52 = arith.constant dense<0.000000e+00> : vector<4096x128xf32>
    %dot_general3A_53 = tpu.matmul %max3A_48, %get3A_51, %dot_general3A_52 {dimension_numbers = #tpu.dot_dimension_numbers<[1], [1], [0], [0], [0, 0, 1, 0], [], []>, transpose_lhs_hint = false} : vector<4096x64xf32>, vector<128x64xf32>, vector<4096x128xf32> -> vector<4096x128xf32>
    %get3A_54 = arith.constant 0 : index
    %get3A_55 = arith.constant 0 : index
    %get3A_56 = vector.load %arg12[%get3A_54, %get3A_55] : memref<1x128xf32, #tpu.memory_space<vmem>>, vector<1x128xf32>
    %add3A_57 = vector.broadcast %get3A_56 : vector<1x128xf32> to vector<4096x128xf32>
    %add3A_58 = arith.addf %dot_general3A_53, %add3A_57 : vector<4096x128xf32>
    %get3A_59 = arith.constant 0 : index
    %get3A_60 = arith.constant 0 : index
    %get3A_61 = vector.load %arg13[%get3A_59, %get3A_60] : memref<1x128xf32, #tpu.memory_space<vmem>>, vector<1x128xf32>
    %mul3A_62 = vector.broadcast %get3A_61 : vector<1x128xf32> to vector<4096x128xf32>
    %mul3A_63 = arith.mulf %add3A_58, %mul3A_62 : vector<4096x128xf32>
    %get3A_64 = arith.constant 0 : index
    %get3A_65 = arith.constant 0 : index
    %get3A_66 = vector.load %arg14[%get3A_64, %get3A_65] : memref<1x128xf32, #tpu.memory_space<vmem>>, vector<1x128xf32>
    %add3A_67 = vector.broadcast %get3A_66 : vector<1x128xf32> to vector<4096x128xf32>
    %add3A_68 = arith.addf %mul3A_63, %add3A_67 : vector<4096x128xf32>
    %max3A_69 = arith.constant 0.000000e+00 : f32
    %max3A_70 = vector.broadcast %max3A_69 : f32 to vector<4096x128xf32>
    %max3A_71 = arith.maximumf %add3A_68, %max3A_70 : vector<4096x128xf32>
    %reshape3A_72 = vector.shape_cast %max3A_71 : vector<4096x128xf32> to vector<256x16x128xf32>
    %reduce_max3A = arith.constant dense<0xFF800000> : vector<256x128xf32>
    %reduce_max3A_73 = vector.multi_reduction <maximumf>, %reshape3A_72, %reduce_max3A [1] : vector<256x16x128xf32> to vector<256x128xf32>
    %get3A_74 = arith.constant 0 : index
    %get3A_75 = arith.constant 0 : index
    %get3A_76 = vector.load %arg15[%get3A_74, %get3A_75] : memref<128x128xf32, #tpu.memory_space<vmem>>, vector<128x128xf32>
    %dot_general3A_77 = arith.constant dense<0.000000e+00> : vector<256x128xf32>
    %dot_general3A_78 = tpu.matmul %reduce_max3A_73, %get3A_76, %dot_general3A_77 {dimension_numbers = #tpu.dot_dimension_numbers<[1], [1], [0], [0], [0, 0, 1, 0], [], []>, transpose_lhs_hint = false} : vector<256x128xf32>, vector<128x128xf32>, vector<256x128xf32> -> vector<256x128xf32>
    %get3A_79 = arith.constant 0 : index
    %get3A_80 = arith.constant 0 : index
    %get3A_81 = vector.load %arg16[%get3A_79, %get3A_80] : memref<1x128xf32, #tpu.memory_space<vmem>>, vector<1x128xf32>
    %add3A_82 = vector.broadcast %get3A_81 : vector<1x128xf32> to vector<256x128xf32>
    %add3A_83 = arith.addf %dot_general3A_78, %add3A_82 : vector<256x128xf32>
    %swap3A = arith.constant 0 : index
    %swap3A_84 = arith.constant 0 : index
    %swap3A_85 = vector.load %arg17[%swap3A, %swap3A_84] : memref<256x128xf32, #tpu.memory_space<vmem>>, vector<256x128xf32>
    tpu.vector_store %arg17[%swap3A, %swap3A_84], %reduce_max3A_73 {strides = array<i32>} : memref<256x128xf32, #tpu.memory_space<vmem>>, vector<256x128xf32>,
    %swap3A_86 = arith.constant 0 : index
    %swap3A_87 = arith.constant 0 : index
    %swap3A_88 = vector.load %arg18[%swap3A_86, %swap3A_87] : memref<256x128xf32, #tpu.memory_space<vmem>>, vector<256x128xf32>
    tpu.vector_store %arg18[%swap3A_86, %swap3A_87], %add3A_83 {strides = array<i32>} : memref<256x128xf32, #tpu.memory_space<vmem>>, vector<256x128xf32>,
    %reduce_sum3A = arith.constant dense<0.000000e+00> : vector<128xf32>
    %reduce_sum3A_89 = vector.multi_reduction <add>, %add3A_83, %reduce_sum3A [0] : vector<256x128xf32> to vector<128xf32>
    %broadcast_in_dim3A_90 = vector.shape_cast %reduce_sum3A_89 : vector<128xf32> to vector<1x128xf32>
    %eq3A = arith.constant 0 : i32
    %eq3A_91 = arith.cmpi eq, %arg0, %eq3A : i32
    %convert_element_type3A = arith.extui %eq3A_91 : i1 to i32
    %cond3A = arith.constant 0 : i32
    %cond3A_92 = arith.cmpi ne, %convert_element_type3A, %cond3A : i32
    scf.if %cond3A_92 {
      %swap3A_111 = arith.constant 0 : index
      %swap3A_112 = arith.constant 0 : index
      %swap3A_113 = vector.load %arg19[%swap3A_111, %swap3A_112] : memref<1x128xf32, #tpu.memory_space<vmem>>, vector<1x128xf32>
      tpu.vector_store %arg19[%swap3A_111, %swap3A_112], %broadcast_in_dim3A_90 {strides = array<i32>} : memref<1x128xf32, #tpu.memory_space<vmem>>, vector<1x128xf32>,
    } else {
    }
    %ne3A = arith.constant 0 : i32
    %ne3A_93 = arith.cmpi ne, %arg0, %ne3A : i32
    %convert_element_type3A_94 = arith.extui %ne3A_93 : i1 to i32
    %cond3A_95 = arith.constant 0 : i32
    %cond3A_96 = arith.cmpi ne, %convert_element_type3A_94, %cond3A_95 : i32
    scf.if %cond3A_96 {
      %get3A_111 = arith.constant 0 : index
      %get3A_112 = arith.constant 0 : index
      %get3A_113 = vector.load %arg19[%get3A_111, %get3A_112] : memref<1x128xf32, #tpu.memory_space<vmem>>, vector<1x128xf32>
      %add3A_114 = arith.addf %get3A_113, %broadcast_in_dim3A_90 : vector<1x128xf32>
      %swap3A_115 = arith.constant 0 : index
      %swap3A_116 = arith.constant 0 : index
      %swap3A_117 = vector.load %arg19[%swap3A_115, %swap3A_116] : memref<1x128xf32, #tpu.memory_space<vmem>>, vector<1x128xf32>
      tpu.vector_store %arg19[%swap3A_115, %swap3A_116], %add3A_114 {strides = array<i32>} : memref<1x128xf32, #tpu.memory_space<vmem>>, vector<1x128xf32>,
    } else {
    }
    %mul3A_97 = arith.mulf %add3A_83, %add3A_83 : vector<256x128xf32>
    %reduce_sum3A_98 = arith.constant dense<0.000000e+00> : vector<128xf32>
    %reduce_sum3A_99 = vector.multi_reduction <add>, %mul3A_97, %reduce_sum3A_98 [0] : vector<256x128xf32> to vector<128xf32>
    %broadcast_in_dim3A_100 = vector.shape_cast %reduce_sum3A_99 : vector<128xf32> to vector<1x128xf32>
    %eq3A_101 = arith.constant 0 : i32
    %eq3A_102 = arith.cmpi eq, %arg0, %eq3A_101 : i32
    %convert_element_type3A_103 = arith.extui %eq3A_102 : i1 to i32
    %cond3A_104 = arith.constant 0 : i32
    %cond3A_105 = arith.cmpi ne, %convert_element_type3A_103, %cond3A_104 : i32
    scf.if %cond3A_105 {
      %swap3A_111 = arith.constant 0 : index
      %swap3A_112 = arith.constant 0 : index
      %swap3A_113 = vector.load %arg20[%swap3A_111, %swap3A_112] : memref<1x128xf32, #tpu.memory_space<vmem>>, vector<1x128xf32>
      tpu.vector_store %arg20[%swap3A_111, %swap3A_112], %broadcast_in_dim3A_100 {strides = array<i32>} : memref<1x128xf32, #tpu.memory_space<vmem>>, vector<1x128xf32>,
    } else {
    }
    %ne3A_106 = arith.constant 0 : i32
    %ne3A_107 = arith.cmpi ne, %arg0, %ne3A_106 : i32
    %convert_element_type3A_108 = arith.extui %ne3A_107 : i1 to i32
    %cond3A_109 = arith.constant 0 : i32
    %cond3A_110 = arith.cmpi ne, %convert_element_type3A_108, %cond3A_109 : i32
    scf.if %cond3A_110 {
      %get3A_111 = arith.constant 0 : index
      %get3A_112 = arith.constant 0 : index
      %get3A_113 = vector.load %arg20[%get3A_111, %get3A_112] : memref<1x128xf32, #tpu.memory_space<vmem>>, vector<1x128xf32>
      %add3A_114 = arith.addf %get3A_113, %broadcast_in_dim3A_100 : vector<1x128xf32>
      %swap3A_115 = arith.constant 0 : index
      %swap3A_116 = arith.constant 0 : index
      %swap3A_117 = vector.load %arg20[%swap3A_115, %swap3A_116] : memref<1x128xf32, #tpu.memory_space<vmem>>, vector<1x128xf32>
      tpu.vector_store %arg20[%swap3A_115, %swap3A_116], %add3A_114 {strides = array<i32>} : memref<1x128xf32, #tpu.memory_space<vmem>>, vector<1x128xf32>,
    } else {
    }
    return
  }
  func.func @transform_0(%arg0: i32) -> (i32, i32, i32) {
    %c0_i32 = arith.constant 0 : i32
    %c0_i32_0 = arith.constant 0 : i32
    %c0_i32_1 = arith.constant 0 : i32
    return %arg0, %c0_i32, %c0_i32_0 : i32, i32, i32
  }
  func.func @transform_1(%arg0: i32) -> (i32, i32) {
    %c0_i32 = arith.constant 0 : i32
    %c0_i32_0 = arith.constant 0 : i32
    return %arg0, %c0_i32 : i32, i32
  }
  func.func @transform_2(%arg0: i32) -> (i32, i32) {
    %c0_i32 = arith.constant 0 : i32
    %c0_i32_0 = arith.constant 0 : i32
    %c0_i32_1 = arith.constant 0 : i32
    return %c0_i32, %c0_i32_0 : i32, i32
  }
  func.func @transform_3(%arg0: i32) -> (i32, i32) {
    %c0_i32 = arith.constant 0 : i32
    %c0_i32_0 = arith.constant 0 : i32
    %c0_i32_1 = arith.constant 0 : i32
    return %c0_i32, %c0_i32_0 : i32, i32
  }
  func.func @transform_4(%arg0: i32) -> (i32, i32) {
    %c0_i32 = arith.constant 0 : i32
    %c0_i32_0 = arith.constant 0 : i32
    %c0_i32_1 = arith.constant 0 : i32
    return %c0_i32, %c0_i32_0 : i32, i32
  }
  func.func @transform_5(%arg0: i32) -> (i32, i32) {
    %c0_i32 = arith.constant 0 : i32
    %c0_i32_0 = arith.constant 0 : i32
    %c0_i32_1 = arith.constant 0 : i32
    return %c0_i32, %c0_i32_0 : i32, i32
  }
  func.func @transform_6(%arg0: i32) -> (i32, i32) {
    %c0_i32 = arith.constant 0 : i32
    %c0_i32_0 = arith.constant 0 : i32
    %c0_i32_1 = arith.constant 0 : i32
    return %c0_i32, %c0_i32_0 : i32, i32
  }
  func.func @transform_7(%arg0: i32) -> (i32, i32) {
    %c0_i32 = arith.constant 0 : i32
    %c0_i32_0 = arith.constant 0 : i32
    %c0_i32_1 = arith.constant 0 : i32
    return %c0_i32, %c0_i32_0 : i32, i32
  }
  func.func @transform_8(%arg0: i32) -> (i32, i32) {
    %c0_i32 = arith.constant 0 : i32
    %c0_i32_0 = arith.constant 0 : i32
    %c0_i32_1 = arith.constant 0 : i32
    return %c0_i32, %c0_i32_0 : i32, i32
  }
  func.func @transform_9(%arg0: i32) -> (i32, i32) {
    %c0_i32 = arith.constant 0 : i32
    %c0_i32_0 = arith.constant 0 : i32
    %c0_i32_1 = arith.constant 0 : i32
    return %c0_i32, %c0_i32_0 : i32, i32
  }
  func.func @transform_10(%arg0: i32) -> (i32, i32) {
    %c0_i32 = arith.constant 0 : i32
    %c0_i32_0 = arith.constant 0 : i32
    %c0_i32_1 = arith.constant 0 : i32
    return %c0_i32, %c0_i32_0 : i32, i32
  }
  func.func @transform_11(%arg0: i32) -> (i32, i32) {
    %c0_i32 = arith.constant 0 : i32
    %c0_i32_0 = arith.constant 0 : i32
    %c0_i32_1 = arith.constant 0 : i32
    return %c0_i32, %c0_i32_0 : i32, i32
  }
  func.func @transform_12(%arg0: i32) -> (i32, i32) {
    %c0_i32 = arith.constant 0 : i32
    %c0_i32_0 = arith.constant 0 : i32
    %c0_i32_1 = arith.constant 0 : i32
    return %c0_i32, %c0_i32_0 : i32, i32
  }
  func.func @transform_13(%arg0: i32) -> (i32, i32) {
    %c0_i32 = arith.constant 0 : i32
    %c0_i32_0 = arith.constant 0 : i32
    %c0_i32_1 = arith.constant 0 : i32
    return %c0_i32, %c0_i32_0 : i32, i32
  }
  func.func @transform_14(%arg0: i32) -> (i32, i32) {
    %c0_i32 = arith.constant 0 : i32
    %c0_i32_0 = arith.constant 0 : i32
    %c0_i32_1 = arith.constant 0 : i32
    return %c0_i32, %c0_i32_0 : i32, i32
  }
  func.func @transform_15(%arg0: i32) -> (i32, i32) {
    %c0_i32 = arith.constant 0 : i32
    %c0_i32_0 = arith.constant 0 : i32
    %c0_i32_1 = arith.constant 0 : i32
    return %c0_i32, %c0_i32_0 : i32, i32
  }
  func.func @transform_16(%arg0: i32) -> (i32, i32) {
    %c0_i32 = arith.constant 0 : i32
    %c0_i32_0 = arith.constant 0 : i32
    return %arg0, %c0_i32 : i32, i32
  }
  func.func @transform_17(%arg0: i32) -> (i32, i32) {
    %c0_i32 = arith.constant 0 : i32
    %c0_i32_0 = arith.constant 0 : i32
    return %arg0, %c0_i32 : i32, i32
  }
  func.func @transform_18(%arg0: i32) -> (i32, i32) {
    %c0_i32 = arith.constant 0 : i32
    %c0_i32_0 = arith.constant 0 : i32
    %c0_i32_1 = arith.constant 0 : i32
    return %c0_i32, %c0_i32_0 : i32, i32
  }
  func.func @transform_19(%arg0: i32) -> (i32, i32) {
    %c0_i32 = arith.constant 0 : i32
    %c0_i32_0 = arith.constant 0 : i32
    %c0_i32_1 = arith.constant 0 : i32
    return %c0_i32, %c0_i32_0 : i32, i32
  }
}

module attributes {stable_mosaic.version = 14 : i64} {
  func.func @_final_body(%arg0: i32, %arg1: memref<256x128xf32, #tpu.memory_space<vmem>>, %arg2: memref<256x128xf32, #tpu.memory_space<vmem>>, %arg3: memref<1x128xf32, #tpu.memory_space<vmem>>, %arg4: memref<1x128xf32, #tpu.memory_space<vmem>>, %arg5: memref<256x128xf32, #tpu.memory_space<vmem>>) attributes {dimension_semantics = [#tpu.dimension_semantics<arbitrary>], iteration_bounds = array<i64: 32>, scalar_prefetch = 0 : i64, scratch_operands = 0 : i64, tpu.core_type = #tpu.core_type<tc>, window_params = [{transform_indices = @transform_0, window_bounds = array<i64: 256, 128>}, {transform_indices = @transform_1, window_bounds = array<i64: 256, 128>}, {pipeline_mode = #tpu.pipeline_mode<synchronous>, transform_indices = @transform_2, window_bounds = array<i64: 1, 128>}, {pipeline_mode = #tpu.pipeline_mode<synchronous>, transform_indices = @transform_3, window_bounds = array<i64: 1, 128>}, {transform_indices = @transform_4, window_bounds = array<i64: 256, 128>}]} {
    %get3A = arith.constant 0 : index
    %get3A_0 = arith.constant 0 : index
    %get3A_1 = vector.load %arg2[%get3A, %get3A_0] : memref<256x128xf32, #tpu.memory_space<vmem>>, vector<256x128xf32>
    %get3A_2 = arith.constant 0 : index
    %get3A_3 = arith.constant 0 : index
    %get3A_4 = vector.load %arg3[%get3A_2, %get3A_3] : memref<1x128xf32, #tpu.memory_space<vmem>>, vector<1x128xf32>
    %mul3A = vector.broadcast %get3A_4 : vector<1x128xf32> to vector<256x128xf32>
    %mul3A_5 = arith.mulf %get3A_1, %mul3A : vector<256x128xf32>
    %get3A_6 = arith.constant 0 : index
    %get3A_7 = arith.constant 0 : index
    %get3A_8 = vector.load %arg4[%get3A_6, %get3A_7] : memref<1x128xf32, #tpu.memory_space<vmem>>, vector<1x128xf32>
    %add3A = vector.broadcast %get3A_8 : vector<1x128xf32> to vector<256x128xf32>
    %add3A_9 = arith.addf %mul3A_5, %add3A : vector<256x128xf32>
    %get3A_10 = arith.constant 0 : index
    %get3A_11 = arith.constant 0 : index
    %get3A_12 = vector.load %arg1[%get3A_10, %get3A_11] : memref<256x128xf32, #tpu.memory_space<vmem>>, vector<256x128xf32>
    %add3A_13 = arith.addf %add3A_9, %get3A_12 : vector<256x128xf32>
    %max3A = arith.constant 0.000000e+00 : f32
    %max3A_14 = vector.broadcast %max3A : f32 to vector<256x128xf32>
    %max3A_15 = arith.maximumf %add3A_13, %max3A_14 : vector<256x128xf32>
    %swap3A = arith.constant 0 : index
    %swap3A_16 = arith.constant 0 : index
    %swap3A_17 = vector.load %arg5[%swap3A, %swap3A_16] : memref<256x128xf32, #tpu.memory_space<vmem>>, vector<256x128xf32>
    tpu.vector_store %arg5[%swap3A, %swap3A_16], %max3A_15 {strides = array<i32>} : memref<256x128xf32, #tpu.memory_space<vmem>>, vector<256x128xf32>,
    return
  }
  func.func @transform_0(%arg0: i32) -> (i32, i32) {
    %c0_i32 = arith.constant 0 : i32
    %c0_i32_0 = arith.constant 0 : i32
    return %arg0, %c0_i32 : i32, i32
  }
  func.func @transform_1(%arg0: i32) -> (i32, i32) {
    %c0_i32 = arith.constant 0 : i32
    %c0_i32_0 = arith.constant 0 : i32
    return %arg0, %c0_i32 : i32, i32
  }
  func.func @transform_2(%arg0: i32) -> (i32, i32) {
    %c0_i32 = arith.constant 0 : i32
    %c0_i32_0 = arith.constant 0 : i32
    %c0_i32_1 = arith.constant 0 : i32
    return %c0_i32, %c0_i32_0 : i32, i32
  }
  func.func @transform_3(%arg0: i32) -> (i32, i32) {
    %c0_i32 = arith.constant 0 : i32
    %c0_i32_0 = arith.constant 0 : i32
    %c0_i32_1 = arith.constant 0 : i32
    return %c0_i32, %c0_i32_0 : i32, i32
  }
  func.func @transform_4(%arg0: i32) -> (i32, i32) {
    %c0_i32 = arith.constant 0 : i32
    %c0_i32_0 = arith.constant 0 : i32
    return %arg0, %c0_i32 : i32, i32
  }
}

</mosaic_0001>

<sc_bundles>
// kernel: kernel.16.cloned.1.call-start
scs
__scs_entry_jumppad:
0x0: {  	(pc) =	sbr.rel $0x88, $3  }
0x1: {  	(tag) =	ssettag $0x0;
	lr =	simm.s32 $0x1  }
0x2: {  	[smem:$0x3F90] =	sst lr;
	_ =	strace $0xD0000000  }
0x3: {  	_ = 	snop  }
0x4: {  	_ = 	snop  }
0x5: {  	_ = 	snop  }
0x6: {  	_ = 	snop  }
0x7: {  	_ = 	snop  }
__scs_overlays_trampoline_lowered:
0x8: {  	[smem:$0x3F9F] =	sst s0  }
0x9: {  	[smem:$0x3FA0] =	sst s1  }
0xa: {  	[smem:$0x3FA1] =	sst s2  }
0xb: {  	[smem:$0x3FA2] =	sst s3  }
0xc: {  	[smem:$0x3FA3] =	sst s4  }
0xd: {  	[smem:$0x3FA4] =	sst s5  }
0xe: {  	[smem:$0x3FA5] =	sst s6  }
0xf: {  	[smem:$0x3FA6] =	sst s7  }
0x10: {  	[smem:$0x3FA7] =	sst s8  }
0x11: {  	[smem:$0x3FA8] =	sst s9;
	s0 =	simm.s32 @!p0 $0x0  }
0x12: {  	s1 =	sld [smem:$0x3F8E];
	s0 =	simm.s32 @p0 $0x1  }
0x13: {  	[smem:$0x3FA9] =	sst s0;
	s0 =	simm.s32 @!p1 $0x0  }
0x14: {  	s2 =	sld [smem:$0x3F8D];
	s0 =	simm.s32 @p1 $0x1  }
0x15: {  	[smem:$0x3FAA] =	sst s0;
	s0 =	simm.s32 @!p2 $0x0  }
0x16: {  	s3 =	sld [smem:$0x3FDB];
	s0 =	simm.s32 @p2 $0x1  }
0x17: {  	s4 =	simm.s32 $0x1BF5;
	[smem:$0x3FAC] =	sst s0  }
0x18: {  	s0 =	sld [smem:$0x3F8F];
	_ =	swait.ge [sflag:s4], $0x0  }
0x19: {  	s7 =	sld [smem:$0x3F90]  }
0x1a: {  	s8 =	sadd.s32 $0xFFFFE003, lr  }
0x1b: {  	s9 =	sadd.s32 $0xFFFFFEF7, lr;
	s5 =	simm.s32 $0xFFFFFFFF;
	p2 =	slt.u32 s8, $0xFFFFF086  }
0x1c: {  	p1 =	slt.u32 s9, $0xF7A;
	s5 =	simm.s32 @!p2 $0x0  }
0x1d: {  	s5 =	simm.s32 @p1 $0x1;
	p0 =	seq.s32 s7, s2  }
0x1e: {  	s7 =	smul.u32 @!p0 $0xF7A, s2;
	p2 =	seq.s32 @!p0 s5, $0x0  }
0x1f: {  	s9 =	smul.u32 $0xF7A, s1;
	s8 =	simm.s32 @!p0 $0x1BF5;
	p2 =	por !p2, p0  }
0x20: {  	[sflag:s8] =	ssyncset.s32 @!p0 $0xFFFFF086;
	s6 =	sadd.s32 @!p0 s3, s7;
	s7 =	simm.s32 @!p0 $0x108  }
0x21: {  	s3 =	sadd.s32 s3, s9;
	s6 =	sadd.s32 @!p0 $0x88, s6;
	s7 =	simm.s32 @p2 $0x1082  }
0x22: {  	[simem:s7], [sflag:s8] =	dma.local @!p0 [hbm:s6], $0xF7A  }
0x23: {  	s9 =	sor.u32 $0xD0000000, s2;
	s6 =	simm.s32 $0x108;
	_ =	swait.ge @!p0 [sflag:s8], $0x0  }
0x24: {  	s3 =	sadd.s32 $0x88, s3;
	s6 =	simm.s32 @!p1 $0x1082;
	[sflag:s4] =	ssyncset.s32 $0xFFFFF086  }
0x25: {  	[simem:s6], [sflag:s4] =	dma.local [hbm:s3], $0xF7A  }
0x26: {  	[smem:$0x3F90] =	sst s1;
	(tag) =	ssettag s2;
	_ =	strace s9  }
0x27: {  	s1 =	sld [smem:$0x3FA0]  }
0x28: {  	s2 =	sld [smem:$0x3FA1]  }
0x29: {  	s4 =	sld [smem:$0x3FA3]  }
0x2a: {  	p0 =	seq.s32 s5, $0x0;
	s5 =	sld [smem:$0x3FA4]  }
0x2b: {  	s6 =	sld [smem:$0x3FA5]  }
0x2c: {  	s7 =	sld [smem:$0x3FA6]  }
0x2d: {  	s3 =	simm.s32 $0x108;
	s8 =	sld [smem:$0x3FA7]  }
0x2e: {  	s3 =	simm.s32 @!p0 $0x1082;
	s9 =	sld [smem:$0x3FA8]  }
0x2f: {  	lr =	sadd.s32 s0, s3;
	s0 =	sld [smem:$0x3F9F]  }
0x30: {  	s3 =	sld [smem:$0x3FA2]  }
0x31: {  	[smem:$0x3FAB] =	sst s10  }
0x32: {  	s10 =	sld [smem:$0x3FA9];
	_ =	sdelay $0x3  }
0x33: {  	p0 =	seq.s32 s10, $0x1;
	s10 =	sld [smem:$0x3FAB];
	_ =	sdelay $0x3  }
0x34: {  	[smem:$0x3FAB] =	sst s10  }
0x35: {  	s10 =	sld [smem:$0x3FAA];
	_ =	sdelay $0x3  }
0x36: {  	p1 =	seq.s32 s10, $0x1;
	s10 =	sld [smem:$0x3FAB];
	_ =	sdelay $0x3  }
0x37: {  	[smem:$0x3FAB] =	sst s10  }
0x38: {  	s10 =	sld [smem:$0x3FAC]  }
0x39: {  	_ = 	snop;
	(pc) =	sbr.ind lr, $3  }
0x3a: {  	_ = 	snop  }
0x3b: {  	_ = 	snop  }
0x3c: {  	p2 =	seq.s32 s10, $0x1;
	s10 =	sld [smem:$0x3FAB]  }
0x3d: {  	_ =	shalt  }
0x3e: {  	_ =	shalt  }
0x3f: {  	_ =	shalt  }
0x40: {  	_ =	shalt  }
0x41: {  	_ =	shalt  }
0x42: {  	_ =	shalt  }
0x43: {  	_ =	shalt  }
0x44: {  	_ =	shalt  }
0x45: {  	_ =	shalt  }
0x46: {  	_ =	shalt  }
0x47: {  	_ =	shalt  }
0x48: {  	_ =	shalt  }
0x49: {  	_ =	shalt  }
0x4a: {  	_ =	shalt  }
0x4b: {  	_ =	shalt  }
0x4c: {  	_ =	shalt  }
0x4d: {  	_ =	shalt  }
0x4e: {  	_ =	shalt  }
0x4f: {  	_ =	shalt  }
0x50: {  	_ =	shalt  }
0x51: {  	_ =	shalt  }
0x52: {  	_ =	shalt  }
0x53: {  	_ =	shalt  }
0x54: {  	_ =	shalt  }
0x55: {  	_ =	shalt  }
0x56: {  	_ =	shalt  }
0x57: {  	_ =	shalt  }
0x58: {  	_ =	shalt  }
0x59: {  	_ =	shalt  }
0x5a: {  	_ =	shalt  }
0x5b: {  	_ =	shalt  }
0x5c: {  	_ =	shalt  }
0x5d: {  	_ =	shalt  }
0x5e: {  	_ =	shalt  }
0x5f: {  	_ =	shalt  }
0x60: {  	_ =	shalt  }
0x61: {  	_ =	shalt  }
0x62: {  	_ =	shalt  }
0x63: {  	_ =	shalt  }
0x64: {  	_ =	shalt  }
0x65: {  	_ =	shalt  }
0x66: {  	_ =	shalt  }
0x67: {  	_ =	shalt  }
0x68: {  	_ =	shalt  }
0x69: {  	_ =	shalt  }
0x6a: {  	_ =	shalt  }
0x6b: {  	_ =	shalt  }
0x6c: {  	_ =	shalt  }
0x6d: {  	_ =	shalt  }
0x6e: {  	_ =	shalt  }
0x6f: {  	_ =	shalt  }
0x70: {  	_ =	shalt  }
0x71: {  	_ =	shalt  }
0x72: {  	_ =	shalt  }
0x73: {  	_ =	shalt  }
0x74: {  	_ =	shalt  }
0x75: {  	_ =	shalt  }
0x76: {  	_ =	shalt  }
0x77: {  	_ =	shalt  }
0x78: {  	_ =	shalt  }
0x79: {  	_ =	shalt  }
0x7a: {  	_ =	shalt  }
0x7b: {  	_ =	shalt  }
0x7c: {  	_ =	shalt  }
0x7d: {  	_ =	shalt  }
0x7e: {  	_ =	shalt  }
0x7f: {  	_ =	shalt  }
0x80: {  	_ =	shalt  }
0x81: {  	_ =	shalt  }
0x82: {  	_ =	shalt  }
0x83: {  	_ =	shalt  }
0x84: {  	_ =	shalt  }
0x85: {  	_ =	shalt  }
0x86: {  	_ =	shalt  }
0x87: {  	_ =	shalt  }
.Lfunc_end0:
.L_simem_size_0:
called_computation_lowered:
.L_overlay_start_0:
0x88: {  	s2 =	sld [smem:$0x3FD9]  }
0x89: {  	s3 =	sld [smem:$0x3FFE];
	_ =	sdelay $0x1  }
0x8a: {  	s1 =	srdreg.scid  }
0x8b: {  	s0 =	sand.u32 $0x1, s1  }
0x8c: {  	s17 =	sshll.u32 s0, $0xA;
	s2 =	sadd.s32 s3, s2  }
0x8d: {  	s2 =	sadd.s32 s2, s17  }
0x8e: {  	[smem:$0x3FB7] =	sst s2  }
0x8f: {  	_ = 	snop  }
0x90: {  	(tm) =	ssettm $0x1  }
0x91: {  	s18 =	sld [smem:$0x3FFB];
	_ =	sdelay $0x3  }
0x92: {  	_ =	strace s18  }
0x93: {  	s2 =	sld [smem:$0x3FFC];
	_ =	sdelay $0x3  }
0x94: {  	_ =	strace s2  }
0x95: {  	s2 =	sld [smem:$0x3FFD];
	_ =	sdelay $0x3  }
0x96: {  	_ =	strace s2  }
0x97: {  	_ =	strace $0x8FFFFFFF  }
0x98: {  	s19 =	sld [smem:$0x3FDB];
	_ =	sdelay $0x1  }
0x99: {  	s20 =	simm.s32 $_scs_section_size  }
0x9a: {  	s4 =	simm.s32 $_size__tile_overlayer_lowered;
	s5 =	simm.s32 $_tile_overlayer_lowered  }
0x9b: {  	s6 =	simm.s32 $0x1BFF;
	s21 =	sshll.u32 s5, $0x1;
	s3 =	sadd.s32 s20, s19  }
0x9c: {  	s22 =	simm.s32 $0x0;
	s4 =	sshll.u32 s4, $0x1;
	s5 =	sadd.s32 s21, s3  }
0x9d: {  	[timem:s22], [sflag:s6] =	dma.local [hbm:s5], s4  }
0x9e: {  	_ =	swait.ge [sflag:s6], s4  }
0x9f: {  	s4 =	ssub.s32 $0x0, s4;
	[sflag:s6] =	ssyncset.done $0x0  }
0xa0: {  	[sflag:s6] =	ssyncadd.s32 s4;
	_ =	sdelay $0x1  }
0xa1: {  	s23 =	simm.s32 $0x1B8B  }
0xa2: {  	_ =	swait.ge [sflag:s23], $0x1  }
0xa3: {  	[sflag:s23] =	ssyncset.done $0x0  }
0xa4: {  	[sflag:s23] =	ssyncadd.s32 $0xFFFFFFFF  }
0xa5: {  	s4 =	sld [smem:$0x0]  }
0xa6: {  	s5 =	sand.u32 $0xFFFFFFFE, s1  }
0xa7: {  	p0 =	sne.s32 s1, s5  }
0xa8: {  	s5 =	sshll.u32 @p0 s5, $0xE  }
0xa9: {  	s5 =	sadd.s32 @p0 $0x11B8D, s5;
	s6 =	sshll.u32 @p0 s4, $0x11  }
0xaa: {  	s5 =	sor.u32 @p0 s6, s5  }
0xab: {  	[sflag:s5] =	ssyncadd.remote.s32 @p0 $0x1;
	_ =	sdelay $0x1  }
0xac: {  	s5 =	simm.s32 @p0 $0x1B8D  }
0xad: {  	_ =	swait.eq @p0 [sflag:s5], $0x1  }
0xae: {  	[sflag:s5] =	ssyncadd.s32 @p0 $0xFFFFFFFF  }
0xaf: {  	s6 =	sshll.u32 @!p0 s1, $0xE  }
0xb0: {  	s6 =	sor.u32 @!p0 $0x4000, s6;
	s5 =	simm.s32 @!p0 $0x1B8D  }
0xb1: {  	s4 =	sshll.u32 @!p0 s4, $0x11;
	s6 =	sadd.s32 @!p0 $0x11B8D, s6;
	_ =	swait.eq @!p0 [sflag:s5], $0x1  }
0xb2: {  	s4 =	sor.u32 @!p0 s4, s6;
	[sflag:s5] =	ssyncadd.s32 @!p0 $0xFFFFFFFF  }
0xb3: {  	s25 =	simm.s32 $0x1B8E;
	s24 =	sld [smem:$0x3FFE];
	[sflag:s4] =	ssyncadd.remote.s32 @!p0 $0x1  }
0xb4: {  	s26 =	simm.s32 $execute0_lowered;
	[smem:$0x3FD2] =	sst s25  }
0xb5: {  	s5 =	sshll.u32 s26, $0x1;
	_ =	strace $0x80000049;
	[dreg:$0x1] =	wrdreg $0xFFFFFFFF  }
0xb6: {  	s28 =	simm.s32 $_size_execute0_lowered;
	s3 =	sadd.s32 s3, s5;
	[dreg:$0x0] =	wrdreg $0x0  }
0xb7: {  	s5 =	sshll.u32 s28, $0x1;
	[dreg:$0x2] =	wrdreg s3  }
0xb8: {  	[dreg:$0x3] =	wrdreg s5  }
0xb9: {  	[dreg:$0x4] =	wrdreg $0xC0  }
0xba: {  	_ =	task [dreg:s22], $0x5FFFF  }
0xbb: {  	[dreg:$0x1] =	wrdreg $0xFFFFFFFF  }
0xbc: {  	[dreg:$0x0] =	wrdreg $0x60  }
0xbd: {  	[dreg:$0x2] =	wrdreg s24  }
0xbe: {  	[dreg:$0x3] =	wrdreg $0x9  }
0xbf: {  	_ =	task.clear_ibuf [dreg:s22], $0x4FFFF;
	_ =	strace $0x90000049  }
0xc0: {  	s29 =	simm.s32 $0x9;
	_ =	strace $0x8000004B  }
0xc1: {  	_ =	swait.ge [sflag:s29], $0x1  }
0xc2: {  	[sflag:s29] =	ssyncadd.s32 $0xFFFFFFFF  }
0xc3: {  	_ =	strace $0x9000004B  }
0xc4: {  	_ =	sfence  }
0xc5: {  	s30 =	sld [smem:$0x0];
	_ =	sdelay $0x2  }
0xc6: {  	s31 =	sshll.u32 s1, $0xD;
	s1 =	sshrl.u32 s1, $0x2  }
0xc7: {  	s4 =	sand.u32 $0x4000, s31;
	s1 =	sadd.s32 s1, s30  }
0xc8: {  	s0 =	sor.u32 s4, s0;
	s1 =	sshll.u32 s1, $0x11  }
0xc9: {  	s0 =	sor.u32 s1, s0  }
0xca: {  	s0 =	sadd.s32 $0x8F2B, s0  }
0xcb: {  	[sflag:s0] =	ssyncadd.remote.s32 $0x1  }
0xcc: {  	_ =	sfence.sel $0xFFFF  }
0xcd: {  	[dreg:$0x0] =	wrdreg $0xFFFFFFFF;
	(pc) =	sbr.abs _section_cstart, $3  }
0xce: {  	[dreg:$0x1] =	wrdreg $0xFFFFFFFF  }
0xcf: {  	_ =	task.clear_ibuf [dreg:s22], $0x2FFFF;
	_ =	strace $0x9FFFFFFF  }
0xd0: {  	(tm) =	ssettm $0x7FFFFFFF  }
0xd1: {  	_ =	shalt  }
tec
execute0_lowered:
.L_overlay_start_1:
0x0: {  	(tag) =	ssettag $0x1  }
0x1: {  	s3 =	rddreg [dreg:$0x0]  }
0x2: {  	s0 =	rddreg [dreg:$0x1];
	s1 =	stileid.u32  }
0x3: {  	s2 =	simm.s32 $0x0;
	s4 =	srdreg.scid;
	s11 =	simm.s32 $0x80  }
0x4: {  	s12 =	simm.s32 $0x400;
	s13 =	simm.s32 $0x1;
	s14 =	simm.s32 $0x1000  }
0x5: {  	s15 =	simm.s32 $0x2000;
	s16 =	simm.s32 $0x3000;
	s17 =	simm.s32 $0x7000  }
0x6: {  	s18 =	simm.s32 $0xB000;
	s19 =	simm.s32 $0xF000;
	s20 =	simm.s32 $0x0  }
0x7: {  	s5 =	sshll.u32 s1, $0x1;
	[smem:$0x7FF] =	sst s2;
	s4 =	sand.u32 $0x1, s4  }
0x8: {  	s6 =	sshrl.u32 s1, $0x1;
	s5 =	sand.u32 $0x2, s5;
	_ =	strace $0x8000004A  }
0x9: {  	s7 =	sshll.u32 s6, $0xD;
	s5 =	sor.u32 s4, s5;
	s4 =	ssub.s32 $0x2, s4  }
0xa: {  	s6 =	sshll.u32 s6, $0x4;
	s5 =	sshll.u32 s5, $0xB;
	s31 =	sshrl.u32 s4, $0x1  }
0xb: {  	s6 =	sadd.s32 s6, s3;
	s5 =	sor.u32 s7, s5;
	s10 =	ssub.s32 s4, s31  }
0xc: {  	s4 =	sadd.s32 $0x56C00, s6;
	s9 =	sadd.s32 s5, s3;
	s3 =	sadd.s32 $0x57C00, s6  }
0xd: {  	s5 =	sadd.s32 $0x55C00, s6;
	s10 =	smax.u32 s10, $0x1;
	s6 =	sadd.s32 $0x15C00, s9  }
0xe: {  	s7 =	sadd.s32 $0x58C00, s9;
	s8 =	sadd.s32 $0x68C00, s9;
	s9 =	sadd.s32 $0x78C00, s9  }
.LBB2_1:
0xf: {  	[tilespmem:s2], [sflag:$0x1] =	stream.strided.gather [hbm4b:s3+s11], $0x1000, s12, s11, $0x38;
	[tilespmem:$0x13000] =	vst v63  }
0x10: {  	_ =	swait.ge [sflag:s13], $0x1000  }
0x11: {  	[sflag:s13] =	ssyncset.done $0x0  }
0x12: {  	[sflag:s13] =	ssyncadd.s32 $0xFFFFF000  }
0x13: {  	[tilespmem:s14], [sflag:$0x1] =	stream.strided.gather [hbm4b:s4+s11], $0x1000, s12, s11, $0x38;
	[tilespmem:$0x13000] =	vst v63  }
0x14: {  	_ =	swait.ge [sflag:s13], $0x1000  }
0x15: {  	[sflag:s13] =	ssyncset.done $0x0  }
0x16: {  	[sflag:s13] =	ssyncadd.s32 $0xFFFFF000  }
0x17: {  	[tilespmem:s15], [sflag:$0x1] =	stream.strided.gather [hbm4b:s5+s11], $0x1000, s12, s11, $0x38;
	[tilespmem:$0x13000] =	vst v63  }
0x18: {  	_ =	swait.ge [sflag:s13], $0x1000  }
0x19: {  	[sflag:s13] =	ssyncset.done $0x0  }
0x1a: {  	[sflag:s13] =	ssyncadd.s32 $0xFFFFF000  }
0x1b: {  	[tilespmem:s16], [sflag:$0x1] =	stream.linear.gather [hbm4b:s6+s2], $0x4000, $0x38;
	[tilespmem:$0x13000] =	vst v63  }
0x1c: {  	_ =	swait.ge [sflag:s13], $0x4000  }
0x1d: {  	[sflag:s13] =	ssyncset.done $0x0  }
0x1e: {  	s21 =	simm.s32 $0x0;
	[sflag:s13] =	ssyncadd.s32 $0xFFFFC000  }
0x1f: {  	v1 =	vld [tilespmem:s21+$0x3000];
	_ =	sdelay $0x7  }
0x20: {  	v0 =	vld.idx.msk [tilespmem:v1+s2+$0x0], $0xffff;
	_ =	sdelay $0x4  }
0x21: {  	[tilespmem:s21+$0x7000] =	vst v0  }
0x22: {  	v0 =	vld.idx.msk [tilespmem:v1+s14+$0x0], $0xffff;
	_ =	sdelay $0x4  }
0x23: {  	[tilespmem:s21+$0xB000] =	vst v0;
	v0 =	vld [tilespmem:s21+$0x3010];
	_ =	sdelay $0x1  }
0x24: {  	v1 =	vld.idx.msk [tilespmem:v1+s15+$0x0], $0xffff;
	_ =	sdelay $0x4  }
0x25: {  	[tilespmem:s21+$0xF000] =	vst v1  }
0x26: {  	v1 =	vld.idx.msk [tilespmem:v0+s2+$0x0], $0xffff;
	_ =	sdelay $0x4  }
0x27: {  	[tilespmem:s21+$0x7010] =	vst v1  }
0x28: {  	v1 =	vld.idx.msk [tilespmem:v0+s14+$0x0], $0xffff;
	_ =	sdelay $0x3  }
0x29: {  	s23 =	simm.s32 $0x80;
	s22 =	simm.s32 $0x400  }
.LBB2_2:
0x2a: {  	p0 =	sne.s32 s22, $0xFE00;
	v2 =	vld [tilespmem:s23+$0x3000];
	[tilespmem:s21+$0xB010] =	vst v1  }
0x2b: {  	v0 =	vld.idx.msk [tilespmem:v0+s15+$0x0], $0xffff;
	_ =	sdelay $0x5  }
0x2c: {  	[tilespmem:s21+$0xF010] =	vst v0;
	s21 =	smov.u32 s23  }
0x2d: {  	v0 =	vld.idx.msk [tilespmem:v2+s2+$0x0], $0xffff;
	_ =	sdelay $0x5  }
0x2e: {  	[tilespmem:s21+$0x7000] =	vst v0  }
0x2f: {  	v0 =	vld.idx.msk [tilespmem:v2+s14+$0x0], $0xffff;
	_ =	sdelay $0x5  }
0x30: {  	[tilespmem:s21+$0xB000] =	vst v0;
	v0 =	vld [tilespmem:s21+$0x3010]  }
0x31: {  	v1 =	vld.idx.msk [tilespmem:v2+s15+$0x0], $0xffff;
	_ =	sdelay $0x5  }
0x32: {  	[tilespmem:s21+$0xF000] =	vst v1  }
0x33: {  	v1 =	vld.idx.msk [tilespmem:v0+s2+$0x0], $0xffff;
	_ =	sdelay $0x5  }
0x34: {  	[tilespmem:s21+$0x7010] =	vst v1  }
0x35: {  	v1 =	vld.idx.msk [tilespmem:v0+s14+$0x0], $0xffff  }
.Ltmp0:
0x36: {  	(pc) =	sbr.rel @p0 .LBB2_2-.Ltmp0, $2  }
0x37: {  	_ =	sdelay $0x2  }
0x38: {  	s23 =	sshra.s32 s22, $0x2;
	s22 =	sadd.s32 $0x200, s22  }
0x39: {  	_ =	sdelay $0x1  }
0x3a: {  	v2 =	vld [tilespmem:s23+$0x3000]  }
0x3b: {  	[tilespmem:s21+$0xB010] =	vst v1  }
0x3c: {  	v0 =	vld.idx.msk [tilespmem:v0+s15+$0x0], $0xffff;
	_ =	sdelay $0x4  }
0x3d: {  	[tilespmem:s21+$0xF010] =	vst v0  }
0x3e: {  	v0 =	vld.idx.msk [tilespmem:v2+s2+$0x0], $0xffff;
	_ =	sdelay $0x4  }
0x3f: {  	[tilespmem:s23+$0x7000] =	vst v0  }
0x40: {  	v0 =	vld.idx.msk [tilespmem:v2+s14+$0x0], $0xffff;
	_ =	sdelay $0x3  }
0x41: {  	v63 =	vld [tilespmem:s23+$0x3010]  }
0x42: {  	[tilespmem:s23+$0xB000] =	vst v0  }
0x43: {  	v1 =	vld.idx.msk [tilespmem:v2+s15+$0x0], $0xffff;
	_ =	sdelay $0x4  }
0x44: {  	[tilespmem:s23+$0xF000] =	vst v1  }
0x45: {  	v1 =	vld.idx.msk [tilespmem:v63+s2+$0x0], $0xffff;
	_ =	sdelay $0x4  }
0x46: {  	[tilespmem:s23+$0x7010] =	vst v1  }
0x47: {  	v1 =	vld.idx.msk [tilespmem:v63+s14+$0x0], $0xffff;
	_ =	sdelay $0x4  }
0x48: {  	[tilespmem:s23+$0xB010] =	vst v1  }
0x49: {  	v0 =	vld.idx.msk [tilespmem:v63+s15+$0x0], $0xffff;
	_ =	sdelay $0x4  }
0x4a: {  	[tilespmem:s23+$0xF010] =	vst v0  }
0x4b: {  	[hbm4b:s7+s2] =	stream.linear.scatter [tilespmem:s17], [sflag:$0x1], $0x4000, $0x38;
	[tilespmem:$0x13000] =	vst v63  }
0x4c: {  	_ =	swait.ge [sflag:s13], $0x4000  }
0x4d: {  	[sflag:s13] =	ssyncset.done $0x0  }
0x4e: {  	[sflag:s13] =	ssyncadd.s32 $0xFFFFC000  }
0x4f: {  	[hbm4b:s8+s2] =	stream.linear.scatter [tilespmem:s18], [sflag:$0x1], $0x4000, $0x38;
	[tilespmem:$0x13000] =	vst v63  }
0x50: {  	s20 =	sadd.s32 $0x1, s20;
	_ =	swait.ge [sflag:s13], $0x4000  }
0x51: {  	p0 =	sne.s32 s20, s10;
	[sflag:s13] =	ssyncset.done $0x0  }
.Ltmp1:
0x52: {  	[sflag:s13] =	ssyncadd.s32 $0xFFFFC000;
	(pc) =	sbr.rel @p0 .LBB2_1-.Ltmp1, $4  }
0x53: {  	[hbm4b:s9+s2] =	stream.linear.scatter [tilespmem:s19], [sflag:$0x1], $0x4000, $0x38;
	[tilespmem:$0x13000] =	vst v63  }
0x54: {  	_ =	swait.ge [sflag:s13], $0x4000  }
0x55: {  	[sflag:s13] =	ssyncset.done $0x0  }
0x56: {  	[sflag:s13] =	ssyncadd.s32 $0xFFFFC000  }
0x57: {  	_ =	sfence.sel $0x180000  }
0x58: {  	[bflag:$0x0] =	sbarrier.arrive $0xFFFF  }
0x59: {  	p0 =	sne.s32 s1, $0x0;
	_ =	strace $0x9000004A  }
0x5a: {  	s0 =	sadd.s32 @!p0 $0x100000, s0;
	[bflag:$0x2] =	sbarrier.arrive $0xFFFF  }
0x5b: {  	[sflag:s0] =	ssyncadd.tile.s32 @!p0 $0x1;
	_ =	shalt  }
.Lfunc_end2:
_tile_overlayer_lowered:
.L_overlay_start_2:
0x5c: {  	(tag) =	ssettag $0x2  }
0x5d: {  	s0 =	rddreg [dreg:$0x0];
	s2 =	stileid.u32  }
0x5e: {  	s1 =	rddreg [dreg:$0x1];
	p0 =	sne.s32 s2, $0x0  }
0x5f: {  	s3 =	rddreg [dreg:$0x2];
	[bflag:$0x3] =	sbarrier.arrive $0xFFFF;
	s2 =	simm.s32 @!p0 $0x1C01  }
0x60: {  	[timem:s3], [sflag:s2] =	dma.local @!p0 [hbm:s0], s1  }
0x61: {  	s0 =	simm.s32 @!p0 $0x1  }
0x62: {  	_ =	swait.ge @!p0 [sflag:s0], s1  }
0x63: {  	s1 =	ssub.s32 @!p0 $0x0, s1;
	[sflag:s0] =	ssyncset.done @!p0 $0x0  }
0x64: {  	[sflag:s0] =	ssyncadd.s32 @!p0 s1  }
0x65: {  	[bflag:$0x3] =	sbarrier.arrive $0xFFFF  }
0x66: {  	_ =	shalt  }

// kernel: kernel.19.cloned.1.call-start
scs
__scs_entry_jumppad:
0x0: {  	(pc) =	sbr.rel $0x88, $3  }
0x1: {  	(tag) =	ssettag $0x0;
	lr =	simm.s32 $0x1  }
0x2: {  	[smem:$0x3F90] =	sst lr;
	_ =	strace $0xD0000000  }
0x3: {  	_ = 	snop  }
0x4: {  	_ = 	snop  }
0x5: {  	_ = 	snop  }
0x6: {  	_ = 	snop  }
0x7: {  	_ = 	snop  }
__scs_overlays_trampoline_lowered:
0x8: {  	[smem:$0x3F9F] =	sst s0  }
0x9: {  	[smem:$0x3FA0] =	sst s1  }
0xa: {  	[smem:$0x3FA1] =	sst s2  }
0xb: {  	[smem:$0x3FA2] =	sst s3  }
0xc: {  	[smem:$0x3FA3] =	sst s4  }
0xd: {  	[smem:$0x3FA4] =	sst s5  }
0xe: {  	[smem:$0x3FA5] =	sst s6  }
0xf: {  	[smem:$0x3FA6] =	sst s7  }
0x10: {  	[smem:$0x3FA7] =	sst s8  }
0x11: {  	[smem:$0x3FA8] =	sst s9;
	s0 =	simm.s32 @!p0 $0x0  }
0x12: {  	s1 =	sld [smem:$0x3F8E];
	s0 =	simm.s32 @p0 $0x1  }
0x13: {  	[smem:$0x3FA9] =	sst s0;
	s0 =	simm.s32 @!p1 $0x0  }
0x14: {  	s2 =	sld [smem:$0x3F8D];
	s0 =	simm.s32 @p1 $0x1  }
0x15: {  	[smem:$0x3FAA] =	sst s0;
	s0 =	simm.s32 @!p2 $0x0  }
0x16: {  	s3 =	sld [smem:$0x3FDB];
	s0 =	simm.s32 @p2 $0x1  }
0x17: {  	s4 =	simm.s32 $0x1BF5;
	[smem:$0x3FAC] =	sst s0  }
0x18: {  	s0 =	sld [smem:$0x3F8F];
	_ =	swait.ge [sflag:s4], $0x0  }
0x19: {  	s7 =	sld [smem:$0x3F90]  }
0x1a: {  	s8 =	sadd.s32 $0xFFFFE003, lr  }
0x1b: {  	s9 =	sadd.s32 $0xFFFFFEF7, lr;
	s5 =	simm.s32 $0xFFFFFFFF;
	p2 =	slt.u32 s8, $0xFFFFF086  }
0x1c: {  	p1 =	slt.u32 s9, $0xF7A;
	s5 =	simm.s32 @!p2 $0x0  }
0x1d: {  	s5 =	simm.s32 @p1 $0x1;
	p0 =	seq.s32 s7, s2  }
0x1e: {  	s7 =	smul.u32 @!p0 $0xF7A, s2;
	p2 =	seq.s32 @!p0 s5, $0x0  }
0x1f: {  	s9 =	smul.u32 $0xF7A, s1;
	s8 =	simm.s32 @!p0 $0x1BF5;
	p2 =	por !p2, p0  }
0x20: {  	[sflag:s8] =	ssyncset.s32 @!p0 $0xFFFFF086;
	s6 =	sadd.s32 @!p0 s3, s7;
	s7 =	simm.s32 @!p0 $0x108  }
0x21: {  	s3 =	sadd.s32 s3, s9;
	s6 =	sadd.s32 @!p0 $0x88, s6;
	s7 =	simm.s32 @p2 $0x1082  }
0x22: {  	[simem:s7], [sflag:s8] =	dma.local @!p0 [hbm:s6], $0xF7A  }
0x23: {  	s9 =	sor.u32 $0xD0000000, s2;
	s6 =	simm.s32 $0x108;
	_ =	swait.ge @!p0 [sflag:s8], $0x0  }
0x24: {  	s3 =	sadd.s32 $0x88, s3;
	s6 =	simm.s32 @!p1 $0x1082;
	[sflag:s4] =	ssyncset.s32 $0xFFFFF086  }
0x25: {  	[simem:s6], [sflag:s4] =	dma.local [hbm:s3], $0xF7A  }
0x26: {  	[smem:$0x3F90] =	sst s1;
	(tag) =	ssettag s2;
	_ =	strace s9  }
0x27: {  	s1 =	sld [smem:$0x3FA0]  }
0x28: {  	s2 =	sld [smem:$0x3FA1]  }
0x29: {  	s4 =	sld [smem:$0x3FA3]  }
0x2a: {  	p0 =	seq.s32 s5, $0x0;
	s5 =	sld [smem:$0x3FA4]  }
0x2b: {  	s6 =	sld [smem:$0x3FA5]  }
0x2c: {  	s7 =	sld [smem:$0x3FA6]  }
0x2d: {  	s3 =	simm.s32 $0x108;
	s8 =	sld [smem:$0x3FA7]  }
0x2e: {  	s3 =	simm.s32 @!p0 $0x1082;
	s9 =	sld [smem:$0x3FA8]  }
0x2f: {  	lr =	sadd.s32 s0, s3;
	s0 =	sld [smem:$0x3F9F]  }
0x30: {  	s3 =	sld [smem:$0x3FA2]  }
0x31: {  	[smem:$0x3FAB] =	sst s10  }
0x32: {  	s10 =	sld [smem:$0x3FA9];
	_ =	sdelay $0x3  }
0x33: {  	p0 =	seq.s32 s10, $0x1;
	s10 =	sld [smem:$0x3FAB];
	_ =	sdelay $0x3  }
0x34: {  	[smem:$0x3FAB] =	sst s10  }
0x35: {  	s10 =	sld [smem:$0x3FAA];
	_ =	sdelay $0x3  }
0x36: {  	p1 =	seq.s32 s10, $0x1;
	s10 =	sld [smem:$0x3FAB];
	_ =	sdelay $0x3  }
0x37: {  	[smem:$0x3FAB] =	sst s10  }
0x38: {  	s10 =	sld [smem:$0x3FAC]  }
0x39: {  	_ = 	snop;
	(pc) =	sbr.ind lr, $3  }
0x3a: {  	_ = 	snop  }
0x3b: {  	_ = 	snop  }
0x3c: {  	p2 =	seq.s32 s10, $0x1;
	s10 =	sld [smem:$0x3FAB]  }
0x3d: {  	_ =	shalt  }
0x3e: {  	_ =	shalt  }
0x3f: {  	_ =	shalt  }
0x40: {  	_ =	shalt  }
0x41: {  	_ =	shalt  }
0x42: {  	_ =	shalt  }
0x43: {  	_ =	shalt  }
0x44: {  	_ =	shalt  }
0x45: {  	_ =	shalt  }
0x46: {  	_ =	shalt  }
0x47: {  	_ =	shalt  }
0x48: {  	_ =	shalt  }
0x49: {  	_ =	shalt  }
0x4a: {  	_ =	shalt  }
0x4b: {  	_ =	shalt  }
0x4c: {  	_ =	shalt  }
0x4d: {  	_ =	shalt  }
0x4e: {  	_ =	shalt  }
0x4f: {  	_ =	shalt  }
0x50: {  	_ =	shalt  }
0x51: {  	_ =	shalt  }
0x52: {  	_ =	shalt  }
0x53: {  	_ =	shalt  }
0x54: {  	_ =	shalt  }
0x55: {  	_ =	shalt  }
0x56: {  	_ =	shalt  }
0x57: {  	_ =	shalt  }
0x58: {  	_ =	shalt  }
0x59: {  	_ =	shalt  }
0x5a: {  	_ =	shalt  }
0x5b: {  	_ =	shalt  }
0x5c: {  	_ =	shalt  }
0x5d: {  	_ =	shalt  }
0x5e: {  	_ =	shalt  }
0x5f: {  	_ =	shalt  }
0x60: {  	_ =	shalt  }
0x61: {  	_ =	shalt  }
0x62: {  	_ =	shalt  }
0x63: {  	_ =	shalt  }
0x64: {  	_ =	shalt  }
0x65: {  	_ =	shalt  }
0x66: {  	_ =	shalt  }
0x67: {  	_ =	shalt  }
0x68: {  	_ =	shalt  }
0x69: {  	_ =	shalt  }
0x6a: {  	_ =	shalt  }
0x6b: {  	_ =	shalt  }
0x6c: {  	_ =	shalt  }
0x6d: {  	_ =	shalt  }
0x6e: {  	_ =	shalt  }
0x6f: {  	_ =	shalt  }
0x70: {  	_ =	shalt  }
0x71: {  	_ =	shalt  }
0x72: {  	_ =	shalt  }
0x73: {  	_ =	shalt  }
0x74: {  	_ =	shalt  }
0x75: {  	_ =	shalt  }
0x76: {  	_ =	shalt  }
0x77: {  	_ =	shalt  }
0x78: {  	_ =	shalt  }
0x79: {  	_ =	shalt  }
0x7a: {  	_ =	shalt  }
0x7b: {  	_ =	shalt  }
0x7c: {  	_ =	shalt  }
0x7d: {  	_ =	shalt  }
0x7e: {  	_ =	shalt  }
0x7f: {  	_ =	shalt  }
0x80: {  	_ =	shalt  }
0x81: {  	_ =	shalt  }
0x82: {  	_ =	shalt  }
0x83: {  	_ =	shalt  }
0x84: {  	_ =	shalt  }
0x85: {  	_ =	shalt  }
0x86: {  	_ =	shalt  }
0x87: {  	_ =	shalt  }
.Lfunc_end0:
.L_simem_size_0:
called_computation.1_lowered:
.L_overlay_start_0:
0x88: {  	s2 =	sld [smem:$0x3FD9]  }
0x89: {  	s3 =	sld [smem:$0x3FFE];
	_ =	sdelay $0x1  }
0x8a: {  	s1 =	srdreg.scid  }
0x8b: {  	s0 =	sand.u32 $0x1, s1  }
0x8c: {  	s16 =	sshll.u32 s0, $0xA;
	s2 =	sadd.s32 s3, s2  }
0x8d: {  	s2 =	sadd.s32 s2, s16  }
0x8e: {  	[smem:$0x3FB7] =	sst s2  }
0x8f: {  	_ = 	snop  }
0x90: {  	(tm) =	ssettm $0x1  }
0x91: {  	s17 =	sld [smem:$0x3FFB];
	_ =	sdelay $0x3  }
0x92: {  	_ =	strace s17  }
0x93: {  	s2 =	sld [smem:$0x3FFC];
	_ =	sdelay $0x3  }
0x94: {  	_ =	strace s2  }
0x95: {  	s2 =	sld [smem:$0x3FFD];
	_ =	sdelay $0x3  }
0x96: {  	_ =	strace s2  }
0x97: {  	_ =	strace $0x8FFFFFFF  }
0x98: {  	s18 =	sld [smem:$0x3FDB];
	_ =	sdelay $0x1  }
0x99: {  	s19 =	simm.s32 $_scs_section_size  }
0x9a: {  	s4 =	simm.s32 $_size__tile_overlayer_lowered;
	s5 =	simm.s32 $_tile_overlayer_lowered  }
0x9b: {  	s22 =	simm.s32 $0x1BFF;
	s21 =	sshll.u32 s5, $0x1;
	s2 =	sadd.s32 s19, s18  }
0x9c: {  	s6 =	simm.s32 $0x0;
	s20 =	sshll.u32 s4, $0x1;
	s4 =	sadd.s32 s21, s2  }
0x9d: {  	[timem:s6], [sflag:s22] =	dma.local [hbm:s4], s20  }
0x9e: {  	_ =	swait.ge [sflag:s22], s20  }
0x9f: {  	s3 =	ssub.s32 $0x0, s20;
	[sflag:s22] =	ssyncset.done $0x0  }
0xa0: {  	[sflag:s22] =	ssyncadd.s32 s3;
	_ =	sdelay $0x1  }
0xa1: {  	s23 =	simm.s32 $0x1B8B  }
0xa2: {  	_ =	swait.ge [sflag:s23], $0x1  }
0xa3: {  	[sflag:s23] =	ssyncset.done $0x0  }
0xa4: {  	s25 =	simm.s32 $0x1B8E;
	s24 =	sld [smem:$0x3FFE];
	[sflag:s23] =	ssyncadd.s32 $0xFFFFFFFF  }
0xa5: {  	s26 =	simm.s32 $execute0_lowered;
	[smem:$0x3FD2] =	sst s25  }
0xa6: {  	s4 =	sshll.u32 s26, $0x1;
	_ =	strace $0x80000046;
	[dreg:$0x1] =	wrdreg $0xFFFFFFFF  }
0xa7: {  	s28 =	simm.s32 $_size_execute0_lowered;
	s2 =	sadd.s32 s2, s4;
	[dreg:$0x0] =	wrdreg $0x0  }
0xa8: {  	s4 =	sshll.u32 s28, $0x1;
	[dreg:$0x2] =	wrdreg s2  }
0xa9: {  	[dreg:$0x3] =	wrdreg s4  }
0xaa: {  	[dreg:$0x4] =	wrdreg $0xC0  }
0xab: {  	_ =	task [dreg:s6], $0x5FFFF  }
0xac: {  	[dreg:$0x1] =	wrdreg $0xFFFFFFFF  }
0xad: {  	[dreg:$0x0] =	wrdreg $0x60  }
0xae: {  	[dreg:$0x2] =	wrdreg s24  }
0xaf: {  	[dreg:$0x3] =	wrdreg $0xA  }
0xb0: {  	_ =	task.clear_ibuf [dreg:s6], $0x4FFFF;
	_ =	strace $0x90000046  }
0xb1: {  	s29 =	simm.s32 $0xA;
	_ =	strace $0x80000048  }
0xb2: {  	_ =	swait.ge [sflag:s29], $0x1  }
0xb3: {  	[sflag:s29] =	ssyncadd.s32 $0xFFFFFFFF  }
0xb4: {  	_ =	strace $0x90000048  }
0xb5: {  	_ =	sfence  }
0xb6: {  	s30 =	sld [smem:$0x0];
	_ =	sdelay $0x2  }
0xb7: {  	s31 =	sshll.u32 s1, $0xD;
	s1 =	sshrl.u32 s1, $0x2  }
0xb8: {  	s3 =	sand.u32 $0x4000, s31;
	s1 =	sadd.s32 s1, s30  }
0xb9: {  	s0 =	sor.u32 s3, s0;
	s1 =	sshll.u32 s1, $0x11  }
0xba: {  	s0 =	sor.u32 s1, s0  }
0xbb: {  	s0 =	sadd.s32 $0x8F2B, s0  }
0xbc: {  	[sflag:s0] =	ssyncadd.remote.s32 $0x1  }
0xbd: {  	_ =	sfence.sel $0xFFFF  }
0xbe: {  	[dreg:$0x0] =	wrdreg $0xFFFFFFFF;
	(pc) =	sbr.abs _section_cstart, $3  }
0xbf: {  	[dreg:$0x1] =	wrdreg $0xFFFFFFFF  }
0xc0: {  	_ =	task.clear_ibuf [dreg:s6], $0x2FFFF;
	_ =	strace $0x9FFFFFFF  }
0xc1: {  	(tm) =	ssettm $0x7FFFFFFF  }
tec
execute0_lowered:
.L_overlay_start_1:
0x0: {  	(tag) =	ssettag $0x1  }
0x1: {  	s3 =	rddreg [dreg:$0x0]  }
0x2: {  	s0 =	rddreg [dreg:$0x1];
	s1 =	stileid.u32  }
0x3: {  	s2 =	simm.s32 $0x0;
	s4 =	srdreg.scid;
	s11 =	simm.s32 $0x80  }
0x4: {  	s12 =	simm.s32 $0x400;
	s13 =	simm.s32 $0x1;
	s14 =	simm.s32 $0x1000  }
0x5: {  	s15 =	simm.s32 $0x2000;
	s16 =	simm.s32 $0x3000;
	s17 =	simm.s32 $0x7000  }
0x6: {  	s18 =	simm.s32 $0xB000;
	s19 =	simm.s32 $0xF000;
	s20 =	simm.s32 $0x0  }
0x7: {  	s5 =	sshll.u32 s1, $0x1;
	[smem:$0x7FF] =	sst s2;
	s4 =	sand.u32 $0x1, s4  }
0x8: {  	s6 =	sshrl.u32 s1, $0x1;
	s5 =	sand.u32 $0x2, s5;
	_ =	strace $0x80000047  }
0x9: {  	s7 =	sshll.u32 s6, $0x4;
	s5 =	sor.u32 s4, s5;
	s4 =	ssub.s32 $0x2, s4  }
0xa: {  	s6 =	sshll.u32 s6, $0xD;
	s5 =	sshll.u32 s5, $0xB;
	s31 =	sshrl.u32 s4, $0x1  }
0xb: {  	s7 =	sadd.s32 s7, s3;
	s5 =	sor.u32 s6, s5;
	s10 =	ssub.s32 s4, s31  }
0xc: {  	s4 =	sadd.s32 $0x106C00, s7;
	s9 =	sadd.s32 s5, s3;
	s3 =	sadd.s32 $0x105C00, s7  }
0xd: {  	s5 =	sadd.s32 $0x107C00, s7;
	s10 =	smax.u32 s10, $0x1;
	s6 =	sadd.s32 $0x5C00, s9  }
0xe: {  	s7 =	sadd.s32 $0x25C00, s9;
	s8 =	sadd.s32 $0x35C00, s9;
	s9 =	sadd.s32 $0x45C00, s9  }
.LBB2_1:
0xf: {  	[tilespmem:s2], [sflag:$0x1] =	stream.strided.gather [hbm4b:s3+s11], $0x1000, s12, s11, $0x38;
	[tilespmem:$0x13000] =	vst v63  }
0x10: {  	_ =	swait.ge [sflag:s13], $0x1000  }
0x11: {  	[sflag:s13] =	ssyncset.done $0x0  }
0x12: {  	[sflag:s13] =	ssyncadd.s32 $0xFFFFF000  }
0x13: {  	[tilespmem:s14], [sflag:$0x1] =	stream.strided.gather [hbm4b:s4+s11], $0x1000, s12, s11, $0x38;
	[tilespmem:$0x13000] =	vst v63  }
0x14: {  	_ =	swait.ge [sflag:s13], $0x1000  }
0x15: {  	[sflag:s13] =	ssyncset.done $0x0  }
0x16: {  	[sflag:s13] =	ssyncadd.s32 $0xFFFFF000  }
0x17: {  	[tilespmem:s15], [sflag:$0x1] =	stream.strided.gather [hbm4b:s5+s11], $0x1000, s12, s11, $0x38;
	[tilespmem:$0x13000] =	vst v63  }
0x18: {  	_ =	swait.ge [sflag:s13], $0x1000  }
0x19: {  	[sflag:s13] =	ssyncset.done $0x0  }
0x1a: {  	[sflag:s13] =	ssyncadd.s32 $0xFFFFF000  }
0x1b: {  	[tilespmem:s16], [sflag:$0x1] =	stream.linear.gather [hbm4b:s6+s2], $0x4000, $0x38;
	[tilespmem:$0x13000] =	vst v63  }
0x1c: {  	_ =	swait.ge [sflag:s13], $0x4000  }
0x1d: {  	[sflag:s13] =	ssyncset.done $0x0  }
0x1e: {  	s21 =	simm.s32 $0x0;
	[sflag:s13] =	ssyncadd.s32 $0xFFFFC000  }
0x1f: {  	v1 =	vld [tilespmem:s21+$0x3000];
	_ =	sdelay $0x7  }
0x20: {  	v0 =	vld.idx.msk [tilespmem:v1+s2+$0x0], $0xffff;
	_ =	sdelay $0x4  }
0x21: {  	[tilespmem:s21+$0x7000] =	vst v0  }
0x22: {  	v0 =	vld.idx.msk [tilespmem:v1+s14+$0x0], $0xffff;
	_ =	sdelay $0x4  }
0x23: {  	[tilespmem:s21+$0xB000] =	vst v0;
	v0 =	vld [tilespmem:s21+$0x3010];
	_ =	sdelay $0x1  }
0x24: {  	v1 =	vld.idx.msk [tilespmem:v1+s15+$0x0], $0xffff;
	_ =	sdelay $0x4  }
0x25: {  	[tilespmem:s21+$0xF000] =	vst v1  }
0x26: {  	v1 =	vld.idx.msk [tilespmem:v0+s2+$0x0], $0xffff;
	_ =	sdelay $0x4  }
0x27: {  	[tilespmem:s21+$0x7010] =	vst v1  }
0x28: {  	v1 =	vld.idx.msk [tilespmem:v0+s14+$0x0], $0xffff;
	_ =	sdelay $0x3  }
0x29: {  	s23 =	simm.s32 $0x80;
	s22 =	simm.s32 $0x400  }
.LBB2_2:
0x2a: {  	p0 =	sne.s32 s22, $0xFE00;
	v2 =	vld [tilespmem:s23+$0x3000];
	[tilespmem:s21+$0xB010] =	vst v1  }
0x2b: {  	v0 =	vld.idx.msk [tilespmem:v0+s15+$0x0], $0xffff;
	_ =	sdelay $0x5  }
0x2c: {  	[tilespmem:s21+$0xF010] =	vst v0;
	s21 =	smov.u32 s23  }
0x2d: {  	v0 =	vld.idx.msk [tilespmem:v2+s2+$0x0], $0xffff;
	_ =	sdelay $0x5  }
0x2e: {  	[tilespmem:s21+$0x7000] =	vst v0  }
0x2f: {  	v0 =	vld.idx.msk [tilespmem:v2+s14+$0x0], $0xffff;
	_ =	sdelay $0x5  }
0x30: {  	[tilespmem:s21+$0xB000] =	vst v0;
	v0 =	vld [tilespmem:s21+$0x3010]  }
0x31: {  	v1 =	vld.idx.msk [tilespmem:v2+s15+$0x0], $0xffff;
	_ =	sdelay $0x5  }
0x32: {  	[tilespmem:s21+$0xF000] =	vst v1  }
0x33: {  	v1 =	vld.idx.msk [tilespmem:v0+s2+$0x0], $0xffff;
	_ =	sdelay $0x5  }
0x34: {  	[tilespmem:s21+$0x7010] =	vst v1  }
0x35: {  	v1 =	vld.idx.msk [tilespmem:v0+s14+$0x0], $0xffff  }
.Ltmp0:
0x36: {  	(pc) =	sbr.rel @p0 .LBB2_2-.Ltmp0, $2  }
0x37: {  	_ =	sdelay $0x2  }
0x38: {  	s23 =	sshra.s32 s22, $0x2;
	s22 =	sadd.s32 $0x200, s22  }
0x39: {  	_ =	sdelay $0x1  }
0x3a: {  	v2 =	vld [tilespmem:s23+$0x3000]  }
0x3b: {  	[tilespmem:s21+$0xB010] =	vst v1  }
0x3c: {  	v0 =	vld.idx.msk [tilespmem:v0+s15+$0x0], $0xffff;
	_ =	sdelay $0x4  }
0x3d: {  	[tilespmem:s21+$0xF010] =	vst v0  }
0x3e: {  	v0 =	vld.idx.msk [tilespmem:v2+s2+$0x0], $0xffff;
	_ =	sdelay $0x4  }
0x3f: {  	[tilespmem:s23+$0x7000] =	vst v0  }
0x40: {  	v0 =	vld.idx.msk [tilespmem:v2+s14+$0x0], $0xffff;
	_ =	sdelay $0x3  }
0x41: {  	v63 =	vld [tilespmem:s23+$0x3010]  }
0x42: {  	[tilespmem:s23+$0xB000] =	vst v0  }
0x43: {  	v1 =	vld.idx.msk [tilespmem:v2+s15+$0x0], $0xffff;
	_ =	sdelay $0x4  }
0x44: {  	[tilespmem:s23+$0xF000] =	vst v1  }
0x45: {  	v1 =	vld.idx.msk [tilespmem:v63+s2+$0x0], $0xffff;
	_ =	sdelay $0x4  }
0x46: {  	[tilespmem:s23+$0x7010] =	vst v1  }
0x47: {  	v1 =	vld.idx.msk [tilespmem:v63+s14+$0x0], $0xffff;
	_ =	sdelay $0x4  }
0x48: {  	[tilespmem:s23+$0xB010] =	vst v1  }
0x49: {  	v0 =	vld.idx.msk [tilespmem:v63+s15+$0x0], $0xffff;
	_ =	sdelay $0x4  }
0x4a: {  	[tilespmem:s23+$0xF010] =	vst v0  }
0x4b: {  	[hbm4b:s7+s2] =	stream.linear.scatter [tilespmem:s17], [sflag:$0x1], $0x4000, $0x38;
	[tilespmem:$0x13000] =	vst v63  }
0x4c: {  	_ =	swait.ge [sflag:s13], $0x4000  }
0x4d: {  	[sflag:s13] =	ssyncset.done $0x0  }
0x4e: {  	[sflag:s13] =	ssyncadd.s32 $0xFFFFC000  }
0x4f: {  	[hbm4b:s8+s2] =	stream.linear.scatter [tilespmem:s18], [sflag:$0x1], $0x4000, $0x38;
	[tilespmem:$0x13000] =	vst v63  }
0x50: {  	s20 =	sadd.s32 $0x1, s20;
	_ =	swait.ge [sflag:s13], $0x4000  }
0x51: {  	p0 =	sne.s32 s20, s10;
	[sflag:s13] =	ssyncset.done $0x0  }
.Ltmp1:
0x52: {  	[sflag:s13] =	ssyncadd.s32 $0xFFFFC000;
	(pc) =	sbr.rel @p0 .LBB2_1-.Ltmp1, $4  }
0x53: {  	[hbm4b:s9+s2] =	stream.linear.scatter [tilespmem:s19], [sflag:$0x1], $0x4000, $0x38;
	[tilespmem:$0x13000] =	vst v63  }
0x54: {  	_ =	swait.ge [sflag:s13], $0x4000  }
0x55: {  	[sflag:s13] =	ssyncset.done $0x0  }
0x56: {  	[sflag:s13] =	ssyncadd.s32 $0xFFFFC000  }
0x57: {  	_ =	sfence.sel $0x180000  }
0x58: {  	[bflag:$0x0] =	sbarrier.arrive $0xFFFF  }
0x59: {  	p0 =	sne.s32 s1, $0x0;
	_ =	strace $0x90000047  }
0x5a: {  	s0 =	sadd.s32 @!p0 $0x100000, s0;
	[bflag:$0x2] =	sbarrier.arrive $0xFFFF  }
0x5b: {  	[sflag:s0] =	ssyncadd.tile.s32 @!p0 $0x1;
	_ =	shalt  }
.Lfunc_end2:
_tile_overlayer_lowered:
.L_overlay_start_2:
0x5c: {  	(tag) =	ssettag $0x2  }
0x5d: {  	s0 =	rddreg [dreg:$0x0];
	s2 =	stileid.u32  }
0x5e: {  	s1 =	rddreg [dreg:$0x1];
	p0 =	sne.s32 s2, $0x0  }
0x5f: {  	s3 =	rddreg [dreg:$0x2];
	[bflag:$0x3] =	sbarrier.arrive $0xFFFF;
	s2 =	simm.s32 @!p0 $0x1C01  }
0x60: {  	[timem:s3], [sflag:s2] =	dma.local @!p0 [hbm:s0], s1  }
0x61: {  	s0 =	simm.s32 @!p0 $0x1  }
0x62: {  	_ =	swait.ge @!p0 [sflag:s0], s1  }
0x63: {  	s1 =	ssub.s32 @!p0 $0x0, s1;
	[sflag:s0] =	ssyncset.done @!p0 $0x0  }
0x64: {  	[sflag:s0] =	ssyncadd.s32 @!p0 s1  }
0x65: {  	[bflag:$0x3] =	sbarrier.arrive $0xFFFF  }
0x66: {  	_ =	shalt  }

</sc_bundles>
